<compile_context>
chip_gen: v7x
topology: tpu7x:2x2x1
jax: 0.10.2.dev20260603
libtpu: 0.0.44.dev20260713+nightly
codegen_flags: <defaults>
</compile_context>

<pallas_src>
import jax
import jax.numpy as jnp
from jax import lax
from jax.experimental import pallas as pl
from jax.experimental.pallas import tpu as pltpu
from jax.experimental.pallas import tpu_sc as plsc

N = 10000
D = 128
H = 64
E = 320000
N_PAD = 10240
ROWS_PER_TILE = 640
DUMMY = 10000
CHUNK = 128
NCHUNK = 160
E_PAD = 16 * NCHUNK * CHUNK
NBUF = 4
R_BLK = 640
GRID = N_PAD // R_BLK

_MESH = plsc.VectorSubcoreMesh(core_axis_name="c", subcore_axis_name="s")


def _mp_body(y_hbm, srcb_hbm, dstb_hbm, out_hbm, srcv, dstv, rows, acc,
             gsem0, gsem1, gsem2, gsem3, ssem0, ssem1, ssem2, ssem3):
    gsems = (gsem0, gsem1, gsem2, gsem3)
    ssems = (ssem0, ssem1, ssem2, ssem3)
    c = lax.axis_index("c")
    s = lax.axis_index("s")
    r0 = s * ROWS_PER_TILE
    yc = y_hbm.at[c]
    pltpu.sync_copy(yc.at[pl.ds(r0, ROWS_PER_TILE)],
                    acc.at[pl.ds(r0, ROWS_PER_TILE)])
    pltpu.sync_copy(srcb_hbm.at[s], srcv)
    pltpu.sync_copy(dstb_hbm.at[s], dstv)
    plsc.subcore_barrier()

    for b in range(NBUF):
        pltpu.async_copy(yc.at[srcv.at[b]], rows.at[b], gsems[b])

    @pl.loop(0, NCHUNK, step=NBUF)
    def _(j):
        for b in range(NBUF):
            pltpu.make_async_copy(yc.at[srcv.at[b]], rows.at[b],
                                  gsems[b]).wait()
            pltpu.async_copy(rows.at[b], acc.at[dstv.at[j + b]], ssems[b],
                             add=True)
        for b in range(NBUF):
            jj = j + b
            pltpu.make_async_copy(rows.at[b], acc.at[dstv.at[jj]],
                                  ssems[b]).wait()

            @pl.when(jj + NBUF < NCHUNK)
            def _():
                pltpu.async_copy(yc.at[srcv.at[jj + NBUF]], rows.at[b],
                                 gsems[b])

    plsc.subcore_barrier()
    pltpu.sync_copy(acc.at[pl.ds(r0, ROWS_PER_TILE)],
                    out_hbm.at[c].at[pl.ds(r0, ROWS_PER_TILE)])


_mp = pl.kernel(
    _mp_body,
    out_type=jax.ShapeDtypeStruct((2, N_PAD, H), jnp.float32),
    mesh=_MESH,
    compiler_params=pltpu.CompilerParams(use_tc_tiling_on_sc=False),
    scratch_types=[
        pltpu.VMEM((NCHUNK, CHUNK), jnp.int32),
        pltpu.VMEM((NCHUNK, CHUNK), jnp.int32),
        pltpu.VMEM((NBUF, CHUNK, H), jnp.float32),
        pltpu.VMEM_SHARED((N_PAD, H), jnp.float32),
        pltpu.SemaphoreType.DMA,
        pltpu.SemaphoreType.DMA,
        pltpu.SemaphoreType.DMA,
        pltpu.SemaphoreType.DMA,
        pltpu.SemaphoreType.DMA,
        pltpu.SemaphoreType.DMA,
        pltpu.SemaphoreType.DMA,
        pltpu.SemaphoreType.DMA,
    ],
)


DEG_CHUNKS = NCHUNK // 2


def _deg_body(ones_hbm, dstb_hbm, out_hbm, dstv, ones_v, acc,
              ssem0, ssem1, ssem2, ssem3):
    ssems = (ssem0, ssem1, ssem2, ssem3)
    c = lax.axis_index("c")
    s = lax.axis_index("s")
    r0 = s * ROWS_PER_TILE
    j0 = c * DEG_CHUNKS
    pltpu.sync_copy(ones_hbm.at[pl.ds(0, ROWS_PER_TILE)],
                    acc.at[pl.ds(r0, ROWS_PER_TILE)])
    pltpu.sync_copy(ones_hbm.at[pl.ds(0, CHUNK)], ones_v)
    pltpu.sync_copy(dstb_hbm.at[s], dstv)
    plsc.subcore_barrier()

    @pl.loop(j0, j0 + DEG_CHUNKS, step=4)
    def _(j):
        for b in range(4):
            pltpu.async_copy(ones_v, acc.at[dstv.at[j + b]], ssems[b],
                             add=True)
        for b in range(4):
            pltpu.make_async_copy(ones_v, acc.at[dstv.at[j + b]],
                                  ssems[b]).wait()

    plsc.subcore_barrier()
    pltpu.sync_copy(acc.at[pl.ds(r0, ROWS_PER_TILE)],
                    out_hbm.at[c].at[pl.ds(r0, ROWS_PER_TILE)])


_deg = pl.kernel(
    _deg_body,
    out_type=jax.ShapeDtypeStruct((2, N_PAD, H), jnp.float32),
    mesh=_MESH,
    compiler_params=pltpu.CompilerParams(use_tc_tiling_on_sc=False),
    scratch_types=[
        pltpu.VMEM((NCHUNK, CHUNK), jnp.int32),
        pltpu.VMEM((CHUNK, H), jnp.float32),
        pltpu.VMEM_SHARED((N_PAD, H), jnp.float32),
        pltpu.SemaphoreType.DMA,
        pltpu.SemaphoreType.DMA,
        pltpu.SemaphoreType.DMA,
        pltpu.SemaphoreType.DMA,
    ],
)


def _dinv_of(cd):
    deg = cd[0][:, 0:1] + cd[1][:, 0:1] - 1.0
    return lax.rsqrt(jnp.maximum(deg, 1.0))


def _mm1_body(x_ref, w_ref, cd_ref, y_ref):
    dinv = _dinv_of(cd_ref[...])
    res = dinv * jnp.dot(x_ref[...], w_ref[...],
                         preferred_element_type=jnp.float32,
                         precision=lax.Precision.HIGHEST)
    y_ref[0] = res[:, :H]
    y_ref[1] = res[:, H:]


def _mmh_body(s_ref, cd_ref, b_ref, w_ref, y_ref):
    dinv = _dinv_of(cd_ref[...])
    stot = jnp.concatenate([s_ref[0], s_ref[1]], axis=-1)
    h = jnp.maximum(dinv * stot + b_ref[...], 0.0)
    res = dinv * jnp.dot(h, w_ref[...],
                         preferred_element_type=jnp.float32,
                         precision=lax.Precision.HIGHEST)
    y_ref[0] = res[:, :H]
    y_ref[1] = res[:, H:]


def _fin_body(s_ref, cd_ref, b_ref, o_ref):
    dinv = _dinv_of(cd_ref[...])
    z = dinv * jnp.concatenate([s_ref[0], s_ref[1]], axis=-1) + b_ref[...]
    m = jnp.max(z, axis=1, keepdims=True)
    e = jnp.exp(z - m)
    o_ref[...] = z - (jnp.log(jnp.sum(e, axis=1, keepdims=True)) + m)


_row_spec = pl.BlockSpec((R_BLK, D), lambda i: (i, 0))
_half_spec = pl.BlockSpec((2, R_BLK, H), lambda i: (0, i, 0))
_cd_spec = pl.BlockSpec((2, R_BLK, H), lambda i: (0, i, 0))
_w_spec = pl.BlockSpec((D, D), lambda i: (0, 0))
_b_spec = pl.BlockSpec((1, D), lambda i: (0, 0))
_tc_params = pltpu.CompilerParams(
    dimension_semantics=("arbitrary",),
)

_mm1 = pl.pallas_call(
    _mm1_body,
    grid=(GRID,),
    in_specs=[_row_spec, _w_spec, _cd_spec],
    out_specs=_half_spec,
    out_shape=jax.ShapeDtypeStruct((2, N_PAD, H), jnp.float32),
    compiler_params=_tc_params,
)

_mmh = pl.pallas_call(
    _mmh_body,
    grid=(GRID,),
    in_specs=[_half_spec, _cd_spec, _b_spec, _w_spec],
    out_specs=_half_spec,
    out_shape=jax.ShapeDtypeStruct((2, N_PAD, H), jnp.float32),
    compiler_params=_tc_params,
)

_fin = pl.pallas_call(
    _fin_body,
    grid=(GRID,),
    in_specs=[_half_spec, _cd_spec, _b_spec],
    out_specs=_row_spec,
    out_shape=jax.ShapeDtypeStruct((N_PAD, D), jnp.float32),
    compiler_params=_tc_params,
)


def kernel(x, edge_index, W1, b1, Wh, bh, W2, b2):
    src = edge_index[0].astype(jnp.int32)
    dst = edge_index[1].astype(jnp.int32)
    pad_i = jnp.arange(E_PAD - E, dtype=jnp.int32)
    srcb = jnp.concatenate(
        [src, pad_i % N]).reshape(16, NCHUNK, CHUNK)
    dstb = jnp.concatenate(
        [dst, DUMMY + pad_i % (N_PAD - N)]).reshape(16, NCHUNK, CHUNK)
    xp = jnp.pad(x, ((0, N_PAD - N), (0, 0)))

    cd = _deg(jnp.ones((N_PAD, H), jnp.float32), dstb)
    y1 = _mm1(xp, W1, cd)
    s1 = _mp(y1, srcb, dstb)
    y2 = _mmh(s1, cd, b1.reshape(1, D), Wh)
    s2 = _mp(y2, srcb, dstb)
    y3 = _mmh(s2, cd, bh.reshape(1, D), W2)
    s3 = _mp(y3, srcb, dstb)
    out = _fin(s3, cd, b2.reshape(1, D))
    return out[:N]

# --- scband reference (transcript-rebuilt; emitter-appended) ---
"""Pipeline reference for scband-gcn-18004502905472 (READ-ONLY COPY).

The authoritative reference and input builder live on the scoring server;
editing this copy changes nothing except your own understanding.
"""

import jax, jax.numpy as jnp
import numpy as np

N_NODES = 10000
N_EDGES = 320000
IN_CH = 128
HID_CH = 128
OUT_CH = 128
LAYER_SIZE = 2


def gcn_conv(x, src, dst, n, W, b):
    # x: [N, d_in], src/dst include self-loops already appended by caller
    xw = x @ W
    deg = jnp.zeros((n,), dtype=x.dtype).at[dst].add(1.0)
    dinv = jax.lax.rsqrt(jnp.maximum(deg, 1.0))
    norm = dinv[src] * dinv[dst]
    msg = xw[src] * norm[:, None]
    out = jnp.zeros_like(xw).at[dst].add(msg)
    return out + b


def setup_inputs(seed: int = 0) -> dict:
    key = jax.random.key(seed)
    k_x, k_e, k1, k2, k3 = jax.random.split(key, 5)
    x = jax.random.normal(k_x, (N_NODES, IN_CH), dtype=jnp.float32)
    edge_index = jax.random.randint(k_e, (2, N_EDGES), 0, N_NODES, dtype=jnp.int64)
    s1 = 1.0 / np.sqrt(IN_CH)
    s2 = 1.0 / np.sqrt(HID_CH)
    W1 = jax.random.uniform(k1, (IN_CH, HID_CH), jnp.float32, -s1, s1)
    b1 = jnp.zeros((HID_CH,), jnp.float32)
    Wh = jax.random.uniform(k2, (HID_CH, HID_CH), jnp.float32, -s2, s2)
    bh = jnp.zeros((HID_CH,), jnp.float32)
    W2 = jax.random.uniform(k3, (HID_CH, OUT_CH), jnp.float32, -s2, s2)
    b2 = jnp.zeros((OUT_CH,), jnp.float32)
    return {"x": x, "edge_index": edge_index, "W1": W1, "b1": b1, "Wh": Wh, "bh": bh, "W2": W2, "b2": b2}


def reference(x, edge_index, W1, b1, Wh, bh, W2, b2):
    n = x.shape[0]
    loop = jnp.arange(n, dtype=edge_index.dtype)
    src = jnp.concatenate([edge_index[0], loop])
    dst = jnp.concatenate([edge_index[1], loop])
    h = gcn_conv(x, src, dst, n, W1, b1)
    h = jax.nn.relu(h)
    # dropout is identity in eval/reference mode
    for _ in range(LAYER_SIZE - 1):
        h = gcn_conv(h, src, dst, n, Wh, bh)
        h = jax.nn.relu(h)
    h = gcn_conv(h, src, dst, n, W2, b2)
    return jax.nn.log_softmax(h, axis=1)

if __name__ == "__main__":
    import jax
    _d = setup_inputs()
    print(jax.jit(kernel)(*tuple(_d.values())))

</pallas_src>

<mosaic_0001>
#map = affine_map<(d0, d1) -> (0, 0, 0)>
module attributes {stable_mosaic.version = 14 : i64} {
  func.func @_mp_body(%arg0: i32, %arg1: i32, %arg2: memref<2x10240x64xf32, #tpu.memory_space<hbm>>, %arg3: memref<16x160x128xi32, #tpu.memory_space<hbm>>, %arg4: memref<16x160x128xi32, #tpu.memory_space<hbm>>, %arg5: memref<2x10240x64xf32, #tpu.memory_space<hbm>>, %arg6: memref<160x128xi32, #tpu.memory_space<vmem>>, %arg7: memref<160x128xi32, #tpu.memory_space<vmem>>, %arg8: memref<4x128x64xf32, #tpu.memory_space<vmem>>, %arg9: memref<10240x64xf32, #tpu.memory_space<vmem_shared>>, %arg10: memref<!tpu.dma_semaphore, #tpu.memory_space<semaphore_mem>>, %arg11: memref<!tpu.dma_semaphore, #tpu.memory_space<semaphore_mem>>, %arg12: memref<!tpu.dma_semaphore, #tpu.memory_space<semaphore_mem>>, %arg13: memref<!tpu.dma_semaphore, #tpu.memory_space<semaphore_mem>>, %arg14: memref<!tpu.dma_semaphore, #tpu.memory_space<semaphore_mem>>, %arg15: memref<!tpu.dma_semaphore, #tpu.memory_space<semaphore_mem>>, %arg16: memref<!tpu.dma_semaphore, #tpu.memory_space<semaphore_mem>>, %arg17: memref<!tpu.dma_semaphore, #tpu.memory_space<semaphore_mem>>) attributes {dimension_semantics = [#tpu.dimension_semantics<core_parallel>, #tpu.dimension_semantics<subcore_parallel>], iteration_bounds = array<i64: 2, 16>, scalar_prefetch = 0 : i64, scratch_operands = 12 : i64, tpu.core_type = #tpu.core_type<sc_vector_subcore>, window_params = [{transform_indices = #map}, {transform_indices = #map}, {transform_indices = #map}, {transform_indices = #map}]} {
    %mul3A = arith.constant 640 : i32
    %mul3A_0 = arith.muli %arg1, %mul3A : i32
    "tpu.region"() ({
      %run_scoped3A = tpu.sem_alloc : memref<!tpu.dma_semaphore, #tpu.memory_space<semaphore_mem>>
      %dma_start3A_69 = arith.constant 0 : i32
      %dma_start3A_70 = tpu.memref_slice %arg9[%mul3A_0, %dma_start3A_69] : memref<10240x64xf32, #tpu.memory_space<vmem_shared>> -> memref<640x64xf32, #tpu.memory_space<vmem_shared>>
      %dma_start3A_71 = arith.constant 0 : i32
      %dma_start3A_72 = arith.constant 0 : i32
      %dma_start3A_73 = tpu.memref_slice %arg2[%arg0, %dma_start3A_71, %dma_start3A_72] : memref<2x10240x64xf32, #tpu.memory_space<hbm>> -> memref<1x10240x64xf32, #tpu.memory_space<hbm>>
      %dma_start3A_74 = tpu.memref_squeeze %dma_start3A_73 : memref<1x10240x64xf32, #tpu.memory_space<hbm>> -> memref<10240x64xf32, #tpu.memory_space<hbm>>
      %dma_start3A_75 = arith.constant 0 : i32
      %dma_start3A_76 = tpu.memref_slice %dma_start3A_74[%mul3A_0, %dma_start3A_75] : memref<10240x64xf32, #tpu.memory_space<hbm>> -> memref<640x64xf32, #tpu.memory_space<hbm>>
      tpu.enqueue_dma source(%dma_start3A_76 : memref<640x64xf32, #tpu.memory_space<hbm>>) target(%dma_start3A_70 : memref<640x64xf32, #tpu.memory_space<vmem_shared>>) target_semaphore(%run_scoped3A : memref<!tpu.dma_semaphore, #tpu.memory_space<semaphore_mem>>)
      %dma_wait3A = arith.constant 0 : i32
      %dma_wait3A_77 = tpu.memref_slice %arg9[%mul3A_0, %dma_wait3A] : memref<10240x64xf32, #tpu.memory_space<vmem_shared>> -> memref<640x64xf32, #tpu.memory_space<vmem_shared>>
      %dma_wait3A_78 = arith.constant 0 : i32
      %dma_wait3A_79 = arith.constant 0 : i32
      %dma_wait3A_80 = tpu.memref_slice %arg2[%arg0, %dma_wait3A_78, %dma_wait3A_79] : memref<2x10240x64xf32, #tpu.memory_space<hbm>> -> memref<1x10240x64xf32, #tpu.memory_space<hbm>>
      %dma_wait3A_81 = tpu.memref_squeeze %dma_wait3A_80 : memref<1x10240x64xf32, #tpu.memory_space<hbm>> -> memref<10240x64xf32, #tpu.memory_space<hbm>>
      %dma_wait3A_82 = arith.constant 0 : i32
      %dma_wait3A_83 = tpu.memref_slice %dma_wait3A_81[%mul3A_0, %dma_wait3A_82] : memref<10240x64xf32, #tpu.memory_space<hbm>> -> memref<640x64xf32, #tpu.memory_space<hbm>>
      tpu.wait_dma2 semaphore(%run_scoped3A : memref<!tpu.dma_semaphore, #tpu.memory_space<semaphore_mem>>) src(%dma_wait3A_83 : memref<640x64xf32, #tpu.memory_space<hbm>>) dst(%dma_wait3A_77 : memref<640x64xf32, #tpu.memory_space<vmem_shared>>)
      tpu.yield
    }) : () -> ()
    "tpu.region"() ({
      %run_scoped3A = tpu.sem_alloc : memref<!tpu.dma_semaphore, #tpu.memory_space<semaphore_mem>>
      %dma_start3A_69 = arith.constant 0 : i32
      %dma_start3A_70 = arith.constant 0 : i32
      %dma_start3A_71 = tpu.memref_slice %arg3[%arg1, %dma_start3A_69, %dma_start3A_70] : memref<16x160x128xi32, #tpu.memory_space<hbm>> -> memref<1x160x128xi32, #tpu.memory_space<hbm>>
      %dma_start3A_72 = tpu.memref_squeeze %dma_start3A_71 : memref<1x160x128xi32, #tpu.memory_space<hbm>> -> memref<160x128xi32, #tpu.memory_space<hbm>>
      %dma_start3A_73 = arith.constant 0 : i32
      %dma_start3A_74 = arith.constant 0 : i32
      %dma_start3A_75 = tpu.memref_slice %arg3[%arg1, %dma_start3A_73, %dma_start3A_74] : memref<16x160x128xi32, #tpu.memory_space<hbm>> -> memref<1x160x128xi32, #tpu.memory_space<hbm>>
      %dma_start3A_76 = tpu.memref_squeeze %dma_start3A_75 : memref<1x160x128xi32, #tpu.memory_space<hbm>> -> memref<160x128xi32, #tpu.memory_space<hbm>>
      tpu.enqueue_dma source(%dma_start3A_76 : memref<160x128xi32, #tpu.memory_space<hbm>>) target(%arg6 : memref<160x128xi32, #tpu.memory_space<vmem>>) target_semaphore(%run_scoped3A : memref<!tpu.dma_semaphore, #tpu.memory_space<semaphore_mem>>)
      %dma_wait3A = arith.constant 0 : i32
      %dma_wait3A_77 = arith.constant 0 : i32
      %dma_wait3A_78 = tpu.memref_slice %arg3[%arg1, %dma_wait3A, %dma_wait3A_77] : memref<16x160x128xi32, #tpu.memory_space<hbm>> -> memref<1x160x128xi32, #tpu.memory_space<hbm>>
      %dma_wait3A_79 = tpu.memref_squeeze %dma_wait3A_78 : memref<1x160x128xi32, #tpu.memory_space<hbm>> -> memref<160x128xi32, #tpu.memory_space<hbm>>
      %dma_wait3A_80 = arith.constant 0 : i32
      %dma_wait3A_81 = arith.constant 0 : i32
      %dma_wait3A_82 = tpu.memref_slice %arg3[%arg1, %dma_wait3A_80, %dma_wait3A_81] : memref<16x160x128xi32, #tpu.memory_space<hbm>> -> memref<1x160x128xi32, #tpu.memory_space<hbm>>
      %dma_wait3A_83 = tpu.memref_squeeze %dma_wait3A_82 : memref<1x160x128xi32, #tpu.memory_space<hbm>> -> memref<160x128xi32, #tpu.memory_space<hbm>>
      tpu.wait_dma2 semaphore(%run_scoped3A : memref<!tpu.dma_semaphore, #tpu.memory_space<semaphore_mem>>) src(%dma_wait3A_83 : memref<160x128xi32, #tpu.memory_space<hbm>>) dst(%arg6 : memref<160x128xi32, #tpu.memory_space<vmem>>)
      tpu.yield
    }) : () -> ()
    "tpu.region"() ({
      %run_scoped3A = tpu.sem_alloc : memref<!tpu.dma_semaphore, #tpu.memory_space<semaphore_mem>>
      %dma_start3A_69 = arith.constant 0 : i32
      %dma_start3A_70 = arith.constant 0 : i32
      %dma_start3A_71 = tpu.memref_slice %arg4[%arg1, %dma_start3A_69, %dma_start3A_70] : memref<16x160x128xi32, #tpu.memory_space<hbm>> -> memref<1x160x128xi32, #tpu.memory_space<hbm>>
      %dma_start3A_72 = tpu.memref_squeeze %dma_start3A_71 : memref<1x160x128xi32, #tpu.memory_space<hbm>> -> memref<160x128xi32, #tpu.memory_space<hbm>>
      %dma_start3A_73 = arith.constant 0 : i32
      %dma_start3A_74 = arith.constant 0 : i32
      %dma_start3A_75 = tpu.memref_slice %arg4[%arg1, %dma_start3A_73, %dma_start3A_74] : memref<16x160x128xi32, #tpu.memory_space<hbm>> -> memref<1x160x128xi32, #tpu.memory_space<hbm>>
      %dma_start3A_76 = tpu.memref_squeeze %dma_start3A_75 : memref<1x160x128xi32, #tpu.memory_space<hbm>> -> memref<160x128xi32, #tpu.memory_space<hbm>>
      tpu.enqueue_dma source(%dma_start3A_76 : memref<160x128xi32, #tpu.memory_space<hbm>>) target(%arg7 : memref<160x128xi32, #tpu.memory_space<vmem>>) target_semaphore(%run_scoped3A : memref<!tpu.dma_semaphore, #tpu.memory_space<semaphore_mem>>)
      %dma_wait3A = arith.constant 0 : i32
      %dma_wait3A_77 = arith.constant 0 : i32
      %dma_wait3A_78 = tpu.memref_slice %arg4[%arg1, %dma_wait3A, %dma_wait3A_77] : memref<16x160x128xi32, #tpu.memory_space<hbm>> -> memref<1x160x128xi32, #tpu.memory_space<hbm>>
      %dma_wait3A_79 = tpu.memref_squeeze %dma_wait3A_78 : memref<1x160x128xi32, #tpu.memory_space<hbm>> -> memref<160x128xi32, #tpu.memory_space<hbm>>
      %dma_wait3A_80 = arith.constant 0 : i32
      %dma_wait3A_81 = arith.constant 0 : i32
      %dma_wait3A_82 = tpu.memref_slice %arg4[%arg1, %dma_wait3A_80, %dma_wait3A_81] : memref<16x160x128xi32, #tpu.memory_space<hbm>> -> memref<1x160x128xi32, #tpu.memory_space<hbm>>
      %dma_wait3A_83 = tpu.memref_squeeze %dma_wait3A_82 : memref<1x160x128xi32, #tpu.memory_space<hbm>> -> memref<160x128xi32, #tpu.memory_space<hbm>>
      tpu.wait_dma2 semaphore(%run_scoped3A : memref<!tpu.dma_semaphore, #tpu.memory_space<semaphore_mem>>) src(%dma_wait3A_83 : memref<160x128xi32, #tpu.memory_space<hbm>>) dst(%arg7 : memref<160x128xi32, #tpu.memory_space<vmem>>)
      tpu.yield
    }) : () -> ()
    %barrier3A = arith.constant 0 : index
    tpu.barrier barrier_id(%barrier3A)
    %dma_start3A = arith.constant 0 : i32
    %dma_start3A_1 = arith.constant 0 : i32
    %dma_start3A_2 = arith.constant 0 : i32
    %dma_start3A_3 = arith.constant 0 : i32
    %dma_start3A_4 = tpu.memref_slice %arg8[%dma_start3A_1, %dma_start3A_2, %dma_start3A_3] : memref<4x128x64xf32, #tpu.memory_space<vmem>> -> memref<1x128x64xf32, #tpu.memory_space<vmem>>
    %dma_start3A_5 = tpu.memref_squeeze %dma_start3A_4 : memref<1x128x64xf32, #tpu.memory_space<vmem>> -> memref<128x64xf32, #tpu.memory_space<vmem>>
    %dma_start3A_6 = arith.constant 0 : i32
    %dma_start3A_7 = tpu.memref_slice %arg6[%dma_start3A, %dma_start3A_6] : memref<160x128xi32, #tpu.memory_space<vmem>> -> memref<1x128xi32, #tpu.memory_space<vmem>>
    %dma_start3A_8 = tpu.memref_squeeze %dma_start3A_7 : memref<1x128xi32, #tpu.memory_space<vmem>> -> memref<128xi32, #tpu.memory_space<vmem>>
    %dma_start3A_9 = arith.constant 0 : i32
    %dma_start3A_10 = arith.constant 0 : i32
    %dma_start3A_11 = tpu.memref_slice %arg2[%arg0, %dma_start3A_9, %dma_start3A_10] : memref<2x10240x64xf32, #tpu.memory_space<hbm>> -> memref<1x10240x64xf32, #tpu.memory_space<hbm>>
    %dma_start3A_12 = tpu.memref_squeeze %dma_start3A_11 : memref<1x10240x64xf32, #tpu.memory_space<hbm>> -> memref<10240x64xf32, #tpu.memory_space<hbm>>
    %dma_start3A_13 = arith.constant 0 : i32
    %dma_start3A_14 = arith.constant 0 : i32
    %dma_start3A_15 = tpu.memref_slice %dma_start3A_12[%dma_start3A_13, %dma_start3A_14] : memref<10240x64xf32, #tpu.memory_space<hbm>> -> memref<10240x64xf32, #tpu.memory_space<hbm>>
    tpu.enqueue_indirect_dma source(%dma_start3A_15 : memref<10240x64xf32, #tpu.memory_space<hbm>>) target(%dma_start3A_5 : memref<128x64xf32, #tpu.memory_space<vmem>>) offsets(%dma_start3A_8 : memref<128xi32, #tpu.memory_space<vmem>>) semaphore(%arg10 : memref<!tpu.dma_semaphore, #tpu.memory_space<semaphore_mem>>)
    %dma_start3A_16 = arith.constant 1 : i32
    %dma_start3A_17 = arith.constant 1 : i32
    %dma_start3A_18 = arith.constant 0 : i32
    %dma_start3A_19 = arith.constant 0 : i32
    %dma_start3A_20 = tpu.memref_slice %arg8[%dma_start3A_17, %dma_start3A_18, %dma_start3A_19] : memref<4x128x64xf32, #tpu.memory_space<vmem>> -> memref<1x128x64xf32, #tpu.memory_space<vmem>>
    %dma_start3A_21 = tpu.memref_squeeze %dma_start3A_20 : memref<1x128x64xf32, #tpu.memory_space<vmem>> -> memref<128x64xf32, #tpu.memory_space<vmem>>
    %dma_start3A_22 = arith.constant 0 : i32
    %dma_start3A_23 = tpu.memref_slice %arg6[%dma_start3A_16, %dma_start3A_22] : memref<160x128xi32, #tpu.memory_space<vmem>> -> memref<1x128xi32, #tpu.memory_space<vmem>>
    %dma_start3A_24 = tpu.memref_squeeze %dma_start3A_23 : memref<1x128xi32, #tpu.memory_space<vmem>> -> memref<128xi32, #tpu.memory_space<vmem>>
    %dma_start3A_25 = arith.constant 0 : i32
    %dma_start3A_26 = arith.constant 0 : i32
    %dma_start3A_27 = tpu.memref_slice %arg2[%arg0, %dma_start3A_25, %dma_start3A_26] : memref<2x10240x64xf32, #tpu.memory_space<hbm>> -> memref<1x10240x64xf32, #tpu.memory_space<hbm>>
    %dma_start3A_28 = tpu.memref_squeeze %dma_start3A_27 : memref<1x10240x64xf32, #tpu.memory_space<hbm>> -> memref<10240x64xf32, #tpu.memory_space<hbm>>
    %dma_start3A_29 = arith.constant 0 : i32
    %dma_start3A_30 = arith.constant 0 : i32
    %dma_start3A_31 = tpu.memref_slice %dma_start3A_28[%dma_start3A_29, %dma_start3A_30] : memref<10240x64xf32, #tpu.memory_space<hbm>> -> memref<10240x64xf32, #tpu.memory_space<hbm>>
    tpu.enqueue_indirect_dma source(%dma_start3A_31 : memref<10240x64xf32, #tpu.memory_space<hbm>>) target(%dma_start3A_21 : memref<128x64xf32, #tpu.memory_space<vmem>>) offsets(%dma_start3A_24 : memref<128xi32, #tpu.memory_space<vmem>>) semaphore(%arg11 : memref<!tpu.dma_semaphore, #tpu.memory_space<semaphore_mem>>)
    %dma_start3A_32 = arith.constant 2 : i32
    %dma_start3A_33 = arith.constant 2 : i32
    %dma_start3A_34 = arith.constant 0 : i32
    %dma_start3A_35 = arith.constant 0 : i32
    %dma_start3A_36 = tpu.memref_slice %arg8[%dma_start3A_33, %dma_start3A_34, %dma_start3A_35] : memref<4x128x64xf32, #tpu.memory_space<vmem>> -> memref<1x128x64xf32, #tpu.memory_space<vmem>>
    %dma_start3A_37 = tpu.memref_squeeze %dma_start3A_36 : memref<1x128x64xf32, #tpu.memory_space<vmem>> -> memref<128x64xf32, #tpu.memory_space<vmem>>
    %dma_start3A_38 = arith.constant 0 : i32
    %dma_start3A_39 = tpu.memref_slice %arg6[%dma_start3A_32, %dma_start3A_38] : memref<160x128xi32, #tpu.memory_space<vmem>> -> memref<1x128xi32, #tpu.memory_space<vmem>>
    %dma_start3A_40 = tpu.memref_squeeze %dma_start3A_39 : memref<1x128xi32, #tpu.memory_space<vmem>> -> memref<128xi32, #tpu.memory_space<vmem>>
    %dma_start3A_41 = arith.constant 0 : i32
    %dma_start3A_42 = arith.constant 0 : i32
    %dma_start3A_43 = tpu.memref_slice %arg2[%arg0, %dma_start3A_41, %dma_start3A_42] : memref<2x10240x64xf32, #tpu.memory_space<hbm>> -> memref<1x10240x64xf32, #tpu.memory_space<hbm>>
    %dma_start3A_44 = tpu.memref_squeeze %dma_start3A_43 : memref<1x10240x64xf32, #tpu.memory_space<hbm>> -> memref<10240x64xf32, #tpu.memory_space<hbm>>
    %dma_start3A_45 = arith.constant 0 : i32
    %dma_start3A_46 = arith.constant 0 : i32
    %dma_start3A_47 = tpu.memref_slice %dma_start3A_44[%dma_start3A_45, %dma_start3A_46] : memref<10240x64xf32, #tpu.memory_space<hbm>> -> memref<10240x64xf32, #tpu.memory_space<hbm>>
    tpu.enqueue_indirect_dma source(%dma_start3A_47 : memref<10240x64xf32, #tpu.memory_space<hbm>>) target(%dma_start3A_37 : memref<128x64xf32, #tpu.memory_space<vmem>>) offsets(%dma_start3A_40 : memref<128xi32, #tpu.memory_space<vmem>>) semaphore(%arg12 : memref<!tpu.dma_semaphore, #tpu.memory_space<semaphore_mem>>)
    %dma_start3A_48 = arith.constant 3 : i32
    %dma_start3A_49 = arith.constant 3 : i32
    %dma_start3A_50 = arith.constant 0 : i32
    %dma_start3A_51 = arith.constant 0 : i32
    %dma_start3A_52 = tpu.memref_slice %arg8[%dma_start3A_49, %dma_start3A_50, %dma_start3A_51] : memref<4x128x64xf32, #tpu.memory_space<vmem>> -> memref<1x128x64xf32, #tpu.memory_space<vmem>>
    %dma_start3A_53 = tpu.memref_squeeze %dma_start3A_52 : memref<1x128x64xf32, #tpu.memory_space<vmem>> -> memref<128x64xf32, #tpu.memory_space<vmem>>
    %dma_start3A_54 = arith.constant 0 : i32
    %dma_start3A_55 = tpu.memref_slice %arg6[%dma_start3A_48, %dma_start3A_54] : memref<160x128xi32, #tpu.memory_space<vmem>> -> memref<1x128xi32, #tpu.memory_space<vmem>>
    %dma_start3A_56 = tpu.memref_squeeze %dma_start3A_55 : memref<1x128xi32, #tpu.memory_space<vmem>> -> memref<128xi32, #tpu.memory_space<vmem>>
    %dma_start3A_57 = arith.constant 0 : i32
    %dma_start3A_58 = arith.constant 0 : i32
    %dma_start3A_59 = tpu.memref_slice %arg2[%arg0, %dma_start3A_57, %dma_start3A_58] : memref<2x10240x64xf32, #tpu.memory_space<hbm>> -> memref<1x10240x64xf32, #tpu.memory_space<hbm>>
    %dma_start3A_60 = tpu.memref_squeeze %dma_start3A_59 : memref<1x10240x64xf32, #tpu.memory_space<hbm>> -> memref<10240x64xf32, #tpu.memory_space<hbm>>
    %dma_start3A_61 = arith.constant 0 : i32
    %dma_start3A_62 = arith.constant 0 : i32
    %dma_start3A_63 = tpu.memref_slice %dma_start3A_60[%dma_start3A_61, %dma_start3A_62] : memref<10240x64xf32, #tpu.memory_space<hbm>> -> memref<10240x64xf32, #tpu.memory_space<hbm>>
    tpu.enqueue_indirect_dma source(%dma_start3A_63 : memref<10240x64xf32, #tpu.memory_space<hbm>>) target(%dma_start3A_53 : memref<128x64xf32, #tpu.memory_space<vmem>>) offsets(%dma_start3A_56 : memref<128xi32, #tpu.memory_space<vmem>>) semaphore(%arg13 : memref<!tpu.dma_semaphore, #tpu.memory_space<semaphore_mem>>)
    %scan3A = arith.constant 0 : i32
    %scan3A_64 = arith.constant 40 : i32
    %scan3A_65 = arith.addi %scan3A, %scan3A_64 : i32
    %scan3A_66 = arith.constant 1 : i32
    scf.for %scan3A_69 = %scan3A to %scan3A_65 step %scan3A_66  : i32 {
      %mul3A_70 = arith.constant 4 : i32
      %mul3A_71 = arith.muli %scan3A_69, %mul3A_70 : i32
      %add3A = arith.constant 0 : i32
      %add3A_72 = arith.addi %add3A, %mul3A_71 : i32
      %dma_wait3A = arith.constant 0 : i32
      %dma_wait3A_73 = arith.constant 0 : i32
      %dma_wait3A_74 = arith.constant 0 : i32
      %dma_wait3A_75 = arith.constant 0 : i32
      %dma_wait3A_76 = tpu.memref_slice %arg8[%dma_wait3A_73, %dma_wait3A_74, %dma_wait3A_75] : memref<4x128x64xf32, #tpu.memory_space<vmem>> -> memref<1x128x64xf32, #tpu.memory_space<vmem>>
      %dma_wait3A_77 = tpu.memref_squeeze %dma_wait3A_76 : memref<1x128x64xf32, #tpu.memory_space<vmem>> -> memref<128x64xf32, #tpu.memory_space<vmem>>
      %dma_wait3A_78 = arith.constant 0 : i32
      %dma_wait3A_79 = tpu.memref_slice %arg6[%dma_wait3A, %dma_wait3A_78] : memref<160x128xi32, #tpu.memory_space<vmem>> -> memref<1x128xi32, #tpu.memory_space<vmem>>
      %dma_wait3A_80 = tpu.memref_squeeze %dma_wait3A_79 : memref<1x128xi32, #tpu.memory_space<vmem>> -> memref<128xi32, #tpu.memory_space<vmem>>
      %dma_wait3A_81 = arith.constant 0 : i32
      %dma_wait3A_82 = arith.constant 0 : i32
      %dma_wait3A_83 = tpu.memref_slice %arg2[%arg0, %dma_wait3A_81, %dma_wait3A_82] : memref<2x10240x64xf32, #tpu.memory_space<hbm>> -> memref<1x10240x64xf32, #tpu.memory_space<hbm>>
      %dma_wait3A_84 = tpu.memref_squeeze %dma_wait3A_83 : memref<1x10240x64xf32, #tpu.memory_space<hbm>> -> memref<10240x64xf32, #tpu.memory_space<hbm>>
      %dma_wait3A_85 = arith.constant 0 : i32
      %dma_wait3A_86 = arith.constant 0 : i32
      %dma_wait3A_87 = tpu.memref_slice %dma_wait3A_84[%dma_wait3A_85, %dma_wait3A_86] : memref<10240x64xf32, #tpu.memory_space<hbm>> -> memref<10240x64xf32, #tpu.memory_space<hbm>>
      tpu.wait_indirect_dma semaphore(%arg10 : memref<!tpu.dma_semaphore, #tpu.memory_space<semaphore_mem>>) src(%dma_wait3A_87 : memref<10240x64xf32, #tpu.memory_space<hbm>>) dst(%dma_wait3A_77 : memref<128x64xf32, #tpu.memory_space<vmem>>)
      %add3A_88 = arith.constant 0 : i32
      %add3A_89 = arith.addi %add3A_72, %add3A_88 : i32
      %dma_start3A_90 = arith.constant 0 : i32
      %dma_start3A_91 = arith.constant 0 : i32
      %dma_start3A_92 = arith.constant 0 : i32
      %dma_start3A_93 = tpu.memref_slice %arg8[%dma_start3A_90, %dma_start3A_91, %dma_start3A_92] : memref<4x128x64xf32, #tpu.memory_space<vmem>> -> memref<1x128x64xf32, #tpu.memory_space<vmem>>
      %dma_start3A_94 = tpu.memref_squeeze %dma_start3A_93 : memref<1x128x64xf32, #tpu.memory_space<vmem>> -> memref<128x64xf32, #tpu.memory_space<vmem>>
      %dma_start3A_95 = arith.constant 0 : i32
      %dma_start3A_96 = tpu.memref_slice %arg7[%add3A_89, %dma_start3A_95] : memref<160x128xi32, #tpu.memory_space<vmem>> -> memref<1x128xi32, #tpu.memory_space<vmem>>
      %dma_start3A_97 = tpu.memref_squeeze %dma_start3A_96 : memref<1x128xi32, #tpu.memory_space<vmem>> -> memref<128xi32, #tpu.memory_space<vmem>>
      %dma_start3A_98 = arith.constant 0 : i32
      %dma_start3A_99 = arith.constant 0 : i32
      %dma_start3A_100 = tpu.memref_slice %arg9[%dma_start3A_98, %dma_start3A_99] : memref<10240x64xf32, #tpu.memory_space<vmem_shared>> -> memref<10240x64xf32, #tpu.memory_space<vmem_shared>>
      tpu.enqueue_indirect_dma source(%dma_start3A_94 : memref<128x64xf32, #tpu.memory_space<vmem>>) target(%dma_start3A_100 : memref<10240x64xf32, #tpu.memory_space<vmem_shared>>) offsets(%dma_start3A_97 : memref<128xi32, #tpu.memory_space<vmem>>) semaphore(%arg14 : memref<!tpu.dma_semaphore, #tpu.memory_space<semaphore_mem>>) {add = true}
      %dma_wait3A_101 = arith.constant 1 : i32
      %dma_wait3A_102 = arith.constant 1 : i32
      %dma_wait3A_103 = arith.constant 0 : i32
      %dma_wait3A_104 = arith.constant 0 : i32
      %dma_wait3A_105 = tpu.memref_slice %arg8[%dma_wait3A_102, %dma_wait3A_103, %dma_wait3A_104] : memref<4x128x64xf32, #tpu.memory_space<vmem>> -> memref<1x128x64xf32, #tpu.memory_space<vmem>>
      %dma_wait3A_106 = tpu.memref_squeeze %dma_wait3A_105 : memref<1x128x64xf32, #tpu.memory_space<vmem>> -> memref<128x64xf32, #tpu.memory_space<vmem>>
      %dma_wait3A_107 = arith.constant 0 : i32
      %dma_wait3A_108 = tpu.memref_slice %arg6[%dma_wait3A_101, %dma_wait3A_107] : memref<160x128xi32, #tpu.memory_space<vmem>> -> memref<1x128xi32, #tpu.memory_space<vmem>>
      %dma_wait3A_109 = tpu.memref_squeeze %dma_wait3A_108 : memref<1x128xi32, #tpu.memory_space<vmem>> -> memref<128xi32, #tpu.memory_space<vmem>>
      %dma_wait3A_110 = arith.constant 0 : i32
      %dma_wait3A_111 = arith.constant 0 : i32
      %dma_wait3A_112 = tpu.memref_slice %arg2[%arg0, %dma_wait3A_110, %dma_wait3A_111] : memref<2x10240x64xf32, #tpu.memory_space<hbm>> -> memref<1x10240x64xf32, #tpu.memory_space<hbm>>
      %dma_wait3A_113 = tpu.memref_squeeze %dma_wait3A_112 : memref<1x10240x64xf32, #tpu.memory_space<hbm>> -> memref<10240x64xf32, #tpu.memory_space<hbm>>
      %dma_wait3A_114 = arith.constant 0 : i32
      %dma_wait3A_115 = arith.constant 0 : i32
      %dma_wait3A_116 = tpu.memref_slice %dma_wait3A_113[%dma_wait3A_114, %dma_wait3A_115] : memref<10240x64xf32, #tpu.memory_space<hbm>> -> memref<10240x64xf32, #tpu.memory_space<hbm>>
      tpu.wait_indirect_dma semaphore(%arg11 : memref<!tpu.dma_semaphore, #tpu.memory_space<semaphore_mem>>) src(%dma_wait3A_116 : memref<10240x64xf32, #tpu.memory_space<hbm>>) dst(%dma_wait3A_106 : memref<128x64xf32, #tpu.memory_space<vmem>>)
      %add3A_117 = arith.constant 1 : i32
      %add3A_118 = arith.addi %add3A_72, %add3A_117 : i32
      %dma_start3A_119 = arith.constant 1 : i32
      %dma_start3A_120 = arith.constant 0 : i32
      %dma_start3A_121 = arith.constant 0 : i32
      %dma_start3A_122 = tpu.memref_slice %arg8[%dma_start3A_119, %dma_start3A_120, %dma_start3A_121] : memref<4x128x64xf32, #tpu.memory_space<vmem>> -> memref<1x128x64xf32, #tpu.memory_space<vmem>>
      %dma_start3A_123 = tpu.memref_squeeze %dma_start3A_122 : memref<1x128x64xf32, #tpu.memory_space<vmem>> -> memref<128x64xf32, #tpu.memory_space<vmem>>
      %dma_start3A_124 = arith.constant 0 : i32
      %dma_start3A_125 = tpu.memref_slice %arg7[%add3A_118, %dma_start3A_124] : memref<160x128xi32, #tpu.memory_space<vmem>> -> memref<1x128xi32, #tpu.memory_space<vmem>>
      %dma_start3A_126 = tpu.memref_squeeze %dma_start3A_125 : memref<1x128xi32, #tpu.memory_space<vmem>> -> memref<128xi32, #tpu.memory_space<vmem>>
      %dma_start3A_127 = arith.constant 0 : i32
      %dma_start3A_128 = arith.constant 0 : i32
      %dma_start3A_129 = tpu.memref_slice %arg9[%dma_start3A_127, %dma_start3A_128] : memref<10240x64xf32, #tpu.memory_space<vmem_shared>> -> memref<10240x64xf32, #tpu.memory_space<vmem_shared>>
      tpu.enqueue_indirect_dma source(%dma_start3A_123 : memref<128x64xf32, #tpu.memory_space<vmem>>) target(%dma_start3A_129 : memref<10240x64xf32, #tpu.memory_space<vmem_shared>>) offsets(%dma_start3A_126 : memref<128xi32, #tpu.memory_space<vmem>>) semaphore(%arg15 : memref<!tpu.dma_semaphore, #tpu.memory_space<semaphore_mem>>) {add = true}
      %dma_wait3A_130 = arith.constant 2 : i32
      %dma_wait3A_131 = arith.constant 2 : i32
      %dma_wait3A_132 = arith.constant 0 : i32
      %dma_wait3A_133 = arith.constant 0 : i32
      %dma_wait3A_134 = tpu.memref_slice %arg8[%dma_wait3A_131, %dma_wait3A_132, %dma_wait3A_133] : memref<4x128x64xf32, #tpu.memory_space<vmem>> -> memref<1x128x64xf32, #tpu.memory_space<vmem>>
      %dma_wait3A_135 = tpu.memref_squeeze %dma_wait3A_134 : memref<1x128x64xf32, #tpu.memory_space<vmem>> -> memref<128x64xf32, #tpu.memory_space<vmem>>
      %dma_wait3A_136 = arith.constant 0 : i32
      %dma_wait3A_137 = tpu.memref_slice %arg6[%dma_wait3A_130, %dma_wait3A_136] : memref<160x128xi32, #tpu.memory_space<vmem>> -> memref<1x128xi32, #tpu.memory_space<vmem>>
      %dma_wait3A_138 = tpu.memref_squeeze %dma_wait3A_137 : memref<1x128xi32, #tpu.memory_space<vmem>> -> memref<128xi32, #tpu.memory_space<vmem>>
      %dma_wait3A_139 = arith.constant 0 : i32
      %dma_wait3A_140 = arith.constant 0 : i32
      %dma_wait3A_141 = tpu.memref_slice %arg2[%arg0, %dma_wait3A_139, %dma_wait3A_140] : memref<2x10240x64xf32, #tpu.memory_space<hbm>> -> memref<1x10240x64xf32, #tpu.memory_space<hbm>>
      %dma_wait3A_142 = tpu.memref_squeeze %dma_wait3A_141 : memref<1x10240x64xf32, #tpu.memory_space<hbm>> -> memref<10240x64xf32, #tpu.memory_space<hbm>>
      %dma_wait3A_143 = arith.constant 0 : i32
      %dma_wait3A_144 = arith.constant 0 : i32
      %dma_wait3A_145 = tpu.memref_slice %dma_wait3A_142[%dma_wait3A_143, %dma_wait3A_144] : memref<10240x64xf32, #tpu.memory_space<hbm>> -> memref<10240x64xf32, #tpu.memory_space<hbm>>
      tpu.wait_indirect_dma semaphore(%arg12 : memref<!tpu.dma_semaphore, #tpu.memory_space<semaphore_mem>>) src(%dma_wait3A_145 : memref<10240x64xf32, #tpu.memory_space<hbm>>) dst(%dma_wait3A_135 : memref<128x64xf32, #tpu.memory_space<vmem>>)
      %add3A_146 = arith.constant 2 : i32
      %add3A_147 = arith.addi %add3A_72, %add3A_146 : i32
      %dma_start3A_148 = arith.constant 2 : i32
      %dma_start3A_149 = arith.constant 0 : i32
      %dma_start3A_150 = arith.constant 0 : i32
      %dma_start3A_151 = tpu.memref_slice %arg8[%dma_start3A_148, %dma_start3A_149, %dma_start3A_150] : memref<4x128x64xf32, #tpu.memory_space<vmem>> -> memref<1x128x64xf32, #tpu.memory_space<vmem>>
      %dma_start3A_152 = tpu.memref_squeeze %dma_start3A_151 : memref<1x128x64xf32, #tpu.memory_space<vmem>> -> memref<128x64xf32, #tpu.memory_space<vmem>>
      %dma_start3A_153 = arith.constant 0 : i32
      %dma_start3A_154 = tpu.memref_slice %arg7[%add3A_147, %dma_start3A_153] : memref<160x128xi32, #tpu.memory_space<vmem>> -> memref<1x128xi32, #tpu.memory_space<vmem>>
      %dma_start3A_155 = tpu.memref_squeeze %dma_start3A_154 : memref<1x128xi32, #tpu.memory_space<vmem>> -> memref<128xi32, #tpu.memory_space<vmem>>
      %dma_start3A_156 = arith.constant 0 : i32
      %dma_start3A_157 = arith.constant 0 : i32
      %dma_start3A_158 = tpu.memref_slice %arg9[%dma_start3A_156, %dma_start3A_157] : memref<10240x64xf32, #tpu.memory_space<vmem_shared>> -> memref<10240x64xf32, #tpu.memory_space<vmem_shared>>
      tpu.enqueue_indirect_dma source(%dma_start3A_152 : memref<128x64xf32, #tpu.memory_space<vmem>>) target(%dma_start3A_158 : memref<10240x64xf32, #tpu.memory_space<vmem_shared>>) offsets(%dma_start3A_155 : memref<128xi32, #tpu.memory_space<vmem>>) semaphore(%arg16 : memref<!tpu.dma_semaphore, #tpu.memory_space<semaphore_mem>>) {add = true}
      %dma_wait3A_159 = arith.constant 3 : i32
      %dma_wait3A_160 = arith.constant 3 : i32
      %dma_wait3A_161 = arith.constant 0 : i32
      %dma_wait3A_162 = arith.constant 0 : i32
      %dma_wait3A_163 = tpu.memref_slice %arg8[%dma_wait3A_160, %dma_wait3A_161, %dma_wait3A_162] : memref<4x128x64xf32, #tpu.memory_space<vmem>> -> memref<1x128x64xf32, #tpu.memory_space<vmem>>
      %dma_wait3A_164 = tpu.memref_squeeze %dma_wait3A_163 : memref<1x128x64xf32, #tpu.memory_space<vmem>> -> memref<128x64xf32, #tpu.memory_space<vmem>>
      %dma_wait3A_165 = arith.constant 0 : i32
      %dma_wait3A_166 = tpu.memref_slice %arg6[%dma_wait3A_159, %dma_wait3A_165] : memref<160x128xi32, #tpu.memory_space<vmem>> -> memref<1x128xi32, #tpu.memory_space<vmem>>
      %dma_wait3A_167 = tpu.memref_squeeze %dma_wait3A_166 : memref<1x128xi32, #tpu.memory_space<vmem>> -> memref<128xi32, #tpu.memory_space<vmem>>
      %dma_wait3A_168 = arith.constant 0 : i32
      %dma_wait3A_169 = arith.constant 0 : i32
      %dma_wait3A_170 = tpu.memref_slice %arg2[%arg0, %dma_wait3A_168, %dma_wait3A_169] : memref<2x10240x64xf32, #tpu.memory_space<hbm>> -> memref<1x10240x64xf32, #tpu.memory_space<hbm>>
      %dma_wait3A_171 = tpu.memref_squeeze %dma_wait3A_170 : memref<1x10240x64xf32, #tpu.memory_space<hbm>> -> memref<10240x64xf32, #tpu.memory_space<hbm>>
      %dma_wait3A_172 = arith.constant 0 : i32
      %dma_wait3A_173 = arith.constant 0 : i32
      %dma_wait3A_174 = tpu.memref_slice %dma_wait3A_171[%dma_wait3A_172, %dma_wait3A_173] : memref<10240x64xf32, #tpu.memory_space<hbm>> -> memref<10240x64xf32, #tpu.memory_space<hbm>>
      tpu.wait_indirect_dma semaphore(%arg13 : memref<!tpu.dma_semaphore, #tpu.memory_space<semaphore_mem>>) src(%dma_wait3A_174 : memref<10240x64xf32, #tpu.memory_space<hbm>>) dst(%dma_wait3A_164 : memref<128x64xf32, #tpu.memory_space<vmem>>)
      %add3A_175 = arith.constant 3 : i32
      %add3A_176 = arith.addi %add3A_72, %add3A_175 : i32
      %dma_start3A_177 = arith.constant 3 : i32
      %dma_start3A_178 = arith.constant 0 : i32
      %dma_start3A_179 = arith.constant 0 : i32
      %dma_start3A_180 = tpu.memref_slice %arg8[%dma_start3A_177, %dma_start3A_178, %dma_start3A_179] : memref<4x128x64xf32, #tpu.memory_space<vmem>> -> memref<1x128x64xf32, #tpu.memory_space<vmem>>
      %dma_start3A_181 = tpu.memref_squeeze %dma_start3A_180 : memref<1x128x64xf32, #tpu.memory_space<vmem>> -> memref<128x64xf32, #tpu.memory_space<vmem>>
      %dma_start3A_182 = arith.constant 0 : i32
      %dma_start3A_183 = tpu.memref_slice %arg7[%add3A_176, %dma_start3A_182] : memref<160x128xi32, #tpu.memory_space<vmem>> -> memref<1x128xi32, #tpu.memory_space<vmem>>
      %dma_start3A_184 = tpu.memref_squeeze %dma_start3A_183 : memref<1x128xi32, #tpu.memory_space<vmem>> -> memref<128xi32, #tpu.memory_space<vmem>>
      %dma_start3A_185 = arith.constant 0 : i32
      %dma_start3A_186 = arith.constant 0 : i32
      %dma_start3A_187 = tpu.memref_slice %arg9[%dma_start3A_185, %dma_start3A_186] : memref<10240x64xf32, #tpu.memory_space<vmem_shared>> -> memref<10240x64xf32, #tpu.memory_space<vmem_shared>>
      tpu.enqueue_indirect_dma source(%dma_start3A_181 : memref<128x64xf32, #tpu.memory_space<vmem>>) target(%dma_start3A_187 : memref<10240x64xf32, #tpu.memory_space<vmem_shared>>) offsets(%dma_start3A_184 : memref<128xi32, #tpu.memory_space<vmem>>) semaphore(%arg17 : memref<!tpu.dma_semaphore, #tpu.memory_space<semaphore_mem>>) {add = true}
      %add3A_188 = arith.constant 0 : i32
      %add3A_189 = arith.addi %add3A_72, %add3A_188 : i32
      %dma_wait3A_190 = arith.constant 0 : i32
      %dma_wait3A_191 = arith.constant 0 : i32
      %dma_wait3A_192 = arith.constant 0 : i32
      %dma_wait3A_193 = tpu.memref_slice %arg8[%dma_wait3A_190, %dma_wait3A_191, %dma_wait3A_192] : memref<4x128x64xf32, #tpu.memory_space<vmem>> -> memref<1x128x64xf32, #tpu.memory_space<vmem>>
      %dma_wait3A_194 = tpu.memref_squeeze %dma_wait3A_193 : memref<1x128x64xf32, #tpu.memory_space<vmem>> -> memref<128x64xf32, #tpu.memory_space<vmem>>
      %dma_wait3A_195 = arith.constant 0 : i32
      %dma_wait3A_196 = tpu.memref_slice %arg7[%add3A_189, %dma_wait3A_195] : memref<160x128xi32, #tpu.memory_space<vmem>> -> memref<1x128xi32, #tpu.memory_space<vmem>>
      %dma_wait3A_197 = tpu.memref_squeeze %dma_wait3A_196 : memref<1x128xi32, #tpu.memory_space<vmem>> -> memref<128xi32, #tpu.memory_space<vmem>>
      %dma_wait3A_198 = arith.constant 0 : i32
      %dma_wait3A_199 = arith.constant 0 : i32
      %dma_wait3A_200 = tpu.memref_slice %arg9[%dma_wait3A_198, %dma_wait3A_199] : memref<10240x64xf32, #tpu.memory_space<vmem_shared>> -> memref<10240x64xf32, #tpu.memory_space<vmem_shared>>
      tpu.wait_indirect_dma semaphore(%arg14 : memref<!tpu.dma_semaphore, #tpu.memory_space<semaphore_mem>>) src(%dma_wait3A_194 : memref<128x64xf32, #tpu.memory_space<vmem>>) dst(%dma_wait3A_200 : memref<10240x64xf32, #tpu.memory_space<vmem_shared>>)
      %add3A_201 = arith.constant 4 : i32
      %add3A_202 = arith.addi %add3A_189, %add3A_201 : i32
      %lt3A = arith.constant 160 : i32
      %lt3A_203 = arith.cmpi slt, %add3A_202, %lt3A : i32
      %convert_element_type3A = arith.extui %lt3A_203 : i1 to i32
      %cond3A = arith.constant 0 : i32
      %cond3A_204 = arith.cmpi ne, %convert_element_type3A, %cond3A : i32
      scf.if %cond3A_204 {
        %add3A_265 = arith.constant 4 : i32
        %add3A_266 = arith.addi %add3A_189, %add3A_265 : i32
        %dma_start3A_267 = arith.constant 0 : i32
        %dma_start3A_268 = arith.constant 0 : i32
        %dma_start3A_269 = arith.constant 0 : i32
        %dma_start3A_270 = tpu.memref_slice %arg8[%dma_start3A_267, %dma_start3A_268, %dma_start3A_269] : memref<4x128x64xf32, #tpu.memory_space<vmem>> -> memref<1x128x64xf32, #tpu.memory_space<vmem>>
        %dma_start3A_271 = tpu.memref_squeeze %dma_start3A_270 : memref<1x128x64xf32, #tpu.memory_space<vmem>> -> memref<128x64xf32, #tpu.memory_space<vmem>>
        %dma_start3A_272 = arith.constant 0 : i32
        %dma_start3A_273 = tpu.memref_slice %arg6[%add3A_266, %dma_start3A_272] : memref<160x128xi32, #tpu.memory_space<vmem>> -> memref<1x128xi32, #tpu.memory_space<vmem>>
        %dma_start3A_274 = tpu.memref_squeeze %dma_start3A_273 : memref<1x128xi32, #tpu.memory_space<vmem>> -> memref<128xi32, #tpu.memory_space<vmem>>
        %dma_start3A_275 = arith.constant 0 : i32
        %dma_start3A_276 = arith.constant 0 : i32
        %dma_start3A_277 = tpu.memref_slice %arg2[%arg0, %dma_start3A_275, %dma_start3A_276] : memref<2x10240x64xf32, #tpu.memory_space<hbm>> -> memref<1x10240x64xf32, #tpu.memory_space<hbm>>
        %dma_start3A_278 = tpu.memref_squeeze %dma_start3A_277 : memref<1x10240x64xf32, #tpu.memory_space<hbm>> -> memref<10240x64xf32, #tpu.memory_space<hbm>>
        %dma_start3A_279 = arith.constant 0 : i32
        %dma_start3A_280 = arith.constant 0 : i32
        %dma_start3A_281 = tpu.memref_slice %dma_start3A_278[%dma_start3A_279, %dma_start3A_280] : memref<10240x64xf32, #tpu.memory_space<hbm>> -> memref<10240x64xf32, #tpu.memory_space<hbm>>
        tpu.enqueue_indirect_dma source(%dma_start3A_281 : memref<10240x64xf32, #tpu.memory_space<hbm>>) target(%dma_start3A_271 : memref<128x64xf32, #tpu.memory_space<vmem>>) offsets(%dma_start3A_274 : memref<128xi32, #tpu.memory_space<vmem>>) semaphore(%arg10 : memref<!tpu.dma_semaphore, #tpu.memory_space<semaphore_mem>>)
      } else {
      }
      %add3A_205 = arith.constant 1 : i32
      %add3A_206 = arith.addi %add3A_72, %add3A_205 : i32
      %dma_wait3A_207 = arith.constant 1 : i32
      %dma_wait3A_208 = arith.constant 0 : i32
      %dma_wait3A_209 = arith.constant 0 : i32
      %dma_wait3A_210 = tpu.memref_slice %arg8[%dma_wait3A_207, %dma_wait3A_208, %dma_wait3A_209] : memref<4x128x64xf32, #tpu.memory_space<vmem>> -> memref<1x128x64xf32, #tpu.memory_space<vmem>>
      %dma_wait3A_211 = tpu.memref_squeeze %dma_wait3A_210 : memref<1x128x64xf32, #tpu.memory_space<vmem>> -> memref<128x64xf32, #tpu.memory_space<vmem>>
      %dma_wait3A_212 = arith.constant 0 : i32
      %dma_wait3A_213 = tpu.memref_slice %arg7[%add3A_206, %dma_wait3A_212] : memref<160x128xi32, #tpu.memory_space<vmem>> -> memref<1x128xi32, #tpu.memory_space<vmem>>
      %dma_wait3A_214 = tpu.memref_squeeze %dma_wait3A_213 : memref<1x128xi32, #tpu.memory_space<vmem>> -> memref<128xi32, #tpu.memory_space<vmem>>
      %dma_wait3A_215 = arith.constant 0 : i32
      %dma_wait3A_216 = arith.constant 0 : i32
      %dma_wait3A_217 = tpu.memref_slice %arg9[%dma_wait3A_215, %dma_wait3A_216] : memref<10240x64xf32, #tpu.memory_space<vmem_shared>> -> memref<10240x64xf32, #tpu.memory_space<vmem_shared>>
      tpu.wait_indirect_dma semaphore(%arg15 : memref<!tpu.dma_semaphore, #tpu.memory_space<semaphore_mem>>) src(%dma_wait3A_211 : memref<128x64xf32, #tpu.memory_space<vmem>>) dst(%dma_wait3A_217 : memref<10240x64xf32, #tpu.memory_space<vmem_shared>>)
      %add3A_218 = arith.constant 4 : i32
      %add3A_219 = arith.addi %add3A_206, %add3A_218 : i32
      %lt3A_220 = arith.constant 160 : i32
      %lt3A_221 = arith.cmpi slt, %add3A_219, %lt3A_220 : i32
      %convert_element_type3A_222 = arith.extui %lt3A_221 : i1 to i32
      %cond3A_223 = arith.constant 0 : i32
      %cond3A_224 = arith.cmpi ne, %convert_element_type3A_222, %cond3A_223 : i32
      scf.if %cond3A_224 {
        %add3A_265 = arith.constant 4 : i32
        %add3A_266 = arith.addi %add3A_206, %add3A_265 : i32
        %dma_start3A_267 = arith.constant 1 : i32
        %dma_start3A_268 = arith.constant 0 : i32
        %dma_start3A_269 = arith.constant 0 : i32
        %dma_start3A_270 = tpu.memref_slice %arg8[%dma_start3A_267, %dma_start3A_268, %dma_start3A_269] : memref<4x128x64xf32, #tpu.memory_space<vmem>> -> memref<1x128x64xf32, #tpu.memory_space<vmem>>
        %dma_start3A_271 = tpu.memref_squeeze %dma_start3A_270 : memref<1x128x64xf32, #tpu.memory_space<vmem>> -> memref<128x64xf32, #tpu.memory_space<vmem>>
        %dma_start3A_272 = arith.constant 0 : i32
        %dma_start3A_273 = tpu.memref_slice %arg6[%add3A_266, %dma_start3A_272] : memref<160x128xi32, #tpu.memory_space<vmem>> -> memref<1x128xi32, #tpu.memory_space<vmem>>
        %dma_start3A_274 = tpu.memref_squeeze %dma_start3A_273 : memref<1x128xi32, #tpu.memory_space<vmem>> -> memref<128xi32, #tpu.memory_space<vmem>>
        %dma_start3A_275 = arith.constant 0 : i32
        %dma_start3A_276 = arith.constant 0 : i32
        %dma_start3A_277 = tpu.memref_slice %arg2[%arg0, %dma_start3A_275, %dma_start3A_276] : memref<2x10240x64xf32, #tpu.memory_space<hbm>> -> memref<1x10240x64xf32, #tpu.memory_space<hbm>>
        %dma_start3A_278 = tpu.memref_squeeze %dma_start3A_277 : memref<1x10240x64xf32, #tpu.memory_space<hbm>> -> memref<10240x64xf32, #tpu.memory_space<hbm>>
        %dma_start3A_279 = arith.constant 0 : i32
        %dma_start3A_280 = arith.constant 0 : i32
        %dma_start3A_281 = tpu.memref_slice %dma_start3A_278[%dma_start3A_279, %dma_start3A_280] : memref<10240x64xf32, #tpu.memory_space<hbm>> -> memref<10240x64xf32, #tpu.memory_space<hbm>>
        tpu.enqueue_indirect_dma source(%dma_start3A_281 : memref<10240x64xf32, #tpu.memory_space<hbm>>) target(%dma_start3A_271 : memref<128x64xf32, #tpu.memory_space<vmem>>) offsets(%dma_start3A_274 : memref<128xi32, #tpu.memory_space<vmem>>) semaphore(%arg11 : memref<!tpu.dma_semaphore, #tpu.memory_space<semaphore_mem>>)
      } else {
      }
      %add3A_225 = arith.constant 2 : i32
      %add3A_226 = arith.addi %add3A_72, %add3A_225 : i32
      %dma_wait3A_227 = arith.constant 2 : i32
      %dma_wait3A_228 = arith.constant 0 : i32
      %dma_wait3A_229 = arith.constant 0 : i32
      %dma_wait3A_230 = tpu.memref_slice %arg8[%dma_wait3A_227, %dma_wait3A_228, %dma_wait3A_229] : memref<4x128x64xf32, #tpu.memory_space<vmem>> -> memref<1x128x64xf32, #tpu.memory_space<vmem>>
      %dma_wait3A_231 = tpu.memref_squeeze %dma_wait3A_230 : memref<1x128x64xf32, #tpu.memory_space<vmem>> -> memref<128x64xf32, #tpu.memory_space<vmem>>
      %dma_wait3A_232 = arith.constant 0 : i32
      %dma_wait3A_233 = tpu.memref_slice %arg7[%add3A_226, %dma_wait3A_232] : memref<160x128xi32, #tpu.memory_space<vmem>> -> memref<1x128xi32, #tpu.memory_space<vmem>>
      %dma_wait3A_234 = tpu.memref_squeeze %dma_wait3A_233 : memref<1x128xi32, #tpu.memory_space<vmem>> -> memref<128xi32, #tpu.memory_space<vmem>>
      %dma_wait3A_235 = arith.constant 0 : i32
      %dma_wait3A_236 = arith.constant 0 : i32
      %dma_wait3A_237 = tpu.memref_slice %arg9[%dma_wait3A_235, %dma_wait3A_236] : memref<10240x64xf32, #tpu.memory_space<vmem_shared>> -> memref<10240x64xf32, #tpu.memory_space<vmem_shared>>
      tpu.wait_indirect_dma semaphore(%arg16 : memref<!tpu.dma_semaphore, #tpu.memory_space<semaphore_mem>>) src(%dma_wait3A_231 : memref<128x64xf32, #tpu.memory_space<vmem>>) dst(%dma_wait3A_237 : memref<10240x64xf32, #tpu.memory_space<vmem_shared>>)
      %add3A_238 = arith.constant 4 : i32
      %add3A_239 = arith.addi %add3A_226, %add3A_238 : i32
      %lt3A_240 = arith.constant 160 : i32
      %lt3A_241 = arith.cmpi slt, %add3A_239, %lt3A_240 : i32
      %convert_element_type3A_242 = arith.extui %lt3A_241 : i1 to i32
      %cond3A_243 = arith.constant 0 : i32
      %cond3A_244 = arith.cmpi ne, %convert_element_type3A_242, %cond3A_243 : i32
      scf.if %cond3A_244 {
        %add3A_265 = arith.constant 4 : i32
        %add3A_266 = arith.addi %add3A_226, %add3A_265 : i32
        %dma_start3A_267 = arith.constant 2 : i32
        %dma_start3A_268 = arith.constant 0 : i32
        %dma_start3A_269 = arith.constant 0 : i32
        %dma_start3A_270 = tpu.memref_slice %arg8[%dma_start3A_267, %dma_start3A_268, %dma_start3A_269] : memref<4x128x64xf32, #tpu.memory_space<vmem>> -> memref<1x128x64xf32, #tpu.memory_space<vmem>>
        %dma_start3A_271 = tpu.memref_squeeze %dma_start3A_270 : memref<1x128x64xf32, #tpu.memory_space<vmem>> -> memref<128x64xf32, #tpu.memory_space<vmem>>
        %dma_start3A_272 = arith.constant 0 : i32
        %dma_start3A_273 = tpu.memref_slice %arg6[%add3A_266, %dma_start3A_272] : memref<160x128xi32, #tpu.memory_space<vmem>> -> memref<1x128xi32, #tpu.memory_space<vmem>>
        %dma_start3A_274 = tpu.memref_squeeze %dma_start3A_273 : memref<1x128xi32, #tpu.memory_space<vmem>> -> memref<128xi32, #tpu.memory_space<vmem>>
        %dma_start3A_275 = arith.constant 0 : i32
        %dma_start3A_276 = arith.constant 0 : i32
        %dma_start3A_277 = tpu.memref_slice %arg2[%arg0, %dma_start3A_275, %dma_start3A_276] : memref<2x10240x64xf32, #tpu.memory_space<hbm>> -> memref<1x10240x64xf32, #tpu.memory_space<hbm>>
        %dma_start3A_278 = tpu.memref_squeeze %dma_start3A_277 : memref<1x10240x64xf32, #tpu.memory_space<hbm>> -> memref<10240x64xf32, #tpu.memory_space<hbm>>
        %dma_start3A_279 = arith.constant 0 : i32
        %dma_start3A_280 = arith.constant 0 : i32
        %dma_start3A_281 = tpu.memref_slice %dma_start3A_278[%dma_start3A_279, %dma_start3A_280] : memref<10240x64xf32, #tpu.memory_space<hbm>> -> memref<10240x64xf32, #tpu.memory_space<hbm>>
        tpu.enqueue_indirect_dma source(%dma_start3A_281 : memref<10240x64xf32, #tpu.memory_space<hbm>>) target(%dma_start3A_271 : memref<128x64xf32, #tpu.memory_space<vmem>>) offsets(%dma_start3A_274 : memref<128xi32, #tpu.memory_space<vmem>>) semaphore(%arg12 : memref<!tpu.dma_semaphore, #tpu.memory_space<semaphore_mem>>)
      } else {
      }
      %add3A_245 = arith.constant 3 : i32
      %add3A_246 = arith.addi %add3A_72, %add3A_245 : i32
      %dma_wait3A_247 = arith.constant 3 : i32
      %dma_wait3A_248 = arith.constant 0 : i32
      %dma_wait3A_249 = arith.constant 0 : i32
      %dma_wait3A_250 = tpu.memref_slice %arg8[%dma_wait3A_247, %dma_wait3A_248, %dma_wait3A_249] : memref<4x128x64xf32, #tpu.memory_space<vmem>> -> memref<1x128x64xf32, #tpu.memory_space<vmem>>
      %dma_wait3A_251 = tpu.memref_squeeze %dma_wait3A_250 : memref<1x128x64xf32, #tpu.memory_space<vmem>> -> memref<128x64xf32, #tpu.memory_space<vmem>>
      %dma_wait3A_252 = arith.constant 0 : i32
      %dma_wait3A_253 = tpu.memref_slice %arg7[%add3A_246, %dma_wait3A_252] : memref<160x128xi32, #tpu.memory_space<vmem>> -> memref<1x128xi32, #tpu.memory_space<vmem>>
      %dma_wait3A_254 = tpu.memref_squeeze %dma_wait3A_253 : memref<1x128xi32, #tpu.memory_space<vmem>> -> memref<128xi32, #tpu.memory_space<vmem>>
      %dma_wait3A_255 = arith.constant 0 : i32
      %dma_wait3A_256 = arith.constant 0 : i32
      %dma_wait3A_257 = tpu.memref_slice %arg9[%dma_wait3A_255, %dma_wait3A_256] : memref<10240x64xf32, #tpu.memory_space<vmem_shared>> -> memref<10240x64xf32, #tpu.memory_space<vmem_shared>>
      tpu.wait_indirect_dma semaphore(%arg17 : memref<!tpu.dma_semaphore, #tpu.memory_space<semaphore_mem>>) src(%dma_wait3A_251 : memref<128x64xf32, #tpu.memory_space<vmem>>) dst(%dma_wait3A_257 : memref<10240x64xf32, #tpu.memory_space<vmem_shared>>)
      %add3A_258 = arith.constant 4 : i32
      %add3A_259 = arith.addi %add3A_246, %add3A_258 : i32
      %lt3A_260 = arith.constant 160 : i32
      %lt3A_261 = arith.cmpi slt, %add3A_259, %lt3A_260 : i32
      %convert_element_type3A_262 = arith.extui %lt3A_261 : i1 to i32
      %cond3A_263 = arith.constant 0 : i32
      %cond3A_264 = arith.cmpi ne, %convert_element_type3A_262, %cond3A_263 : i32
      scf.if %cond3A_264 {
        %add3A_265 = arith.constant 4 : i32
        %add3A_266 = arith.addi %add3A_246, %add3A_265 : i32
        %dma_start3A_267 = arith.constant 3 : i32
        %dma_start3A_268 = arith.constant 0 : i32
        %dma_start3A_269 = arith.constant 0 : i32
        %dma_start3A_270 = tpu.memref_slice %arg8[%dma_start3A_267, %dma_start3A_268, %dma_start3A_269] : memref<4x128x64xf32, #tpu.memory_space<vmem>> -> memref<1x128x64xf32, #tpu.memory_space<vmem>>
        %dma_start3A_271 = tpu.memref_squeeze %dma_start3A_270 : memref<1x128x64xf32, #tpu.memory_space<vmem>> -> memref<128x64xf32, #tpu.memory_space<vmem>>
        %dma_start3A_272 = arith.constant 0 : i32
        %dma_start3A_273 = tpu.memref_slice %arg6[%add3A_266, %dma_start3A_272] : memref<160x128xi32, #tpu.memory_space<vmem>> -> memref<1x128xi32, #tpu.memory_space<vmem>>
        %dma_start3A_274 = tpu.memref_squeeze %dma_start3A_273 : memref<1x128xi32, #tpu.memory_space<vmem>> -> memref<128xi32, #tpu.memory_space<vmem>>
        %dma_start3A_275 = arith.constant 0 : i32
        %dma_start3A_276 = arith.constant 0 : i32
        %dma_start3A_277 = tpu.memref_slice %arg2[%arg0, %dma_start3A_275, %dma_start3A_276] : memref<2x10240x64xf32, #tpu.memory_space<hbm>> -> memref<1x10240x64xf32, #tpu.memory_space<hbm>>
        %dma_start3A_278 = tpu.memref_squeeze %dma_start3A_277 : memref<1x10240x64xf32, #tpu.memory_space<hbm>> -> memref<10240x64xf32, #tpu.memory_space<hbm>>
        %dma_start3A_279 = arith.constant 0 : i32
        %dma_start3A_280 = arith.constant 0 : i32
        %dma_start3A_281 = tpu.memref_slice %dma_start3A_278[%dma_start3A_279, %dma_start3A_280] : memref<10240x64xf32, #tpu.memory_space<hbm>> -> memref<10240x64xf32, #tpu.memory_space<hbm>>
        tpu.enqueue_indirect_dma source(%dma_start3A_281 : memref<10240x64xf32, #tpu.memory_space<hbm>>) target(%dma_start3A_271 : memref<128x64xf32, #tpu.memory_space<vmem>>) offsets(%dma_start3A_274 : memref<128xi32, #tpu.memory_space<vmem>>) semaphore(%arg13 : memref<!tpu.dma_semaphore, #tpu.memory_space<semaphore_mem>>)
      } else {
      }
    }
    %scan3A_67 = arith.constant 40 : i32
    %barrier3A_68 = arith.constant 0 : index
    tpu.barrier barrier_id(%barrier3A_68)
    "tpu.region"() ({
      %run_scoped3A = tpu.sem_alloc : memref<!tpu.dma_semaphore, #tpu.memory_space<semaphore_mem>>
      %dma_start3A_69 = arith.constant 0 : i32
      %dma_start3A_70 = arith.constant 0 : i32
      %dma_start3A_71 = tpu.memref_slice %arg5[%arg0, %dma_start3A_69, %dma_start3A_70] : memref<2x10240x64xf32, #tpu.memory_space<hbm>> -> memref<1x10240x64xf32, #tpu.memory_space<hbm>>
      %dma_start3A_72 = tpu.memref_squeeze %dma_start3A_71 : memref<1x10240x64xf32, #tpu.memory_space<hbm>> -> memref<10240x64xf32, #tpu.memory_space<hbm>>
      %dma_start3A_73 = arith.constant 0 : i32
      %dma_start3A_74 = tpu.memref_slice %dma_start3A_72[%mul3A_0, %dma_start3A_73] : memref<10240x64xf32, #tpu.memory_space<hbm>> -> memref<640x64xf32, #tpu.memory_space<hbm>>
      %dma_start3A_75 = arith.constant 0 : i32
      %dma_start3A_76 = tpu.memref_slice %arg9[%mul3A_0, %dma_start3A_75] : memref<10240x64xf32, #tpu.memory_space<vmem_shared>> -> memref<640x64xf32, #tpu.memory_space<vmem_shared>>
      tpu.enqueue_dma source(%dma_start3A_76 : memref<640x64xf32, #tpu.memory_space<vmem_shared>>) target(%dma_start3A_74 : memref<640x64xf32, #tpu.memory_space<hbm>>) target_semaphore(%run_scoped3A : memref<!tpu.dma_semaphore, #tpu.memory_space<semaphore_mem>>)
      %dma_wait3A = arith.constant 0 : i32
      %dma_wait3A_77 = arith.constant 0 : i32
      %dma_wait3A_78 = tpu.memref_slice %arg5[%arg0, %dma_wait3A, %dma_wait3A_77] : memref<2x10240x64xf32, #tpu.memory_space<hbm>> -> memref<1x10240x64xf32, #tpu.memory_space<hbm>>
      %dma_wait3A_79 = tpu.memref_squeeze %dma_wait3A_78 : memref<1x10240x64xf32, #tpu.memory_space<hbm>> -> memref<10240x64xf32, #tpu.memory_space<hbm>>
      %dma_wait3A_80 = arith.constant 0 : i32
      %dma_wait3A_81 = tpu.memref_slice %dma_wait3A_79[%mul3A_0, %dma_wait3A_80] : memref<10240x64xf32, #tpu.memory_space<hbm>> -> memref<640x64xf32, #tpu.memory_space<hbm>>
      %dma_wait3A_82 = arith.constant 0 : i32
      %dma_wait3A_83 = tpu.memref_slice %arg9[%mul3A_0, %dma_wait3A_82] : memref<10240x64xf32, #tpu.memory_space<vmem_shared>> -> memref<640x64xf32, #tpu.memory_space<vmem_shared>>
      tpu.wait_dma2 semaphore(%run_scoped3A : memref<!tpu.dma_semaphore, #tpu.memory_space<semaphore_mem>>) src(%dma_wait3A_83 : memref<640x64xf32, #tpu.memory_space<vmem_shared>>) dst(%dma_wait3A_81 : memref<640x64xf32, #tpu.memory_space<hbm>>)
      tpu.yield
    }) : () -> ()
    return
  }
}

#map = affine_map<(d0, d1) -> (0, 0)>
#map1 = affine_map<(d0, d1) -> (0, 0, 0)>
module attributes {stable_mosaic.version = 14 : i64} {
  func.func @_deg_body(%arg0: i32, %arg1: i32, %arg2: memref<10240x64xf32, #tpu.memory_space<hbm>>, %arg3: memref<16x160x128xi32, #tpu.memory_space<hbm>>, %arg4: memref<2x10240x64xf32, #tpu.memory_space<hbm>>, %arg5: memref<160x128xi32, #tpu.memory_space<vmem>>, %arg6: memref<128x64xf32, #tpu.memory_space<vmem>>, %arg7: memref<10240x64xf32, #tpu.memory_space<vmem_shared>>, %arg8: memref<!tpu.dma_semaphore, #tpu.memory_space<semaphore_mem>>, %arg9: memref<!tpu.dma_semaphore, #tpu.memory_space<semaphore_mem>>, %arg10: memref<!tpu.dma_semaphore, #tpu.memory_space<semaphore_mem>>, %arg11: memref<!tpu.dma_semaphore, #tpu.memory_space<semaphore_mem>>) attributes {dimension_semantics = [#tpu.dimension_semantics<core_parallel>, #tpu.dimension_semantics<subcore_parallel>], iteration_bounds = array<i64: 2, 16>, scalar_prefetch = 0 : i64, scratch_operands = 7 : i64, tpu.core_type = #tpu.core_type<sc_vector_subcore>, window_params = [{transform_indices = #map}, {transform_indices = #map1}, {transform_indices = #map1}]} {
    %mul3A = arith.constant 640 : i32
    %mul3A_0 = arith.muli %arg1, %mul3A : i32
    %mul3A_1 = arith.constant 80 : i32
    %mul3A_2 = arith.muli %arg0, %mul3A_1 : i32
    "tpu.region"() ({
      %run_scoped3A = tpu.sem_alloc : memref<!tpu.dma_semaphore, #tpu.memory_space<semaphore_mem>>
      %dma_start3A = arith.constant 0 : i32
      %dma_start3A_19 = tpu.memref_slice %arg7[%mul3A_0, %dma_start3A] : memref<10240x64xf32, #tpu.memory_space<vmem_shared>> -> memref<640x64xf32, #tpu.memory_space<vmem_shared>>
      %dma_start3A_20 = arith.constant 0 : i32
      %dma_start3A_21 = arith.constant 0 : i32
      %dma_start3A_22 = tpu.memref_slice %arg2[%dma_start3A_20, %dma_start3A_21] : memref<10240x64xf32, #tpu.memory_space<hbm>> -> memref<640x64xf32, #tpu.memory_space<hbm>>
      tpu.enqueue_dma source(%dma_start3A_22 : memref<640x64xf32, #tpu.memory_space<hbm>>) target(%dma_start3A_19 : memref<640x64xf32, #tpu.memory_space<vmem_shared>>) target_semaphore(%run_scoped3A : memref<!tpu.dma_semaphore, #tpu.memory_space<semaphore_mem>>)
      %dma_wait3A = arith.constant 0 : i32
      %dma_wait3A_23 = tpu.memref_slice %arg7[%mul3A_0, %dma_wait3A] : memref<10240x64xf32, #tpu.memory_space<vmem_shared>> -> memref<640x64xf32, #tpu.memory_space<vmem_shared>>
      %dma_wait3A_24 = arith.constant 0 : i32
      %dma_wait3A_25 = arith.constant 0 : i32
      %dma_wait3A_26 = tpu.memref_slice %arg2[%dma_wait3A_24, %dma_wait3A_25] : memref<10240x64xf32, #tpu.memory_space<hbm>> -> memref<640x64xf32, #tpu.memory_space<hbm>>
      tpu.wait_dma2 semaphore(%run_scoped3A : memref<!tpu.dma_semaphore, #tpu.memory_space<semaphore_mem>>) src(%dma_wait3A_26 : memref<640x64xf32, #tpu.memory_space<hbm>>) dst(%dma_wait3A_23 : memref<640x64xf32, #tpu.memory_space<vmem_shared>>)
      tpu.yield
    }) : () -> ()
    "tpu.region"() ({
      %run_scoped3A = tpu.sem_alloc : memref<!tpu.dma_semaphore, #tpu.memory_space<semaphore_mem>>
      %dma_start3A = arith.constant 0 : i32
      %dma_start3A_19 = arith.constant 0 : i32
      %dma_start3A_20 = tpu.memref_slice %arg2[%dma_start3A, %dma_start3A_19] : memref<10240x64xf32, #tpu.memory_space<hbm>> -> memref<128x64xf32, #tpu.memory_space<hbm>>
      %dma_start3A_21 = arith.constant 0 : i32
      %dma_start3A_22 = arith.constant 0 : i32
      %dma_start3A_23 = tpu.memref_slice %arg2[%dma_start3A_21, %dma_start3A_22] : memref<10240x64xf32, #tpu.memory_space<hbm>> -> memref<128x64xf32, #tpu.memory_space<hbm>>
      tpu.enqueue_dma source(%dma_start3A_23 : memref<128x64xf32, #tpu.memory_space<hbm>>) target(%arg6 : memref<128x64xf32, #tpu.memory_space<vmem>>) target_semaphore(%run_scoped3A : memref<!tpu.dma_semaphore, #tpu.memory_space<semaphore_mem>>)
      %dma_wait3A = arith.constant 0 : i32
      %dma_wait3A_24 = arith.constant 0 : i32
      %dma_wait3A_25 = tpu.memref_slice %arg2[%dma_wait3A, %dma_wait3A_24] : memref<10240x64xf32, #tpu.memory_space<hbm>> -> memref<128x64xf32, #tpu.memory_space<hbm>>
      %dma_wait3A_26 = arith.constant 0 : i32
      %dma_wait3A_27 = arith.constant 0 : i32
      %dma_wait3A_28 = tpu.memref_slice %arg2[%dma_wait3A_26, %dma_wait3A_27] : memref<10240x64xf32, #tpu.memory_space<hbm>> -> memref<128x64xf32, #tpu.memory_space<hbm>>
      tpu.wait_dma2 semaphore(%run_scoped3A : memref<!tpu.dma_semaphore, #tpu.memory_space<semaphore_mem>>) src(%dma_wait3A_28 : memref<128x64xf32, #tpu.memory_space<hbm>>) dst(%arg6 : memref<128x64xf32, #tpu.memory_space<vmem>>)
      tpu.yield
    }) : () -> ()
    "tpu.region"() ({
      %run_scoped3A = tpu.sem_alloc : memref<!tpu.dma_semaphore, #tpu.memory_space<semaphore_mem>>
      %dma_start3A = arith.constant 0 : i32
      %dma_start3A_19 = arith.constant 0 : i32
      %dma_start3A_20 = tpu.memref_slice %arg3[%arg1, %dma_start3A, %dma_start3A_19] : memref<16x160x128xi32, #tpu.memory_space<hbm>> -> memref<1x160x128xi32, #tpu.memory_space<hbm>>
      %dma_start3A_21 = tpu.memref_squeeze %dma_start3A_20 : memref<1x160x128xi32, #tpu.memory_space<hbm>> -> memref<160x128xi32, #tpu.memory_space<hbm>>
      %dma_start3A_22 = arith.constant 0 : i32
      %dma_start3A_23 = arith.constant 0 : i32
      %dma_start3A_24 = tpu.memref_slice %arg3[%arg1, %dma_start3A_22, %dma_start3A_23] : memref<16x160x128xi32, #tpu.memory_space<hbm>> -> memref<1x160x128xi32, #tpu.memory_space<hbm>>
      %dma_start3A_25 = tpu.memref_squeeze %dma_start3A_24 : memref<1x160x128xi32, #tpu.memory_space<hbm>> -> memref<160x128xi32, #tpu.memory_space<hbm>>
      tpu.enqueue_dma source(%dma_start3A_25 : memref<160x128xi32, #tpu.memory_space<hbm>>) target(%arg5 : memref<160x128xi32, #tpu.memory_space<vmem>>) target_semaphore(%run_scoped3A : memref<!tpu.dma_semaphore, #tpu.memory_space<semaphore_mem>>)
      %dma_wait3A = arith.constant 0 : i32
      %dma_wait3A_26 = arith.constant 0 : i32
      %dma_wait3A_27 = tpu.memref_slice %arg3[%arg1, %dma_wait3A, %dma_wait3A_26] : memref<16x160x128xi32, #tpu.memory_space<hbm>> -> memref<1x160x128xi32, #tpu.memory_space<hbm>>
      %dma_wait3A_28 = tpu.memref_squeeze %dma_wait3A_27 : memref<1x160x128xi32, #tpu.memory_space<hbm>> -> memref<160x128xi32, #tpu.memory_space<hbm>>
      %dma_wait3A_29 = arith.constant 0 : i32
      %dma_wait3A_30 = arith.constant 0 : i32
      %dma_wait3A_31 = tpu.memref_slice %arg3[%arg1, %dma_wait3A_29, %dma_wait3A_30] : memref<16x160x128xi32, #tpu.memory_space<hbm>> -> memref<1x160x128xi32, #tpu.memory_space<hbm>>
      %dma_wait3A_32 = tpu.memref_squeeze %dma_wait3A_31 : memref<1x160x128xi32, #tpu.memory_space<hbm>> -> memref<160x128xi32, #tpu.memory_space<hbm>>
      tpu.wait_dma2 semaphore(%run_scoped3A : memref<!tpu.dma_semaphore, #tpu.memory_space<semaphore_mem>>) src(%dma_wait3A_32 : memref<160x128xi32, #tpu.memory_space<hbm>>) dst(%arg5 : memref<160x128xi32, #tpu.memory_space<vmem>>)
      tpu.yield
    }) : () -> ()
    %barrier3A = arith.constant 0 : index
    tpu.barrier barrier_id(%barrier3A)
    %add3A = arith.constant 80 : i32
    %add3A_3 = arith.addi %mul3A_2, %add3A : i32
    %sub3A = arith.subi %add3A_3, %mul3A_2 : i32
    %sub3A_4 = arith.constant 4 : i32
    %sub3A_5 = arith.constant 1 : i32
    %sub3A_6 = arith.subi %sub3A_4, %sub3A_5 : i32
    %add3A_7 = arith.addi %sub3A, %sub3A_6 : i32
    %div3A = arith.constant 4 : i32
    %div3A_8 = arith.divsi %add3A_7, %div3A : i32
    %while3A = arith.constant 4 : i32
    %while3A_9 = arith.constant 0 : i32
    %while3A_10 = arith.subi %div3A_8, %while3A_9 : i32
    %while3A_11 = arith.addi %while3A_9, %while3A_10 : i32
    %while3A_12 = arith.constant 1 : i32
    %while3A_13 = arith.divsi %while3A_10, %while3A_12 : i32
    %while3A_14 = arith.muli %while3A_13, %while3A_12 : i32
    %while3A_15 = arith.addi %while3A_9, %while3A_14 : i32
    %while3A_16 = arith.constant 1 : i32
    scf.for %while3A_19 = %while3A_9 to %while3A_15 step %while3A_16  : i32 {
      %mul3A_20 = arith.muli %while3A_19, %while3A : i32
      %add3A_21 = arith.addi %mul3A_2, %mul3A_20 : i32
      %add3A_22 = arith.constant 0 : i32
      %add3A_23 = arith.addi %add3A_21, %add3A_22 : i32
      %dma_start3A = arith.constant 0 : i32
      %dma_start3A_24 = tpu.memref_slice %arg5[%add3A_23, %dma_start3A] : memref<160x128xi32, #tpu.memory_space<vmem>> -> memref<1x128xi32, #tpu.memory_space<vmem>>
      %dma_start3A_25 = tpu.memref_squeeze %dma_start3A_24 : memref<1x128xi32, #tpu.memory_space<vmem>> -> memref<128xi32, #tpu.memory_space<vmem>>
      %dma_start3A_26 = arith.constant 0 : i32
      %dma_start3A_27 = arith.constant 0 : i32
      %dma_start3A_28 = tpu.memref_slice %arg7[%dma_start3A_26, %dma_start3A_27] : memref<10240x64xf32, #tpu.memory_space<vmem_shared>> -> memref<10240x64xf32, #tpu.memory_space<vmem_shared>>
      tpu.enqueue_indirect_dma source(%arg6 : memref<128x64xf32, #tpu.memory_space<vmem>>) target(%dma_start3A_28 : memref<10240x64xf32, #tpu.memory_space<vmem_shared>>) offsets(%dma_start3A_25 : memref<128xi32, #tpu.memory_space<vmem>>) semaphore(%arg8 : memref<!tpu.dma_semaphore, #tpu.memory_space<semaphore_mem>>) {add = true}
      %add3A_29 = arith.constant 1 : i32
      %add3A_30 = arith.addi %add3A_21, %add3A_29 : i32
      %dma_start3A_31 = arith.constant 0 : i32
      %dma_start3A_32 = tpu.memref_slice %arg5[%add3A_30, %dma_start3A_31] : memref<160x128xi32, #tpu.memory_space<vmem>> -> memref<1x128xi32, #tpu.memory_space<vmem>>
      %dma_start3A_33 = tpu.memref_squeeze %dma_start3A_32 : memref<1x128xi32, #tpu.memory_space<vmem>> -> memref<128xi32, #tpu.memory_space<vmem>>
      %dma_start3A_34 = arith.constant 0 : i32
      %dma_start3A_35 = arith.constant 0 : i32
      %dma_start3A_36 = tpu.memref_slice %arg7[%dma_start3A_34, %dma_start3A_35] : memref<10240x64xf32, #tpu.memory_space<vmem_shared>> -> memref<10240x64xf32, #tpu.memory_space<vmem_shared>>
      tpu.enqueue_indirect_dma source(%arg6 : memref<128x64xf32, #tpu.memory_space<vmem>>) target(%dma_start3A_36 : memref<10240x64xf32, #tpu.memory_space<vmem_shared>>) offsets(%dma_start3A_33 : memref<128xi32, #tpu.memory_space<vmem>>) semaphore(%arg9 : memref<!tpu.dma_semaphore, #tpu.memory_space<semaphore_mem>>) {add = true}
      %add3A_37 = arith.constant 2 : i32
      %add3A_38 = arith.addi %add3A_21, %add3A_37 : i32
      %dma_start3A_39 = arith.constant 0 : i32
      %dma_start3A_40 = tpu.memref_slice %arg5[%add3A_38, %dma_start3A_39] : memref<160x128xi32, #tpu.memory_space<vmem>> -> memref<1x128xi32, #tpu.memory_space<vmem>>
      %dma_start3A_41 = tpu.memref_squeeze %dma_start3A_40 : memref<1x128xi32, #tpu.memory_space<vmem>> -> memref<128xi32, #tpu.memory_space<vmem>>
      %dma_start3A_42 = arith.constant 0 : i32
      %dma_start3A_43 = arith.constant 0 : i32
      %dma_start3A_44 = tpu.memref_slice %arg7[%dma_start3A_42, %dma_start3A_43] : memref<10240x64xf32, #tpu.memory_space<vmem_shared>> -> memref<10240x64xf32, #tpu.memory_space<vmem_shared>>
      tpu.enqueue_indirect_dma source(%arg6 : memref<128x64xf32, #tpu.memory_space<vmem>>) target(%dma_start3A_44 : memref<10240x64xf32, #tpu.memory_space<vmem_shared>>) offsets(%dma_start3A_41 : memref<128xi32, #tpu.memory_space<vmem>>) semaphore(%arg10 : memref<!tpu.dma_semaphore, #tpu.memory_space<semaphore_mem>>) {add = true}
      %add3A_45 = arith.constant 3 : i32
      %add3A_46 = arith.addi %add3A_21, %add3A_45 : i32
      %dma_start3A_47 = arith.constant 0 : i32
      %dma_start3A_48 = tpu.memref_slice %arg5[%add3A_46, %dma_start3A_47] : memref<160x128xi32, #tpu.memory_space<vmem>> -> memref<1x128xi32, #tpu.memory_space<vmem>>
      %dma_start3A_49 = tpu.memref_squeeze %dma_start3A_48 : memref<1x128xi32, #tpu.memory_space<vmem>> -> memref<128xi32, #tpu.memory_space<vmem>>
      %dma_start3A_50 = arith.constant 0 : i32
      %dma_start3A_51 = arith.constant 0 : i32
      %dma_start3A_52 = tpu.memref_slice %arg7[%dma_start3A_50, %dma_start3A_51] : memref<10240x64xf32, #tpu.memory_space<vmem_shared>> -> memref<10240x64xf32, #tpu.memory_space<vmem_shared>>
      tpu.enqueue_indirect_dma source(%arg6 : memref<128x64xf32, #tpu.memory_space<vmem>>) target(%dma_start3A_52 : memref<10240x64xf32, #tpu.memory_space<vmem_shared>>) offsets(%dma_start3A_49 : memref<128xi32, #tpu.memory_space<vmem>>) semaphore(%arg11 : memref<!tpu.dma_semaphore, #tpu.memory_space<semaphore_mem>>) {add = true}
      %add3A_53 = arith.constant 0 : i32
      %add3A_54 = arith.addi %add3A_21, %add3A_53 : i32
      %dma_wait3A = arith.constant 0 : i32
      %dma_wait3A_55 = tpu.memref_slice %arg5[%add3A_54, %dma_wait3A] : memref<160x128xi32, #tpu.memory_space<vmem>> -> memref<1x128xi32, #tpu.memory_space<vmem>>
      %dma_wait3A_56 = tpu.memref_squeeze %dma_wait3A_55 : memref<1x128xi32, #tpu.memory_space<vmem>> -> memref<128xi32, #tpu.memory_space<vmem>>
      %dma_wait3A_57 = arith.constant 0 : i32
      %dma_wait3A_58 = arith.constant 0 : i32
      %dma_wait3A_59 = tpu.memref_slice %arg7[%dma_wait3A_57, %dma_wait3A_58] : memref<10240x64xf32, #tpu.memory_space<vmem_shared>> -> memref<10240x64xf32, #tpu.memory_space<vmem_shared>>
      tpu.wait_indirect_dma semaphore(%arg8 : memref<!tpu.dma_semaphore, #tpu.memory_space<semaphore_mem>>) src(%arg6 : memref<128x64xf32, #tpu.memory_space<vmem>>) dst(%dma_wait3A_59 : memref<10240x64xf32, #tpu.memory_space<vmem_shared>>)
      %add3A_60 = arith.constant 1 : i32
      %add3A_61 = arith.addi %add3A_21, %add3A_60 : i32
      %dma_wait3A_62 = arith.constant 0 : i32
      %dma_wait3A_63 = tpu.memref_slice %arg5[%add3A_61, %dma_wait3A_62] : memref<160x128xi32, #tpu.memory_space<vmem>> -> memref<1x128xi32, #tpu.memory_space<vmem>>
      %dma_wait3A_64 = tpu.memref_squeeze %dma_wait3A_63 : memref<1x128xi32, #tpu.memory_space<vmem>> -> memref<128xi32, #tpu.memory_space<vmem>>
      %dma_wait3A_65 = arith.constant 0 : i32
      %dma_wait3A_66 = arith.constant 0 : i32
      %dma_wait3A_67 = tpu.memref_slice %arg7[%dma_wait3A_65, %dma_wait3A_66] : memref<10240x64xf32, #tpu.memory_space<vmem_shared>> -> memref<10240x64xf32, #tpu.memory_space<vmem_shared>>
      tpu.wait_indirect_dma semaphore(%arg9 : memref<!tpu.dma_semaphore, #tpu.memory_space<semaphore_mem>>) src(%arg6 : memref<128x64xf32, #tpu.memory_space<vmem>>) dst(%dma_wait3A_67 : memref<10240x64xf32, #tpu.memory_space<vmem_shared>>)
      %add3A_68 = arith.constant 2 : i32
      %add3A_69 = arith.addi %add3A_21, %add3A_68 : i32
      %dma_wait3A_70 = arith.constant 0 : i32
      %dma_wait3A_71 = tpu.memref_slice %arg5[%add3A_69, %dma_wait3A_70] : memref<160x128xi32, #tpu.memory_space<vmem>> -> memref<1x128xi32, #tpu.memory_space<vmem>>
      %dma_wait3A_72 = tpu.memref_squeeze %dma_wait3A_71 : memref<1x128xi32, #tpu.memory_space<vmem>> -> memref<128xi32, #tpu.memory_space<vmem>>
      %dma_wait3A_73 = arith.constant 0 : i32
      %dma_wait3A_74 = arith.constant 0 : i32
      %dma_wait3A_75 = tpu.memref_slice %arg7[%dma_wait3A_73, %dma_wait3A_74] : memref<10240x64xf32, #tpu.memory_space<vmem_shared>> -> memref<10240x64xf32, #tpu.memory_space<vmem_shared>>
      tpu.wait_indirect_dma semaphore(%arg10 : memref<!tpu.dma_semaphore, #tpu.memory_space<semaphore_mem>>) src(%arg6 : memref<128x64xf32, #tpu.memory_space<vmem>>) dst(%dma_wait3A_75 : memref<10240x64xf32, #tpu.memory_space<vmem_shared>>)
      %add3A_76 = arith.constant 3 : i32
      %add3A_77 = arith.addi %add3A_21, %add3A_76 : i32
      %dma_wait3A_78 = arith.constant 0 : i32
      %dma_wait3A_79 = tpu.memref_slice %arg5[%add3A_77, %dma_wait3A_78] : memref<160x128xi32, #tpu.memory_space<vmem>> -> memref<1x128xi32, #tpu.memory_space<vmem>>
      %dma_wait3A_80 = tpu.memref_squeeze %dma_wait3A_79 : memref<1x128xi32, #tpu.memory_space<vmem>> -> memref<128xi32, #tpu.memory_space<vmem>>
      %dma_wait3A_81 = arith.constant 0 : i32
      %dma_wait3A_82 = arith.constant 0 : i32
      %dma_wait3A_83 = tpu.memref_slice %arg7[%dma_wait3A_81, %dma_wait3A_82] : memref<10240x64xf32, #tpu.memory_space<vmem_shared>> -> memref<10240x64xf32, #tpu.memory_space<vmem_shared>>
      tpu.wait_indirect_dma semaphore(%arg11 : memref<!tpu.dma_semaphore, #tpu.memory_space<semaphore_mem>>) src(%arg6 : memref<128x64xf32, #tpu.memory_space<vmem>>) dst(%dma_wait3A_83 : memref<10240x64xf32, #tpu.memory_space<vmem_shared>>)
    }
    %while3A_17 = arith.constant 1 : i32
    scf.for %while3A_19 = %while3A_15 to %while3A_11 step %while3A_17  : i32 {
      %mul3A_20 = arith.muli %while3A_19, %while3A : i32
      %add3A_21 = arith.addi %mul3A_2, %mul3A_20 : i32
      %add3A_22 = arith.constant 0 : i32
      %add3A_23 = arith.addi %add3A_21, %add3A_22 : i32
      %dma_start3A = arith.constant 0 : i32
      %dma_start3A_24 = tpu.memref_slice %arg5[%add3A_23, %dma_start3A] : memref<160x128xi32, #tpu.memory_space<vmem>> -> memref<1x128xi32, #tpu.memory_space<vmem>>
      %dma_start3A_25 = tpu.memref_squeeze %dma_start3A_24 : memref<1x128xi32, #tpu.memory_space<vmem>> -> memref<128xi32, #tpu.memory_space<vmem>>
      %dma_start3A_26 = arith.constant 0 : i32
      %dma_start3A_27 = arith.constant 0 : i32
      %dma_start3A_28 = tpu.memref_slice %arg7[%dma_start3A_26, %dma_start3A_27] : memref<10240x64xf32, #tpu.memory_space<vmem_shared>> -> memref<10240x64xf32, #tpu.memory_space<vmem_shared>>
      tpu.enqueue_indirect_dma source(%arg6 : memref<128x64xf32, #tpu.memory_space<vmem>>) target(%dma_start3A_28 : memref<10240x64xf32, #tpu.memory_space<vmem_shared>>) offsets(%dma_start3A_25 : memref<128xi32, #tpu.memory_space<vmem>>) semaphore(%arg8 : memref<!tpu.dma_semaphore, #tpu.memory_space<semaphore_mem>>) {add = true}
      %add3A_29 = arith.constant 1 : i32
      %add3A_30 = arith.addi %add3A_21, %add3A_29 : i32
      %dma_start3A_31 = arith.constant 0 : i32
      %dma_start3A_32 = tpu.memref_slice %arg5[%add3A_30, %dma_start3A_31] : memref<160x128xi32, #tpu.memory_space<vmem>> -> memref<1x128xi32, #tpu.memory_space<vmem>>
      %dma_start3A_33 = tpu.memref_squeeze %dma_start3A_32 : memref<1x128xi32, #tpu.memory_space<vmem>> -> memref<128xi32, #tpu.memory_space<vmem>>
      %dma_start3A_34 = arith.constant 0 : i32
      %dma_start3A_35 = arith.constant 0 : i32
      %dma_start3A_36 = tpu.memref_slice %arg7[%dma_start3A_34, %dma_start3A_35] : memref<10240x64xf32, #tpu.memory_space<vmem_shared>> -> memref<10240x64xf32, #tpu.memory_space<vmem_shared>>
      tpu.enqueue_indirect_dma source(%arg6 : memref<128x64xf32, #tpu.memory_space<vmem>>) target(%dma_start3A_36 : memref<10240x64xf32, #tpu.memory_space<vmem_shared>>) offsets(%dma_start3A_33 : memref<128xi32, #tpu.memory_space<vmem>>) semaphore(%arg9 : memref<!tpu.dma_semaphore, #tpu.memory_space<semaphore_mem>>) {add = true}
      %add3A_37 = arith.constant 2 : i32
      %add3A_38 = arith.addi %add3A_21, %add3A_37 : i32
      %dma_start3A_39 = arith.constant 0 : i32
      %dma_start3A_40 = tpu.memref_slice %arg5[%add3A_38, %dma_start3A_39] : memref<160x128xi32, #tpu.memory_space<vmem>> -> memref<1x128xi32, #tpu.memory_space<vmem>>
      %dma_start3A_41 = tpu.memref_squeeze %dma_start3A_40 : memref<1x128xi32, #tpu.memory_space<vmem>> -> memref<128xi32, #tpu.memory_space<vmem>>
      %dma_start3A_42 = arith.constant 0 : i32
      %dma_start3A_43 = arith.constant 0 : i32
      %dma_start3A_44 = tpu.memref_slice %arg7[%dma_start3A_42, %dma_start3A_43] : memref<10240x64xf32, #tpu.memory_space<vmem_shared>> -> memref<10240x64xf32, #tpu.memory_space<vmem_shared>>
      tpu.enqueue_indirect_dma source(%arg6 : memref<128x64xf32, #tpu.memory_space<vmem>>) target(%dma_start3A_44 : memref<10240x64xf32, #tpu.memory_space<vmem_shared>>) offsets(%dma_start3A_41 : memref<128xi32, #tpu.memory_space<vmem>>) semaphore(%arg10 : memref<!tpu.dma_semaphore, #tpu.memory_space<semaphore_mem>>) {add = true}
      %add3A_45 = arith.constant 3 : i32
      %add3A_46 = arith.addi %add3A_21, %add3A_45 : i32
      %dma_start3A_47 = arith.constant 0 : i32
      %dma_start3A_48 = tpu.memref_slice %arg5[%add3A_46, %dma_start3A_47] : memref<160x128xi32, #tpu.memory_space<vmem>> -> memref<1x128xi32, #tpu.memory_space<vmem>>
      %dma_start3A_49 = tpu.memref_squeeze %dma_start3A_48 : memref<1x128xi32, #tpu.memory_space<vmem>> -> memref<128xi32, #tpu.memory_space<vmem>>
      %dma_start3A_50 = arith.constant 0 : i32
      %dma_start3A_51 = arith.constant 0 : i32
      %dma_start3A_52 = tpu.memref_slice %arg7[%dma_start3A_50, %dma_start3A_51] : memref<10240x64xf32, #tpu.memory_space<vmem_shared>> -> memref<10240x64xf32, #tpu.memory_space<vmem_shared>>
      tpu.enqueue_indirect_dma source(%arg6 : memref<128x64xf32, #tpu.memory_space<vmem>>) target(%dma_start3A_52 : memref<10240x64xf32, #tpu.memory_space<vmem_shared>>) offsets(%dma_start3A_49 : memref<128xi32, #tpu.memory_space<vmem>>) semaphore(%arg11 : memref<!tpu.dma_semaphore, #tpu.memory_space<semaphore_mem>>) {add = true}
      %add3A_53 = arith.constant 0 : i32
      %add3A_54 = arith.addi %add3A_21, %add3A_53 : i32
      %dma_wait3A = arith.constant 0 : i32
      %dma_wait3A_55 = tpu.memref_slice %arg5[%add3A_54, %dma_wait3A] : memref<160x128xi32, #tpu.memory_space<vmem>> -> memref<1x128xi32, #tpu.memory_space<vmem>>
      %dma_wait3A_56 = tpu.memref_squeeze %dma_wait3A_55 : memref<1x128xi32, #tpu.memory_space<vmem>> -> memref<128xi32, #tpu.memory_space<vmem>>
      %dma_wait3A_57 = arith.constant 0 : i32
      %dma_wait3A_58 = arith.constant 0 : i32
      %dma_wait3A_59 = tpu.memref_slice %arg7[%dma_wait3A_57, %dma_wait3A_58] : memref<10240x64xf32, #tpu.memory_space<vmem_shared>> -> memref<10240x64xf32, #tpu.memory_space<vmem_shared>>
      tpu.wait_indirect_dma semaphore(%arg8 : memref<!tpu.dma_semaphore, #tpu.memory_space<semaphore_mem>>) src(%arg6 : memref<128x64xf32, #tpu.memory_space<vmem>>) dst(%dma_wait3A_59 : memref<10240x64xf32, #tpu.memory_space<vmem_shared>>)
      %add3A_60 = arith.constant 1 : i32
      %add3A_61 = arith.addi %add3A_21, %add3A_60 : i32
      %dma_wait3A_62 = arith.constant 0 : i32
      %dma_wait3A_63 = tpu.memref_slice %arg5[%add3A_61, %dma_wait3A_62] : memref<160x128xi32, #tpu.memory_space<vmem>> -> memref<1x128xi32, #tpu.memory_space<vmem>>
      %dma_wait3A_64 = tpu.memref_squeeze %dma_wait3A_63 : memref<1x128xi32, #tpu.memory_space<vmem>> -> memref<128xi32, #tpu.memory_space<vmem>>
      %dma_wait3A_65 = arith.constant 0 : i32
      %dma_wait3A_66 = arith.constant 0 : i32
      %dma_wait3A_67 = tpu.memref_slice %arg7[%dma_wait3A_65, %dma_wait3A_66] : memref<10240x64xf32, #tpu.memory_space<vmem_shared>> -> memref<10240x64xf32, #tpu.memory_space<vmem_shared>>
      tpu.wait_indirect_dma semaphore(%arg9 : memref<!tpu.dma_semaphore, #tpu.memory_space<semaphore_mem>>) src(%arg6 : memref<128x64xf32, #tpu.memory_space<vmem>>) dst(%dma_wait3A_67 : memref<10240x64xf32, #tpu.memory_space<vmem_shared>>)
      %add3A_68 = arith.constant 2 : i32
      %add3A_69 = arith.addi %add3A_21, %add3A_68 : i32
      %dma_wait3A_70 = arith.constant 0 : i32
      %dma_wait3A_71 = tpu.memref_slice %arg5[%add3A_69, %dma_wait3A_70] : memref<160x128xi32, #tpu.memory_space<vmem>> -> memref<1x128xi32, #tpu.memory_space<vmem>>
      %dma_wait3A_72 = tpu.memref_squeeze %dma_wait3A_71 : memref<1x128xi32, #tpu.memory_space<vmem>> -> memref<128xi32, #tpu.memory_space<vmem>>
      %dma_wait3A_73 = arith.constant 0 : i32
      %dma_wait3A_74 = arith.constant 0 : i32
      %dma_wait3A_75 = tpu.memref_slice %arg7[%dma_wait3A_73, %dma_wait3A_74] : memref<10240x64xf32, #tpu.memory_space<vmem_shared>> -> memref<10240x64xf32, #tpu.memory_space<vmem_shared>>
      tpu.wait_indirect_dma semaphore(%arg10 : memref<!tpu.dma_semaphore, #tpu.memory_space<semaphore_mem>>) src(%arg6 : memref<128x64xf32, #tpu.memory_space<vmem>>) dst(%dma_wait3A_75 : memref<10240x64xf32, #tpu.memory_space<vmem_shared>>)
      %add3A_76 = arith.constant 3 : i32
      %add3A_77 = arith.addi %add3A_21, %add3A_76 : i32
      %dma_wait3A_78 = arith.constant 0 : i32
      %dma_wait3A_79 = tpu.memref_slice %arg5[%add3A_77, %dma_wait3A_78] : memref<160x128xi32, #tpu.memory_space<vmem>> -> memref<1x128xi32, #tpu.memory_space<vmem>>
      %dma_wait3A_80 = tpu.memref_squeeze %dma_wait3A_79 : memref<1x128xi32, #tpu.memory_space<vmem>> -> memref<128xi32, #tpu.memory_space<vmem>>
      %dma_wait3A_81 = arith.constant 0 : i32
      %dma_wait3A_82 = arith.constant 0 : i32
      %dma_wait3A_83 = tpu.memref_slice %arg7[%dma_wait3A_81, %dma_wait3A_82] : memref<10240x64xf32, #tpu.memory_space<vmem_shared>> -> memref<10240x64xf32, #tpu.memory_space<vmem_shared>>
      tpu.wait_indirect_dma semaphore(%arg11 : memref<!tpu.dma_semaphore, #tpu.memory_space<semaphore_mem>>) src(%arg6 : memref<128x64xf32, #tpu.memory_space<vmem>>) dst(%dma_wait3A_83 : memref<10240x64xf32, #tpu.memory_space<vmem_shared>>)
    }
    %barrier3A_18 = arith.constant 0 : index
    tpu.barrier barrier_id(%barrier3A_18)
    "tpu.region"() ({
      %run_scoped3A = tpu.sem_alloc : memref<!tpu.dma_semaphore, #tpu.memory_space<semaphore_mem>>
      %dma_start3A = arith.constant 0 : i32
      %dma_start3A_19 = arith.constant 0 : i32
      %dma_start3A_20 = tpu.memref_slice %arg4[%arg0, %dma_start3A, %dma_start3A_19] : memref<2x10240x64xf32, #tpu.memory_space<hbm>> -> memref<1x10240x64xf32, #tpu.memory_space<hbm>>
      %dma_start3A_21 = tpu.memref_squeeze %dma_start3A_20 : memref<1x10240x64xf32, #tpu.memory_space<hbm>> -> memref<10240x64xf32, #tpu.memory_space<hbm>>
      %dma_start3A_22 = arith.constant 0 : i32
      %dma_start3A_23 = tpu.memref_slice %dma_start3A_21[%mul3A_0, %dma_start3A_22] : memref<10240x64xf32, #tpu.memory_space<hbm>> -> memref<640x64xf32, #tpu.memory_space<hbm>>
      %dma_start3A_24 = arith.constant 0 : i32
      %dma_start3A_25 = tpu.memref_slice %arg7[%mul3A_0, %dma_start3A_24] : memref<10240x64xf32, #tpu.memory_space<vmem_shared>> -> memref<640x64xf32, #tpu.memory_space<vmem_shared>>
      tpu.enqueue_dma source(%dma_start3A_25 : memref<640x64xf32, #tpu.memory_space<vmem_shared>>) target(%dma_start3A_23 : memref<640x64xf32, #tpu.memory_space<hbm>>) target_semaphore(%run_scoped3A : memref<!tpu.dma_semaphore, #tpu.memory_space<semaphore_mem>>)
      %dma_wait3A = arith.constant 0 : i32
      %dma_wait3A_26 = arith.constant 0 : i32
      %dma_wait3A_27 = tpu.memref_slice %arg4[%arg0, %dma_wait3A, %dma_wait3A_26] : memref<2x10240x64xf32, #tpu.memory_space<hbm>> -> memref<1x10240x64xf32, #tpu.memory_space<hbm>>
      %dma_wait3A_28 = tpu.memref_squeeze %dma_wait3A_27 : memref<1x10240x64xf32, #tpu.memory_space<hbm>> -> memref<10240x64xf32, #tpu.memory_space<hbm>>
      %dma_wait3A_29 = arith.constant 0 : i32
      %dma_wait3A_30 = tpu.memref_slice %dma_wait3A_28[%mul3A_0, %dma_wait3A_29] : memref<10240x64xf32, #tpu.memory_space<hbm>> -> memref<640x64xf32, #tpu.memory_space<hbm>>
      %dma_wait3A_31 = arith.constant 0 : i32
      %dma_wait3A_32 = tpu.memref_slice %arg7[%mul3A_0, %dma_wait3A_31] : memref<10240x64xf32, #tpu.memory_space<vmem_shared>> -> memref<640x64xf32, #tpu.memory_space<vmem_shared>>
      tpu.wait_dma2 semaphore(%run_scoped3A : memref<!tpu.dma_semaphore, #tpu.memory_space<semaphore_mem>>) src(%dma_wait3A_32 : memref<640x64xf32, #tpu.memory_space<vmem_shared>>) dst(%dma_wait3A_30 : memref<640x64xf32, #tpu.memory_space<hbm>>)
      tpu.yield
    }) : () -> ()
    return
  }
}

#map = affine_map<(d0, d1) -> (0, 0, 0)>
module attributes {stable_mosaic.version = 14 : i64} {
  func.func @_mp_body(%arg0: i32, %arg1: i32, %arg2: memref<2x10240x64xf32, #tpu.memory_space<hbm>>, %arg3: memref<16x160x128xi32, #tpu.memory_space<hbm>>, %arg4: memref<16x160x128xi32, #tpu.memory_space<hbm>>, %arg5: memref<2x10240x64xf32, #tpu.memory_space<hbm>>, %arg6: memref<160x128xi32, #tpu.memory_space<vmem>>, %arg7: memref<160x128xi32, #tpu.memory_space<vmem>>, %arg8: memref<4x128x64xf32, #tpu.memory_space<vmem>>, %arg9: memref<10240x64xf32, #tpu.memory_space<vmem_shared>>, %arg10: memref<!tpu.dma_semaphore, #tpu.memory_space<semaphore_mem>>, %arg11: memref<!tpu.dma_semaphore, #tpu.memory_space<semaphore_mem>>, %arg12: memref<!tpu.dma_semaphore, #tpu.memory_space<semaphore_mem>>, %arg13: memref<!tpu.dma_semaphore, #tpu.memory_space<semaphore_mem>>, %arg14: memref<!tpu.dma_semaphore, #tpu.memory_space<semaphore_mem>>, %arg15: memref<!tpu.dma_semaphore, #tpu.memory_space<semaphore_mem>>, %arg16: memref<!tpu.dma_semaphore, #tpu.memory_space<semaphore_mem>>, %arg17: memref<!tpu.dma_semaphore, #tpu.memory_space<semaphore_mem>>) attributes {dimension_semantics = [#tpu.dimension_semantics<core_parallel>, #tpu.dimension_semantics<subcore_parallel>], iteration_bounds = array<i64: 2, 16>, scalar_prefetch = 0 : i64, scratch_operands = 12 : i64, tpu.core_type = #tpu.core_type<sc_vector_subcore>, window_params = [{transform_indices = #map}, {transform_indices = #map}, {transform_indices = #map}, {transform_indices = #map}]} {
    %mul3A = arith.constant 640 : i32
    %mul3A_0 = arith.muli %arg1, %mul3A : i32
    "tpu.region"() ({
      %run_scoped3A = tpu.sem_alloc : memref<!tpu.dma_semaphore, #tpu.memory_space<semaphore_mem>>
      %dma_start3A_69 = arith.constant 0 : i32
      %dma_start3A_70 = tpu.memref_slice %arg9[%mul3A_0, %dma_start3A_69] : memref<10240x64xf32, #tpu.memory_space<vmem_shared>> -> memref<640x64xf32, #tpu.memory_space<vmem_shared>>
      %dma_start3A_71 = arith.constant 0 : i32
      %dma_start3A_72 = arith.constant 0 : i32
      %dma_start3A_73 = tpu.memref_slice %arg2[%arg0, %dma_start3A_71, %dma_start3A_72] : memref<2x10240x64xf32, #tpu.memory_space<hbm>> -> memref<1x10240x64xf32, #tpu.memory_space<hbm>>
      %dma_start3A_74 = tpu.memref_squeeze %dma_start3A_73 : memref<1x10240x64xf32, #tpu.memory_space<hbm>> -> memref<10240x64xf32, #tpu.memory_space<hbm>>
      %dma_start3A_75 = arith.constant 0 : i32
      %dma_start3A_76 = tpu.memref_slice %dma_start3A_74[%mul3A_0, %dma_start3A_75] : memref<10240x64xf32, #tpu.memory_space<hbm>> -> memref<640x64xf32, #tpu.memory_space<hbm>>
      tpu.enqueue_dma source(%dma_start3A_76 : memref<640x64xf32, #tpu.memory_space<hbm>>) target(%dma_start3A_70 : memref<640x64xf32, #tpu.memory_space<vmem_shared>>) target_semaphore(%run_scoped3A : memref<!tpu.dma_semaphore, #tpu.memory_space<semaphore_mem>>)
      %dma_wait3A = arith.constant 0 : i32
      %dma_wait3A_77 = tpu.memref_slice %arg9[%mul3A_0, %dma_wait3A] : memref<10240x64xf32, #tpu.memory_space<vmem_shared>> -> memref<640x64xf32, #tpu.memory_space<vmem_shared>>
      %dma_wait3A_78 = arith.constant 0 : i32
      %dma_wait3A_79 = arith.constant 0 : i32
      %dma_wait3A_80 = tpu.memref_slice %arg2[%arg0, %dma_wait3A_78, %dma_wait3A_79] : memref<2x10240x64xf32, #tpu.memory_space<hbm>> -> memref<1x10240x64xf32, #tpu.memory_space<hbm>>
      %dma_wait3A_81 = tpu.memref_squeeze %dma_wait3A_80 : memref<1x10240x64xf32, #tpu.memory_space<hbm>> -> memref<10240x64xf32, #tpu.memory_space<hbm>>
      %dma_wait3A_82 = arith.constant 0 : i32
      %dma_wait3A_83 = tpu.memref_slice %dma_wait3A_81[%mul3A_0, %dma_wait3A_82] : memref<10240x64xf32, #tpu.memory_space<hbm>> -> memref<640x64xf32, #tpu.memory_space<hbm>>
      tpu.wait_dma2 semaphore(%run_scoped3A : memref<!tpu.dma_semaphore, #tpu.memory_space<semaphore_mem>>) src(%dma_wait3A_83 : memref<640x64xf32, #tpu.memory_space<hbm>>) dst(%dma_wait3A_77 : memref<640x64xf32, #tpu.memory_space<vmem_shared>>)
      tpu.yield
    }) : () -> ()
    "tpu.region"() ({
      %run_scoped3A = tpu.sem_alloc : memref<!tpu.dma_semaphore, #tpu.memory_space<semaphore_mem>>
      %dma_start3A_69 = arith.constant 0 : i32
      %dma_start3A_70 = arith.constant 0 : i32
      %dma_start3A_71 = tpu.memref_slice %arg3[%arg1, %dma_start3A_69, %dma_start3A_70] : memref<16x160x128xi32, #tpu.memory_space<hbm>> -> memref<1x160x128xi32, #tpu.memory_space<hbm>>
      %dma_start3A_72 = tpu.memref_squeeze %dma_start3A_71 : memref<1x160x128xi32, #tpu.memory_space<hbm>> -> memref<160x128xi32, #tpu.memory_space<hbm>>
      %dma_start3A_73 = arith.constant 0 : i32
      %dma_start3A_74 = arith.constant 0 : i32
      %dma_start3A_75 = tpu.memref_slice %arg3[%arg1, %dma_start3A_73, %dma_start3A_74] : memref<16x160x128xi32, #tpu.memory_space<hbm>> -> memref<1x160x128xi32, #tpu.memory_space<hbm>>
      %dma_start3A_76 = tpu.memref_squeeze %dma_start3A_75 : memref<1x160x128xi32, #tpu.memory_space<hbm>> -> memref<160x128xi32, #tpu.memory_space<hbm>>
      tpu.enqueue_dma source(%dma_start3A_76 : memref<160x128xi32, #tpu.memory_space<hbm>>) target(%arg6 : memref<160x128xi32, #tpu.memory_space<vmem>>) target_semaphore(%run_scoped3A : memref<!tpu.dma_semaphore, #tpu.memory_space<semaphore_mem>>)
      %dma_wait3A = arith.constant 0 : i32
      %dma_wait3A_77 = arith.constant 0 : i32
      %dma_wait3A_78 = tpu.memref_slice %arg3[%arg1, %dma_wait3A, %dma_wait3A_77] : memref<16x160x128xi32, #tpu.memory_space<hbm>> -> memref<1x160x128xi32, #tpu.memory_space<hbm>>
      %dma_wait3A_79 = tpu.memref_squeeze %dma_wait3A_78 : memref<1x160x128xi32, #tpu.memory_space<hbm>> -> memref<160x128xi32, #tpu.memory_space<hbm>>
      %dma_wait3A_80 = arith.constant 0 : i32
      %dma_wait3A_81 = arith.constant 0 : i32
      %dma_wait3A_82 = tpu.memref_slice %arg3[%arg1, %dma_wait3A_80, %dma_wait3A_81] : memref<16x160x128xi32, #tpu.memory_space<hbm>> -> memref<1x160x128xi32, #tpu.memory_space<hbm>>
      %dma_wait3A_83 = tpu.memref_squeeze %dma_wait3A_82 : memref<1x160x128xi32, #tpu.memory_space<hbm>> -> memref<160x128xi32, #tpu.memory_space<hbm>>
      tpu.wait_dma2 semaphore(%run_scoped3A : memref<!tpu.dma_semaphore, #tpu.memory_space<semaphore_mem>>) src(%dma_wait3A_83 : memref<160x128xi32, #tpu.memory_space<hbm>>) dst(%arg6 : memref<160x128xi32, #tpu.memory_space<vmem>>)
      tpu.yield
    }) : () -> ()
    "tpu.region"() ({
      %run_scoped3A = tpu.sem_alloc : memref<!tpu.dma_semaphore, #tpu.memory_space<semaphore_mem>>
      %dma_start3A_69 = arith.constant 0 : i32
      %dma_start3A_70 = arith.constant 0 : i32
      %dma_start3A_71 = tpu.memref_slice %arg4[%arg1, %dma_start3A_69, %dma_start3A_70] : memref<16x160x128xi32, #tpu.memory_space<hbm>> -> memref<1x160x128xi32, #tpu.memory_space<hbm>>
      %dma_start3A_72 = tpu.memref_squeeze %dma_start3A_71 : memref<1x160x128xi32, #tpu.memory_space<hbm>> -> memref<160x128xi32, #tpu.memory_space<hbm>>
      %dma_start3A_73 = arith.constant 0 : i32
      %dma_start3A_74 = arith.constant 0 : i32
      %dma_start3A_75 = tpu.memref_slice %arg4[%arg1, %dma_start3A_73, %dma_start3A_74] : memref<16x160x128xi32, #tpu.memory_space<hbm>> -> memref<1x160x128xi32, #tpu.memory_space<hbm>>
      %dma_start3A_76 = tpu.memref_squeeze %dma_start3A_75 : memref<1x160x128xi32, #tpu.memory_space<hbm>> -> memref<160x128xi32, #tpu.memory_space<hbm>>
      tpu.enqueue_dma source(%dma_start3A_76 : memref<160x128xi32, #tpu.memory_space<hbm>>) target(%arg7 : memref<160x128xi32, #tpu.memory_space<vmem>>) target_semaphore(%run_scoped3A : memref<!tpu.dma_semaphore, #tpu.memory_space<semaphore_mem>>)
      %dma_wait3A = arith.constant 0 : i32
      %dma_wait3A_77 = arith.constant 0 : i32
      %dma_wait3A_78 = tpu.memref_slice %arg4[%arg1, %dma_wait3A, %dma_wait3A_77] : memref<16x160x128xi32, #tpu.memory_space<hbm>> -> memref<1x160x128xi32, #tpu.memory_space<hbm>>
      %dma_wait3A_79 = tpu.memref_squeeze %dma_wait3A_78 : memref<1x160x128xi32, #tpu.memory_space<hbm>> -> memref<160x128xi32, #tpu.memory_space<hbm>>
      %dma_wait3A_80 = arith.constant 0 : i32
      %dma_wait3A_81 = arith.constant 0 : i32
      %dma_wait3A_82 = tpu.memref_slice %arg4[%arg1, %dma_wait3A_80, %dma_wait3A_81] : memref<16x160x128xi32, #tpu.memory_space<hbm>> -> memref<1x160x128xi32, #tpu.memory_space<hbm>>
      %dma_wait3A_83 = tpu.memref_squeeze %dma_wait3A_82 : memref<1x160x128xi32, #tpu.memory_space<hbm>> -> memref<160x128xi32, #tpu.memory_space<hbm>>
      tpu.wait_dma2 semaphore(%run_scoped3A : memref<!tpu.dma_semaphore, #tpu.memory_space<semaphore_mem>>) src(%dma_wait3A_83 : memref<160x128xi32, #tpu.memory_space<hbm>>) dst(%arg7 : memref<160x128xi32, #tpu.memory_space<vmem>>)
      tpu.yield
    }) : () -> ()
    %barrier3A = arith.constant 0 : index
    tpu.barrier barrier_id(%barrier3A)
    %dma_start3A = arith.constant 0 : i32
    %dma_start3A_1 = arith.constant 0 : i32
    %dma_start3A_2 = arith.constant 0 : i32
    %dma_start3A_3 = arith.constant 0 : i32
    %dma_start3A_4 = tpu.memref_slice %arg8[%dma_start3A_1, %dma_start3A_2, %dma_start3A_3] : memref<4x128x64xf32, #tpu.memory_space<vmem>> -> memref<1x128x64xf32, #tpu.memory_space<vmem>>
    %dma_start3A_5 = tpu.memref_squeeze %dma_start3A_4 : memref<1x128x64xf32, #tpu.memory_space<vmem>> -> memref<128x64xf32, #tpu.memory_space<vmem>>
    %dma_start3A_6 = arith.constant 0 : i32
    %dma_start3A_7 = tpu.memref_slice %arg6[%dma_start3A, %dma_start3A_6] : memref<160x128xi32, #tpu.memory_space<vmem>> -> memref<1x128xi32, #tpu.memory_space<vmem>>
    %dma_start3A_8 = tpu.memref_squeeze %dma_start3A_7 : memref<1x128xi32, #tpu.memory_space<vmem>> -> memref<128xi32, #tpu.memory_space<vmem>>
    %dma_start3A_9 = arith.constant 0 : i32
    %dma_start3A_10 = arith.constant 0 : i32
    %dma_start3A_11 = tpu.memref_slice %arg2[%arg0, %dma_start3A_9, %dma_start3A_10] : memref<2x10240x64xf32, #tpu.memory_space<hbm>> -> memref<1x10240x64xf32, #tpu.memory_space<hbm>>
    %dma_start3A_12 = tpu.memref_squeeze %dma_start3A_11 : memref<1x10240x64xf32, #tpu.memory_space<hbm>> -> memref<10240x64xf32, #tpu.memory_space<hbm>>
    %dma_start3A_13 = arith.constant 0 : i32
    %dma_start3A_14 = arith.constant 0 : i32
    %dma_start3A_15 = tpu.memref_slice %dma_start3A_12[%dma_start3A_13, %dma_start3A_14] : memref<10240x64xf32, #tpu.memory_space<hbm>> -> memref<10240x64xf32, #tpu.memory_space<hbm>>
    tpu.enqueue_indirect_dma source(%dma_start3A_15 : memref<10240x64xf32, #tpu.memory_space<hbm>>) target(%dma_start3A_5 : memref<128x64xf32, #tpu.memory_space<vmem>>) offsets(%dma_start3A_8 : memref<128xi32, #tpu.memory_space<vmem>>) semaphore(%arg10 : memref<!tpu.dma_semaphore, #tpu.memory_space<semaphore_mem>>)
    %dma_start3A_16 = arith.constant 1 : i32
    %dma_start3A_17 = arith.constant 1 : i32
    %dma_start3A_18 = arith.constant 0 : i32
    %dma_start3A_19 = arith.constant 0 : i32
    %dma_start3A_20 = tpu.memref_slice %arg8[%dma_start3A_17, %dma_start3A_18, %dma_start3A_19] : memref<4x128x64xf32, #tpu.memory_space<vmem>> -> memref<1x128x64xf32, #tpu.memory_space<vmem>>
    %dma_start3A_21 = tpu.memref_squeeze %dma_start3A_20 : memref<1x128x64xf32, #tpu.memory_space<vmem>> -> memref<128x64xf32, #tpu.memory_space<vmem>>
    %dma_start3A_22 = arith.constant 0 : i32
    %dma_start3A_23 = tpu.memref_slice %arg6[%dma_start3A_16, %dma_start3A_22] : memref<160x128xi32, #tpu.memory_space<vmem>> -> memref<1x128xi32, #tpu.memory_space<vmem>>
    %dma_start3A_24 = tpu.memref_squeeze %dma_start3A_23 : memref<1x128xi32, #tpu.memory_space<vmem>> -> memref<128xi32, #tpu.memory_space<vmem>>
    %dma_start3A_25 = arith.constant 0 : i32
    %dma_start3A_26 = arith.constant 0 : i32
    %dma_start3A_27 = tpu.memref_slice %arg2[%arg0, %dma_start3A_25, %dma_start3A_26] : memref<2x10240x64xf32, #tpu.memory_space<hbm>> -> memref<1x10240x64xf32, #tpu.memory_space<hbm>>
    %dma_start3A_28 = tpu.memref_squeeze %dma_start3A_27 : memref<1x10240x64xf32, #tpu.memory_space<hbm>> -> memref<10240x64xf32, #tpu.memory_space<hbm>>
    %dma_start3A_29 = arith.constant 0 : i32
    %dma_start3A_30 = arith.constant 0 : i32
    %dma_start3A_31 = tpu.memref_slice %dma_start3A_28[%dma_start3A_29, %dma_start3A_30] : memref<10240x64xf32, #tpu.memory_space<hbm>> -> memref<10240x64xf32, #tpu.memory_space<hbm>>
    tpu.enqueue_indirect_dma source(%dma_start3A_31 : memref<10240x64xf32, #tpu.memory_space<hbm>>) target(%dma_start3A_21 : memref<128x64xf32, #tpu.memory_space<vmem>>) offsets(%dma_start3A_24 : memref<128xi32, #tpu.memory_space<vmem>>) semaphore(%arg11 : memref<!tpu.dma_semaphore, #tpu.memory_space<semaphore_mem>>)
    %dma_start3A_32 = arith.constant 2 : i32
    %dma_start3A_33 = arith.constant 2 : i32
    %dma_start3A_34 = arith.constant 0 : i32
    %dma_start3A_35 = arith.constant 0 : i32
    %dma_start3A_36 = tpu.memref_slice %arg8[%dma_start3A_33, %dma_start3A_34, %dma_start3A_35] : memref<4x128x64xf32, #tpu.memory_space<vmem>> -> memref<1x128x64xf32, #tpu.memory_space<vmem>>
    %dma_start3A_37 = tpu.memref_squeeze %dma_start3A_36 : memref<1x128x64xf32, #tpu.memory_space<vmem>> -> memref<128x64xf32, #tpu.memory_space<vmem>>
    %dma_start3A_38 = arith.constant 0 : i32
    %dma_start3A_39 = tpu.memref_slice %arg6[%dma_start3A_32, %dma_start3A_38] : memref<160x128xi32, #tpu.memory_space<vmem>> -> memref<1x128xi32, #tpu.memory_space<vmem>>
    %dma_start3A_40 = tpu.memref_squeeze %dma_start3A_39 : memref<1x128xi32, #tpu.memory_space<vmem>> -> memref<128xi32, #tpu.memory_space<vmem>>
    %dma_start3A_41 = arith.constant 0 : i32
    %dma_start3A_42 = arith.constant 0 : i32
    %dma_start3A_43 = tpu.memref_slice %arg2[%arg0, %dma_start3A_41, %dma_start3A_42] : memref<2x10240x64xf32, #tpu.memory_space<hbm>> -> memref<1x10240x64xf32, #tpu.memory_space<hbm>>
    %dma_start3A_44 = tpu.memref_squeeze %dma_start3A_43 : memref<1x10240x64xf32, #tpu.memory_space<hbm>> -> memref<10240x64xf32, #tpu.memory_space<hbm>>
    %dma_start3A_45 = arith.constant 0 : i32
    %dma_start3A_46 = arith.constant 0 : i32
    %dma_start3A_47 = tpu.memref_slice %dma_start3A_44[%dma_start3A_45, %dma_start3A_46] : memref<10240x64xf32, #tpu.memory_space<hbm>> -> memref<10240x64xf32, #tpu.memory_space<hbm>>
    tpu.enqueue_indirect_dma source(%dma_start3A_47 : memref<10240x64xf32, #tpu.memory_space<hbm>>) target(%dma_start3A_37 : memref<128x64xf32, #tpu.memory_space<vmem>>) offsets(%dma_start3A_40 : memref<128xi32, #tpu.memory_space<vmem>>) semaphore(%arg12 : memref<!tpu.dma_semaphore, #tpu.memory_space<semaphore_mem>>)
    %dma_start3A_48 = arith.constant 3 : i32
    %dma_start3A_49 = arith.constant 3 : i32
    %dma_start3A_50 = arith.constant 0 : i32
    %dma_start3A_51 = arith.constant 0 : i32
    %dma_start3A_52 = tpu.memref_slice %arg8[%dma_start3A_49, %dma_start3A_50, %dma_start3A_51] : memref<4x128x64xf32, #tpu.memory_space<vmem>> -> memref<1x128x64xf32, #tpu.memory_space<vmem>>
    %dma_start3A_53 = tpu.memref_squeeze %dma_start3A_52 : memref<1x128x64xf32, #tpu.memory_space<vmem>> -> memref<128x64xf32, #tpu.memory_space<vmem>>
    %dma_start3A_54 = arith.constant 0 : i32
    %dma_start3A_55 = tpu.memref_slice %arg6[%dma_start3A_48, %dma_start3A_54] : memref<160x128xi32, #tpu.memory_space<vmem>> -> memref<1x128xi32, #tpu.memory_space<vmem>>
    %dma_start3A_56 = tpu.memref_squeeze %dma_start3A_55 : memref<1x128xi32, #tpu.memory_space<vmem>> -> memref<128xi32, #tpu.memory_space<vmem>>
    %dma_start3A_57 = arith.constant 0 : i32
    %dma_start3A_58 = arith.constant 0 : i32
    %dma_start3A_59 = tpu.memref_slice %arg2[%arg0, %dma_start3A_57, %dma_start3A_58] : memref<2x10240x64xf32, #tpu.memory_space<hbm>> -> memref<1x10240x64xf32, #tpu.memory_space<hbm>>
    %dma_start3A_60 = tpu.memref_squeeze %dma_start3A_59 : memref<1x10240x64xf32, #tpu.memory_space<hbm>> -> memref<10240x64xf32, #tpu.memory_space<hbm>>
    %dma_start3A_61 = arith.constant 0 : i32
    %dma_start3A_62 = arith.constant 0 : i32
    %dma_start3A_63 = tpu.memref_slice %dma_start3A_60[%dma_start3A_61, %dma_start3A_62] : memref<10240x64xf32, #tpu.memory_space<hbm>> -> memref<10240x64xf32, #tpu.memory_space<hbm>>
    tpu.enqueue_indirect_dma source(%dma_start3A_63 : memref<10240x64xf32, #tpu.memory_space<hbm>>) target(%dma_start3A_53 : memref<128x64xf32, #tpu.memory_space<vmem>>) offsets(%dma_start3A_56 : memref<128xi32, #tpu.memory_space<vmem>>) semaphore(%arg13 : memref<!tpu.dma_semaphore, #tpu.memory_space<semaphore_mem>>)
    %scan3A = arith.constant 0 : i32
    %scan3A_64 = arith.constant 40 : i32
    %scan3A_65 = arith.addi %scan3A, %scan3A_64 : i32
    %scan3A_66 = arith.constant 1 : i32
    scf.for %scan3A_69 = %scan3A to %scan3A_65 step %scan3A_66  : i32 {
      %mul3A_70 = arith.constant 4 : i32
      %mul3A_71 = arith.muli %scan3A_69, %mul3A_70 : i32
      %add3A = arith.constant 0 : i32
      %add3A_72 = arith.addi %add3A, %mul3A_71 : i32
      %dma_wait3A = arith.constant 0 : i32
      %dma_wait3A_73 = arith.constant 0 : i32
      %dma_wait3A_74 = arith.constant 0 : i32
      %dma_wait3A_75 = arith.constant 0 : i32
      %dma_wait3A_76 = tpu.memref_slice %arg8[%dma_wait3A_73, %dma_wait3A_74, %dma_wait3A_75] : memref<4x128x64xf32, #tpu.memory_space<vmem>> -> memref<1x128x64xf32, #tpu.memory_space<vmem>>
      %dma_wait3A_77 = tpu.memref_squeeze %dma_wait3A_76 : memref<1x128x64xf32, #tpu.memory_space<vmem>> -> memref<128x64xf32, #tpu.memory_space<vmem>>
      %dma_wait3A_78 = arith.constant 0 : i32
      %dma_wait3A_79 = tpu.memref_slice %arg6[%dma_wait3A, %dma_wait3A_78] : memref<160x128xi32, #tpu.memory_space<vmem>> -> memref<1x128xi32, #tpu.memory_space<vmem>>
      %dma_wait3A_80 = tpu.memref_squeeze %dma_wait3A_79 : memref<1x128xi32, #tpu.memory_space<vmem>> -> memref<128xi32, #tpu.memory_space<vmem>>
      %dma_wait3A_81 = arith.constant 0 : i32
      %dma_wait3A_82 = arith.constant 0 : i32
      %dma_wait3A_83 = tpu.memref_slice %arg2[%arg0, %dma_wait3A_81, %dma_wait3A_82] : memref<2x10240x64xf32, #tpu.memory_space<hbm>> -> memref<1x10240x64xf32, #tpu.memory_space<hbm>>
      %dma_wait3A_84 = tpu.memref_squeeze %dma_wait3A_83 : memref<1x10240x64xf32, #tpu.memory_space<hbm>> -> memref<10240x64xf32, #tpu.memory_space<hbm>>
      %dma_wait3A_85 = arith.constant 0 : i32
      %dma_wait3A_86 = arith.constant 0 : i32
      %dma_wait3A_87 = tpu.memref_slice %dma_wait3A_84[%dma_wait3A_85, %dma_wait3A_86] : memref<10240x64xf32, #tpu.memory_space<hbm>> -> memref<10240x64xf32, #tpu.memory_space<hbm>>
      tpu.wait_indirect_dma semaphore(%arg10 : memref<!tpu.dma_semaphore, #tpu.memory_space<semaphore_mem>>) src(%dma_wait3A_87 : memref<10240x64xf32, #tpu.memory_space<hbm>>) dst(%dma_wait3A_77 : memref<128x64xf32, #tpu.memory_space<vmem>>)
      %add3A_88 = arith.constant 0 : i32
      %add3A_89 = arith.addi %add3A_72, %add3A_88 : i32
      %dma_start3A_90 = arith.constant 0 : i32
      %dma_start3A_91 = arith.constant 0 : i32
      %dma_start3A_92 = arith.constant 0 : i32
      %dma_start3A_93 = tpu.memref_slice %arg8[%dma_start3A_90, %dma_start3A_91, %dma_start3A_92] : memref<4x128x64xf32, #tpu.memory_space<vmem>> -> memref<1x128x64xf32, #tpu.memory_space<vmem>>
      %dma_start3A_94 = tpu.memref_squeeze %dma_start3A_93 : memref<1x128x64xf32, #tpu.memory_space<vmem>> -> memref<128x64xf32, #tpu.memory_space<vmem>>
      %dma_start3A_95 = arith.constant 0 : i32
      %dma_start3A_96 = tpu.memref_slice %arg7[%add3A_89, %dma_start3A_95] : memref<160x128xi32, #tpu.memory_space<vmem>> -> memref<1x128xi32, #tpu.memory_space<vmem>>
      %dma_start3A_97 = tpu.memref_squeeze %dma_start3A_96 : memref<1x128xi32, #tpu.memory_space<vmem>> -> memref<128xi32, #tpu.memory_space<vmem>>
      %dma_start3A_98 = arith.constant 0 : i32
      %dma_start3A_99 = arith.constant 0 : i32
      %dma_start3A_100 = tpu.memref_slice %arg9[%dma_start3A_98, %dma_start3A_99] : memref<10240x64xf32, #tpu.memory_space<vmem_shared>> -> memref<10240x64xf32, #tpu.memory_space<vmem_shared>>
      tpu.enqueue_indirect_dma source(%dma_start3A_94 : memref<128x64xf32, #tpu.memory_space<vmem>>) target(%dma_start3A_100 : memref<10240x64xf32, #tpu.memory_space<vmem_shared>>) offsets(%dma_start3A_97 : memref<128xi32, #tpu.memory_space<vmem>>) semaphore(%arg14 : memref<!tpu.dma_semaphore, #tpu.memory_space<semaphore_mem>>) {add = true}
      %dma_wait3A_101 = arith.constant 1 : i32
      %dma_wait3A_102 = arith.constant 1 : i32
      %dma_wait3A_103 = arith.constant 0 : i32
      %dma_wait3A_104 = arith.constant 0 : i32
      %dma_wait3A_105 = tpu.memref_slice %arg8[%dma_wait3A_102, %dma_wait3A_103, %dma_wait3A_104] : memref<4x128x64xf32, #tpu.memory_space<vmem>> -> memref<1x128x64xf32, #tpu.memory_space<vmem>>
      %dma_wait3A_106 = tpu.memref_squeeze %dma_wait3A_105 : memref<1x128x64xf32, #tpu.memory_space<vmem>> -> memref<128x64xf32, #tpu.memory_space<vmem>>
      %dma_wait3A_107 = arith.constant 0 : i32
      %dma_wait3A_108 = tpu.memref_slice %arg6[%dma_wait3A_101, %dma_wait3A_107] : memref<160x128xi32, #tpu.memory_space<vmem>> -> memref<1x128xi32, #tpu.memory_space<vmem>>
      %dma_wait3A_109 = tpu.memref_squeeze %dma_wait3A_108 : memref<1x128xi32, #tpu.memory_space<vmem>> -> memref<128xi32, #tpu.memory_space<vmem>>
      %dma_wait3A_110 = arith.constant 0 : i32
      %dma_wait3A_111 = arith.constant 0 : i32
      %dma_wait3A_112 = tpu.memref_slice %arg2[%arg0, %dma_wait3A_110, %dma_wait3A_111] : memref<2x10240x64xf32, #tpu.memory_space<hbm>> -> memref<1x10240x64xf32, #tpu.memory_space<hbm>>
      %dma_wait3A_113 = tpu.memref_squeeze %dma_wait3A_112 : memref<1x10240x64xf32, #tpu.memory_space<hbm>> -> memref<10240x64xf32, #tpu.memory_space<hbm>>
      %dma_wait3A_114 = arith.constant 0 : i32
      %dma_wait3A_115 = arith.constant 0 : i32
      %dma_wait3A_116 = tpu.memref_slice %dma_wait3A_113[%dma_wait3A_114, %dma_wait3A_115] : memref<10240x64xf32, #tpu.memory_space<hbm>> -> memref<10240x64xf32, #tpu.memory_space<hbm>>
      tpu.wait_indirect_dma semaphore(%arg11 : memref<!tpu.dma_semaphore, #tpu.memory_space<semaphore_mem>>) src(%dma_wait3A_116 : memref<10240x64xf32, #tpu.memory_space<hbm>>) dst(%dma_wait3A_106 : memref<128x64xf32, #tpu.memory_space<vmem>>)
      %add3A_117 = arith.constant 1 : i32
      %add3A_118 = arith.addi %add3A_72, %add3A_117 : i32
      %dma_start3A_119 = arith.constant 1 : i32
      %dma_start3A_120 = arith.constant 0 : i32
      %dma_start3A_121 = arith.constant 0 : i32
      %dma_start3A_122 = tpu.memref_slice %arg8[%dma_start3A_119, %dma_start3A_120, %dma_start3A_121] : memref<4x128x64xf32, #tpu.memory_space<vmem>> -> memref<1x128x64xf32, #tpu.memory_space<vmem>>
      %dma_start3A_123 = tpu.memref_squeeze %dma_start3A_122 : memref<1x128x64xf32, #tpu.memory_space<vmem>> -> memref<128x64xf32, #tpu.memory_space<vmem>>
      %dma_start3A_124 = arith.constant 0 : i32
      %dma_start3A_125 = tpu.memref_slice %arg7[%add3A_118, %dma_start3A_124] : memref<160x128xi32, #tpu.memory_space<vmem>> -> memref<1x128xi32, #tpu.memory_space<vmem>>
      %dma_start3A_126 = tpu.memref_squeeze %dma_start3A_125 : memref<1x128xi32, #tpu.memory_space<vmem>> -> memref<128xi32, #tpu.memory_space<vmem>>
      %dma_start3A_127 = arith.constant 0 : i32
      %dma_start3A_128 = arith.constant 0 : i32
      %dma_start3A_129 = tpu.memref_slice %arg9[%dma_start3A_127, %dma_start3A_128] : memref<10240x64xf32, #tpu.memory_space<vmem_shared>> -> memref<10240x64xf32, #tpu.memory_space<vmem_shared>>
      tpu.enqueue_indirect_dma source(%dma_start3A_123 : memref<128x64xf32, #tpu.memory_space<vmem>>) target(%dma_start3A_129 : memref<10240x64xf32, #tpu.memory_space<vmem_shared>>) offsets(%dma_start3A_126 : memref<128xi32, #tpu.memory_space<vmem>>) semaphore(%arg15 : memref<!tpu.dma_semaphore, #tpu.memory_space<semaphore_mem>>) {add = true}
      %dma_wait3A_130 = arith.constant 2 : i32
      %dma_wait3A_131 = arith.constant 2 : i32
      %dma_wait3A_132 = arith.constant 0 : i32
      %dma_wait3A_133 = arith.constant 0 : i32
      %dma_wait3A_134 = tpu.memref_slice %arg8[%dma_wait3A_131, %dma_wait3A_132, %dma_wait3A_133] : memref<4x128x64xf32, #tpu.memory_space<vmem>> -> memref<1x128x64xf32, #tpu.memory_space<vmem>>
      %dma_wait3A_135 = tpu.memref_squeeze %dma_wait3A_134 : memref<1x128x64xf32, #tpu.memory_space<vmem>> -> memref<128x64xf32, #tpu.memory_space<vmem>>
      %dma_wait3A_136 = arith.constant 0 : i32
      %dma_wait3A_137 = tpu.memref_slice %arg6[%dma_wait3A_130, %dma_wait3A_136] : memref<160x128xi32, #tpu.memory_space<vmem>> -> memref<1x128xi32, #tpu.memory_space<vmem>>
      %dma_wait3A_138 = tpu.memref_squeeze %dma_wait3A_137 : memref<1x128xi32, #tpu.memory_space<vmem>> -> memref<128xi32, #tpu.memory_space<vmem>>
      %dma_wait3A_139 = arith.constant 0 : i32
      %dma_wait3A_140 = arith.constant 0 : i32
      %dma_wait3A_141 = tpu.memref_slice %arg2[%arg0, %dma_wait3A_139, %dma_wait3A_140] : memref<2x10240x64xf32, #tpu.memory_space<hbm>> -> memref<1x10240x64xf32, #tpu.memory_space<hbm>>
      %dma_wait3A_142 = tpu.memref_squeeze %dma_wait3A_141 : memref<1x10240x64xf32, #tpu.memory_space<hbm>> -> memref<10240x64xf32, #tpu.memory_space<hbm>>
      %dma_wait3A_143 = arith.constant 0 : i32
      %dma_wait3A_144 = arith.constant 0 : i32
      %dma_wait3A_145 = tpu.memref_slice %dma_wait3A_142[%dma_wait3A_143, %dma_wait3A_144] : memref<10240x64xf32, #tpu.memory_space<hbm>> -> memref<10240x64xf32, #tpu.memory_space<hbm>>
      tpu.wait_indirect_dma semaphore(%arg12 : memref<!tpu.dma_semaphore, #tpu.memory_space<semaphore_mem>>) src(%dma_wait3A_145 : memref<10240x64xf32, #tpu.memory_space<hbm>>) dst(%dma_wait3A_135 : memref<128x64xf32, #tpu.memory_space<vmem>>)
      %add3A_146 = arith.constant 2 : i32
      %add3A_147 = arith.addi %add3A_72, %add3A_146 : i32
      %dma_start3A_148 = arith.constant 2 : i32
      %dma_start3A_149 = arith.constant 0 : i32
      %dma_start3A_150 = arith.constant 0 : i32
      %dma_start3A_151 = tpu.memref_slice %arg8[%dma_start3A_148, %dma_start3A_149, %dma_start3A_150] : memref<4x128x64xf32, #tpu.memory_space<vmem>> -> memref<1x128x64xf32, #tpu.memory_space<vmem>>
      %dma_start3A_152 = tpu.memref_squeeze %dma_start3A_151 : memref<1x128x64xf32, #tpu.memory_space<vmem>> -> memref<128x64xf32, #tpu.memory_space<vmem>>
      %dma_start3A_153 = arith.constant 0 : i32
      %dma_start3A_154 = tpu.memref_slice %arg7[%add3A_147, %dma_start3A_153] : memref<160x128xi32, #tpu.memory_space<vmem>> -> memref<1x128xi32, #tpu.memory_space<vmem>>
      %dma_start3A_155 = tpu.memref_squeeze %dma_start3A_154 : memref<1x128xi32, #tpu.memory_space<vmem>> -> memref<128xi32, #tpu.memory_space<vmem>>
      %dma_start3A_156 = arith.constant 0 : i32
      %dma_start3A_157 = arith.constant 0 : i32
      %dma_start3A_158 = tpu.memref_slice %arg9[%dma_start3A_156, %dma_start3A_157] : memref<10240x64xf32, #tpu.memory_space<vmem_shared>> -> memref<10240x64xf32, #tpu.memory_space<vmem_shared>>
      tpu.enqueue_indirect_dma source(%dma_start3A_152 : memref<128x64xf32, #tpu.memory_space<vmem>>) target(%dma_start3A_158 : memref<10240x64xf32, #tpu.memory_space<vmem_shared>>) offsets(%dma_start3A_155 : memref<128xi32, #tpu.memory_space<vmem>>) semaphore(%arg16 : memref<!tpu.dma_semaphore, #tpu.memory_space<semaphore_mem>>) {add = true}
      %dma_wait3A_159 = arith.constant 3 : i32
      %dma_wait3A_160 = arith.constant 3 : i32
      %dma_wait3A_161 = arith.constant 0 : i32
      %dma_wait3A_162 = arith.constant 0 : i32
      %dma_wait3A_163 = tpu.memref_slice %arg8[%dma_wait3A_160, %dma_wait3A_161, %dma_wait3A_162] : memref<4x128x64xf32, #tpu.memory_space<vmem>> -> memref<1x128x64xf32, #tpu.memory_space<vmem>>
      %dma_wait3A_164 = tpu.memref_squeeze %dma_wait3A_163 : memref<1x128x64xf32, #tpu.memory_space<vmem>> -> memref<128x64xf32, #tpu.memory_space<vmem>>
      %dma_wait3A_165 = arith.constant 0 : i32
      %dma_wait3A_166 = tpu.memref_slice %arg6[%dma_wait3A_159, %dma_wait3A_165] : memref<160x128xi32, #tpu.memory_space<vmem>> -> memref<1x128xi32, #tpu.memory_space<vmem>>
      %dma_wait3A_167 = tpu.memref_squeeze %dma_wait3A_166 : memref<1x128xi32, #tpu.memory_space<vmem>> -> memref<128xi32, #tpu.memory_space<vmem>>
      %dma_wait3A_168 = arith.constant 0 : i32
      %dma_wait3A_169 = arith.constant 0 : i32
      %dma_wait3A_170 = tpu.memref_slice %arg2[%arg0, %dma_wait3A_168, %dma_wait3A_169] : memref<2x10240x64xf32, #tpu.memory_space<hbm>> -> memref<1x10240x64xf32, #tpu.memory_space<hbm>>
      %dma_wait3A_171 = tpu.memref_squeeze %dma_wait3A_170 : memref<1x10240x64xf32, #tpu.memory_space<hbm>> -> memref<10240x64xf32, #tpu.memory_space<hbm>>
      %dma_wait3A_172 = arith.constant 0 : i32
      %dma_wait3A_173 = arith.constant 0 : i32
      %dma_wait3A_174 = tpu.memref_slice %dma_wait3A_171[%dma_wait3A_172, %dma_wait3A_173] : memref<10240x64xf32, #tpu.memory_space<hbm>> -> memref<10240x64xf32, #tpu.memory_space<hbm>>
      tpu.wait_indirect_dma semaphore(%arg13 : memref<!tpu.dma_semaphore, #tpu.memory_space<semaphore_mem>>) src(%dma_wait3A_174 : memref<10240x64xf32, #tpu.memory_space<hbm>>) dst(%dma_wait3A_164 : memref<128x64xf32, #tpu.memory_space<vmem>>)
      %add3A_175 = arith.constant 3 : i32
      %add3A_176 = arith.addi %add3A_72, %add3A_175 : i32
      %dma_start3A_177 = arith.constant 3 : i32
      %dma_start3A_178 = arith.constant 0 : i32
      %dma_start3A_179 = arith.constant 0 : i32
      %dma_start3A_180 = tpu.memref_slice %arg8[%dma_start3A_177, %dma_start3A_178, %dma_start3A_179] : memref<4x128x64xf32, #tpu.memory_space<vmem>> -> memref<1x128x64xf32, #tpu.memory_space<vmem>>
      %dma_start3A_181 = tpu.memref_squeeze %dma_start3A_180 : memref<1x128x64xf32, #tpu.memory_space<vmem>> -> memref<128x64xf32, #tpu.memory_space<vmem>>
      %dma_start3A_182 = arith.constant 0 : i32
      %dma_start3A_183 = tpu.memref_slice %arg7[%add3A_176, %dma_start3A_182] : memref<160x128xi32, #tpu.memory_space<vmem>> -> memref<1x128xi32, #tpu.memory_space<vmem>>
      %dma_start3A_184 = tpu.memref_squeeze %dma_start3A_183 : memref<1x128xi32, #tpu.memory_space<vmem>> -> memref<128xi32, #tpu.memory_space<vmem>>
      %dma_start3A_185 = arith.constant 0 : i32
      %dma_start3A_186 = arith.constant 0 : i32
      %dma_start3A_187 = tpu.memref_slice %arg9[%dma_start3A_185, %dma_start3A_186] : memref<10240x64xf32, #tpu.memory_space<vmem_shared>> -> memref<10240x64xf32, #tpu.memory_space<vmem_shared>>
      tpu.enqueue_indirect_dma source(%dma_start3A_181 : memref<128x64xf32, #tpu.memory_space<vmem>>) target(%dma_start3A_187 : memref<10240x64xf32, #tpu.memory_space<vmem_shared>>) offsets(%dma_start3A_184 : memref<128xi32, #tpu.memory_space<vmem>>) semaphore(%arg17 : memref<!tpu.dma_semaphore, #tpu.memory_space<semaphore_mem>>) {add = true}
      %add3A_188 = arith.constant 0 : i32
      %add3A_189 = arith.addi %add3A_72, %add3A_188 : i32
      %dma_wait3A_190 = arith.constant 0 : i32
      %dma_wait3A_191 = arith.constant 0 : i32
      %dma_wait3A_192 = arith.constant 0 : i32
      %dma_wait3A_193 = tpu.memref_slice %arg8[%dma_wait3A_190, %dma_wait3A_191, %dma_wait3A_192] : memref<4x128x64xf32, #tpu.memory_space<vmem>> -> memref<1x128x64xf32, #tpu.memory_space<vmem>>
      %dma_wait3A_194 = tpu.memref_squeeze %dma_wait3A_193 : memref<1x128x64xf32, #tpu.memory_space<vmem>> -> memref<128x64xf32, #tpu.memory_space<vmem>>
      %dma_wait3A_195 = arith.constant 0 : i32
      %dma_wait3A_196 = tpu.memref_slice %arg7[%add3A_189, %dma_wait3A_195] : memref<160x128xi32, #tpu.memory_space<vmem>> -> memref<1x128xi32, #tpu.memory_space<vmem>>
      %dma_wait3A_197 = tpu.memref_squeeze %dma_wait3A_196 : memref<1x128xi32, #tpu.memory_space<vmem>> -> memref<128xi32, #tpu.memory_space<vmem>>
      %dma_wait3A_198 = arith.constant 0 : i32
      %dma_wait3A_199 = arith.constant 0 : i32
      %dma_wait3A_200 = tpu.memref_slice %arg9[%dma_wait3A_198, %dma_wait3A_199] : memref<10240x64xf32, #tpu.memory_space<vmem_shared>> -> memref<10240x64xf32, #tpu.memory_space<vmem_shared>>
      tpu.wait_indirect_dma semaphore(%arg14 : memref<!tpu.dma_semaphore, #tpu.memory_space<semaphore_mem>>) src(%dma_wait3A_194 : memref<128x64xf32, #tpu.memory_space<vmem>>) dst(%dma_wait3A_200 : memref<10240x64xf32, #tpu.memory_space<vmem_shared>>)
      %add3A_201 = arith.constant 4 : i32
      %add3A_202 = arith.addi %add3A_189, %add3A_201 : i32
      %lt3A = arith.constant 160 : i32
      %lt3A_203 = arith.cmpi slt, %add3A_202, %lt3A : i32
      %convert_element_type3A = arith.extui %lt3A_203 : i1 to i32
      %cond3A = arith.constant 0 : i32
      %cond3A_204 = arith.cmpi ne, %convert_element_type3A, %cond3A : i32
      scf.if %cond3A_204 {
        %add3A_265 = arith.constant 4 : i32
        %add3A_266 = arith.addi %add3A_189, %add3A_265 : i32
        %dma_start3A_267 = arith.constant 0 : i32
        %dma_start3A_268 = arith.constant 0 : i32
        %dma_start3A_269 = arith.constant 0 : i32
        %dma_start3A_270 = tpu.memref_slice %arg8[%dma_start3A_267, %dma_start3A_268, %dma_start3A_269] : memref<4x128x64xf32, #tpu.memory_space<vmem>> -> memref<1x128x64xf32, #tpu.memory_space<vmem>>
        %dma_start3A_271 = tpu.memref_squeeze %dma_start3A_270 : memref<1x128x64xf32, #tpu.memory_space<vmem>> -> memref<128x64xf32, #tpu.memory_space<vmem>>
        %dma_start3A_272 = arith.constant 0 : i32
        %dma_start3A_273 = tpu.memref_slice %arg6[%add3A_266, %dma_start3A_272] : memref<160x128xi32, #tpu.memory_space<vmem>> -> memref<1x128xi32, #tpu.memory_space<vmem>>
        %dma_start3A_274 = tpu.memref_squeeze %dma_start3A_273 : memref<1x128xi32, #tpu.memory_space<vmem>> -> memref<128xi32, #tpu.memory_space<vmem>>
        %dma_start3A_275 = arith.constant 0 : i32
        %dma_start3A_276 = arith.constant 0 : i32
        %dma_start3A_277 = tpu.memref_slice %arg2[%arg0, %dma_start3A_275, %dma_start3A_276] : memref<2x10240x64xf32, #tpu.memory_space<hbm>> -> memref<1x10240x64xf32, #tpu.memory_space<hbm>>
        %dma_start3A_278 = tpu.memref_squeeze %dma_start3A_277 : memref<1x10240x64xf32, #tpu.memory_space<hbm>> -> memref<10240x64xf32, #tpu.memory_space<hbm>>
        %dma_start3A_279 = arith.constant 0 : i32
        %dma_start3A_280 = arith.constant 0 : i32
        %dma_start3A_281 = tpu.memref_slice %dma_start3A_278[%dma_start3A_279, %dma_start3A_280] : memref<10240x64xf32, #tpu.memory_space<hbm>> -> memref<10240x64xf32, #tpu.memory_space<hbm>>
        tpu.enqueue_indirect_dma source(%dma_start3A_281 : memref<10240x64xf32, #tpu.memory_space<hbm>>) target(%dma_start3A_271 : memref<128x64xf32, #tpu.memory_space<vmem>>) offsets(%dma_start3A_274 : memref<128xi32, #tpu.memory_space<vmem>>) semaphore(%arg10 : memref<!tpu.dma_semaphore, #tpu.memory_space<semaphore_mem>>)
      } else {
      }
      %add3A_205 = arith.constant 1 : i32
      %add3A_206 = arith.addi %add3A_72, %add3A_205 : i32
      %dma_wait3A_207 = arith.constant 1 : i32
      %dma_wait3A_208 = arith.constant 0 : i32
      %dma_wait3A_209 = arith.constant 0 : i32
      %dma_wait3A_210 = tpu.memref_slice %arg8[%dma_wait3A_207, %dma_wait3A_208, %dma_wait3A_209] : memref<4x128x64xf32, #tpu.memory_space<vmem>> -> memref<1x128x64xf32, #tpu.memory_space<vmem>>
      %dma_wait3A_211 = tpu.memref_squeeze %dma_wait3A_210 : memref<1x128x64xf32, #tpu.memory_space<vmem>> -> memref<128x64xf32, #tpu.memory_space<vmem>>
      %dma_wait3A_212 = arith.constant 0 : i32
      %dma_wait3A_213 = tpu.memref_slice %arg7[%add3A_206, %dma_wait3A_212] : memref<160x128xi32, #tpu.memory_space<vmem>> -> memref<1x128xi32, #tpu.memory_space<vmem>>
      %dma_wait3A_214 = tpu.memref_squeeze %dma_wait3A_213 : memref<1x128xi32, #tpu.memory_space<vmem>> -> memref<128xi32, #tpu.memory_space<vmem>>
      %dma_wait3A_215 = arith.constant 0 : i32
      %dma_wait3A_216 = arith.constant 0 : i32
      %dma_wait3A_217 = tpu.memref_slice %arg9[%dma_wait3A_215, %dma_wait3A_216] : memref<10240x64xf32, #tpu.memory_space<vmem_shared>> -> memref<10240x64xf32, #tpu.memory_space<vmem_shared>>
      tpu.wait_indirect_dma semaphore(%arg15 : memref<!tpu.dma_semaphore, #tpu.memory_space<semaphore_mem>>) src(%dma_wait3A_211 : memref<128x64xf32, #tpu.memory_space<vmem>>) dst(%dma_wait3A_217 : memref<10240x64xf32, #tpu.memory_space<vmem_shared>>)
      %add3A_218 = arith.constant 4 : i32
      %add3A_219 = arith.addi %add3A_206, %add3A_218 : i32
      %lt3A_220 = arith.constant 160 : i32
      %lt3A_221 = arith.cmpi slt, %add3A_219, %lt3A_220 : i32
      %convert_element_type3A_222 = arith.extui %lt3A_221 : i1 to i32
      %cond3A_223 = arith.constant 0 : i32
      %cond3A_224 = arith.cmpi ne, %convert_element_type3A_222, %cond3A_223 : i32
      scf.if %cond3A_224 {
        %add3A_265 = arith.constant 4 : i32
        %add3A_266 = arith.addi %add3A_206, %add3A_265 : i32
        %dma_start3A_267 = arith.constant 1 : i32
        %dma_start3A_268 = arith.constant 0 : i32
        %dma_start3A_269 = arith.constant 0 : i32
        %dma_start3A_270 = tpu.memref_slice %arg8[%dma_start3A_267, %dma_start3A_268, %dma_start3A_269] : memref<4x128x64xf32, #tpu.memory_space<vmem>> -> memref<1x128x64xf32, #tpu.memory_space<vmem>>
        %dma_start3A_271 = tpu.memref_squeeze %dma_start3A_270 : memref<1x128x64xf32, #tpu.memory_space<vmem>> -> memref<128x64xf32, #tpu.memory_space<vmem>>
        %dma_start3A_272 = arith.constant 0 : i32
        %dma_start3A_273 = tpu.memref_slice %arg6[%add3A_266, %dma_start3A_272] : memref<160x128xi32, #tpu.memory_space<vmem>> -> memref<1x128xi32, #tpu.memory_space<vmem>>
        %dma_start3A_274 = tpu.memref_squeeze %dma_start3A_273 : memref<1x128xi32, #tpu.memory_space<vmem>> -> memref<128xi32, #tpu.memory_space<vmem>>
        %dma_start3A_275 = arith.constant 0 : i32
        %dma_start3A_276 = arith.constant 0 : i32
        %dma_start3A_277 = tpu.memref_slice %arg2[%arg0, %dma_start3A_275, %dma_start3A_276] : memref<2x10240x64xf32, #tpu.memory_space<hbm>> -> memref<1x10240x64xf32, #tpu.memory_space<hbm>>
        %dma_start3A_278 = tpu.memref_squeeze %dma_start3A_277 : memref<1x10240x64xf32, #tpu.memory_space<hbm>> -> memref<10240x64xf32, #tpu.memory_space<hbm>>
        %dma_start3A_279 = arith.constant 0 : i32
        %dma_start3A_280 = arith.constant 0 : i32
        %dma_start3A_281 = tpu.memref_slice %dma_start3A_278[%dma_start3A_279, %dma_start3A_280] : memref<10240x64xf32, #tpu.memory_space<hbm>> -> memref<10240x64xf32, #tpu.memory_space<hbm>>
        tpu.enqueue_indirect_dma source(%dma_start3A_281 : memref<10240x64xf32, #tpu.memory_space<hbm>>) target(%dma_start3A_271 : memref<128x64xf32, #tpu.memory_space<vmem>>) offsets(%dma_start3A_274 : memref<128xi32, #tpu.memory_space<vmem>>) semaphore(%arg11 : memref<!tpu.dma_semaphore, #tpu.memory_space<semaphore_mem>>)
      } else {
      }
      %add3A_225 = arith.constant 2 : i32
      %add3A_226 = arith.addi %add3A_72, %add3A_225 : i32
      %dma_wait3A_227 = arith.constant 2 : i32
      %dma_wait3A_228 = arith.constant 0 : i32
      %dma_wait3A_229 = arith.constant 0 : i32
      %dma_wait3A_230 = tpu.memref_slice %arg8[%dma_wait3A_227, %dma_wait3A_228, %dma_wait3A_229] : memref<4x128x64xf32, #tpu.memory_space<vmem>> -> memref<1x128x64xf32, #tpu.memory_space<vmem>>
      %dma_wait3A_231 = tpu.memref_squeeze %dma_wait3A_230 : memref<1x128x64xf32, #tpu.memory_space<vmem>> -> memref<128x64xf32, #tpu.memory_space<vmem>>
      %dma_wait3A_232 = arith.constant 0 : i32
      %dma_wait3A_233 = tpu.memref_slice %arg7[%add3A_226, %dma_wait3A_232] : memref<160x128xi32, #tpu.memory_space<vmem>> -> memref<1x128xi32, #tpu.memory_space<vmem>>
      %dma_wait3A_234 = tpu.memref_squeeze %dma_wait3A_233 : memref<1x128xi32, #tpu.memory_space<vmem>> -> memref<128xi32, #tpu.memory_space<vmem>>
      %dma_wait3A_235 = arith.constant 0 : i32
      %dma_wait3A_236 = arith.constant 0 : i32
      %dma_wait3A_237 = tpu.memref_slice %arg9[%dma_wait3A_235, %dma_wait3A_236] : memref<10240x64xf32, #tpu.memory_space<vmem_shared>> -> memref<10240x64xf32, #tpu.memory_space<vmem_shared>>
      tpu.wait_indirect_dma semaphore(%arg16 : memref<!tpu.dma_semaphore, #tpu.memory_space<semaphore_mem>>) src(%dma_wait3A_231 : memref<128x64xf32, #tpu.memory_space<vmem>>) dst(%dma_wait3A_237 : memref<10240x64xf32, #tpu.memory_space<vmem_shared>>)
      %add3A_238 = arith.constant 4 : i32
      %add3A_239 = arith.addi %add3A_226, %add3A_238 : i32
      %lt3A_240 = arith.constant 160 : i32
      %lt3A_241 = arith.cmpi slt, %add3A_239, %lt3A_240 : i32
      %convert_element_type3A_242 = arith.extui %lt3A_241 : i1 to i32
      %cond3A_243 = arith.constant 0 : i32
      %cond3A_244 = arith.cmpi ne, %convert_element_type3A_242, %cond3A_243 : i32
      scf.if %cond3A_244 {
        %add3A_265 = arith.constant 4 : i32
        %add3A_266 = arith.addi %add3A_226, %add3A_265 : i32
        %dma_start3A_267 = arith.constant 2 : i32
        %dma_start3A_268 = arith.constant 0 : i32
        %dma_start3A_269 = arith.constant 0 : i32
        %dma_start3A_270 = tpu.memref_slice %arg8[%dma_start3A_267, %dma_start3A_268, %dma_start3A_269] : memref<4x128x64xf32, #tpu.memory_space<vmem>> -> memref<1x128x64xf32, #tpu.memory_space<vmem>>
        %dma_start3A_271 = tpu.memref_squeeze %dma_start3A_270 : memref<1x128x64xf32, #tpu.memory_space<vmem>> -> memref<128x64xf32, #tpu.memory_space<vmem>>
        %dma_start3A_272 = arith.constant 0 : i32
        %dma_start3A_273 = tpu.memref_slice %arg6[%add3A_266, %dma_start3A_272] : memref<160x128xi32, #tpu.memory_space<vmem>> -> memref<1x128xi32, #tpu.memory_space<vmem>>
        %dma_start3A_274 = tpu.memref_squeeze %dma_start3A_273 : memref<1x128xi32, #tpu.memory_space<vmem>> -> memref<128xi32, #tpu.memory_space<vmem>>
        %dma_start3A_275 = arith.constant 0 : i32
        %dma_start3A_276 = arith.constant 0 : i32
        %dma_start3A_277 = tpu.memref_slice %arg2[%arg0, %dma_start3A_275, %dma_start3A_276] : memref<2x10240x64xf32, #tpu.memory_space<hbm>> -> memref<1x10240x64xf32, #tpu.memory_space<hbm>>
        %dma_start3A_278 = tpu.memref_squeeze %dma_start3A_277 : memref<1x10240x64xf32, #tpu.memory_space<hbm>> -> memref<10240x64xf32, #tpu.memory_space<hbm>>
        %dma_start3A_279 = arith.constant 0 : i32
        %dma_start3A_280 = arith.constant 0 : i32
        %dma_start3A_281 = tpu.memref_slice %dma_start3A_278[%dma_start3A_279, %dma_start3A_280] : memref<10240x64xf32, #tpu.memory_space<hbm>> -> memref<10240x64xf32, #tpu.memory_space<hbm>>
        tpu.enqueue_indirect_dma source(%dma_start3A_281 : memref<10240x64xf32, #tpu.memory_space<hbm>>) target(%dma_start3A_271 : memref<128x64xf32, #tpu.memory_space<vmem>>) offsets(%dma_start3A_274 : memref<128xi32, #tpu.memory_space<vmem>>) semaphore(%arg12 : memref<!tpu.dma_semaphore, #tpu.memory_space<semaphore_mem>>)
      } else {
      }
      %add3A_245 = arith.constant 3 : i32
      %add3A_246 = arith.addi %add3A_72, %add3A_245 : i32
      %dma_wait3A_247 = arith.constant 3 : i32
      %dma_wait3A_248 = arith.constant 0 : i32
      %dma_wait3A_249 = arith.constant 0 : i32
      %dma_wait3A_250 = tpu.memref_slice %arg8[%dma_wait3A_247, %dma_wait3A_248, %dma_wait3A_249] : memref<4x128x64xf32, #tpu.memory_space<vmem>> -> memref<1x128x64xf32, #tpu.memory_space<vmem>>
      %dma_wait3A_251 = tpu.memref_squeeze %dma_wait3A_250 : memref<1x128x64xf32, #tpu.memory_space<vmem>> -> memref<128x64xf32, #tpu.memory_space<vmem>>
      %dma_wait3A_252 = arith.constant 0 : i32
      %dma_wait3A_253 = tpu.memref_slice %arg7[%add3A_246, %dma_wait3A_252] : memref<160x128xi32, #tpu.memory_space<vmem>> -> memref<1x128xi32, #tpu.memory_space<vmem>>
      %dma_wait3A_254 = tpu.memref_squeeze %dma_wait3A_253 : memref<1x128xi32, #tpu.memory_space<vmem>> -> memref<128xi32, #tpu.memory_space<vmem>>
      %dma_wait3A_255 = arith.constant 0 : i32
      %dma_wait3A_256 = arith.constant 0 : i32
      %dma_wait3A_257 = tpu.memref_slice %arg9[%dma_wait3A_255, %dma_wait3A_256] : memref<10240x64xf32, #tpu.memory_space<vmem_shared>> -> memref<10240x64xf32, #tpu.memory_space<vmem_shared>>
      tpu.wait_indirect_dma semaphore(%arg17 : memref<!tpu.dma_semaphore, #tpu.memory_space<semaphore_mem>>) src(%dma_wait3A_251 : memref<128x64xf32, #tpu.memory_space<vmem>>) dst(%dma_wait3A_257 : memref<10240x64xf32, #tpu.memory_space<vmem_shared>>)
      %add3A_258 = arith.constant 4 : i32
      %add3A_259 = arith.addi %add3A_246, %add3A_258 : i32
      %lt3A_260 = arith.constant 160 : i32
      %lt3A_261 = arith.cmpi slt, %add3A_259, %lt3A_260 : i32
      %convert_element_type3A_262 = arith.extui %lt3A_261 : i1 to i32
      %cond3A_263 = arith.constant 0 : i32
      %cond3A_264 = arith.cmpi ne, %convert_element_type3A_262, %cond3A_263 : i32
      scf.if %cond3A_264 {
        %add3A_265 = arith.constant 4 : i32
        %add3A_266 = arith.addi %add3A_246, %add3A_265 : i32
        %dma_start3A_267 = arith.constant 3 : i32
        %dma_start3A_268 = arith.constant 0 : i32
        %dma_start3A_269 = arith.constant 0 : i32
        %dma_start3A_270 = tpu.memref_slice %arg8[%dma_start3A_267, %dma_start3A_268, %dma_start3A_269] : memref<4x128x64xf32, #tpu.memory_space<vmem>> -> memref<1x128x64xf32, #tpu.memory_space<vmem>>
        %dma_start3A_271 = tpu.memref_squeeze %dma_start3A_270 : memref<1x128x64xf32, #tpu.memory_space<vmem>> -> memref<128x64xf32, #tpu.memory_space<vmem>>
        %dma_start3A_272 = arith.constant 0 : i32
        %dma_start3A_273 = tpu.memref_slice %arg6[%add3A_266, %dma_start3A_272] : memref<160x128xi32, #tpu.memory_space<vmem>> -> memref<1x128xi32, #tpu.memory_space<vmem>>
        %dma_start3A_274 = tpu.memref_squeeze %dma_start3A_273 : memref<1x128xi32, #tpu.memory_space<vmem>> -> memref<128xi32, #tpu.memory_space<vmem>>
        %dma_start3A_275 = arith.constant 0 : i32
        %dma_start3A_276 = arith.constant 0 : i32
        %dma_start3A_277 = tpu.memref_slice %arg2[%arg0, %dma_start3A_275, %dma_start3A_276] : memref<2x10240x64xf32, #tpu.memory_space<hbm>> -> memref<1x10240x64xf32, #tpu.memory_space<hbm>>
        %dma_start3A_278 = tpu.memref_squeeze %dma_start3A_277 : memref<1x10240x64xf32, #tpu.memory_space<hbm>> -> memref<10240x64xf32, #tpu.memory_space<hbm>>
        %dma_start3A_279 = arith.constant 0 : i32
        %dma_start3A_280 = arith.constant 0 : i32
        %dma_start3A_281 = tpu.memref_slice %dma_start3A_278[%dma_start3A_279, %dma_start3A_280] : memref<10240x64xf32, #tpu.memory_space<hbm>> -> memref<10240x64xf32, #tpu.memory_space<hbm>>
        tpu.enqueue_indirect_dma source(%dma_start3A_281 : memref<10240x64xf32, #tpu.memory_space<hbm>>) target(%dma_start3A_271 : memref<128x64xf32, #tpu.memory_space<vmem>>) offsets(%dma_start3A_274 : memref<128xi32, #tpu.memory_space<vmem>>) semaphore(%arg13 : memref<!tpu.dma_semaphore, #tpu.memory_space<semaphore_mem>>)
      } else {
      }
    }
    %scan3A_67 = arith.constant 40 : i32
    %barrier3A_68 = arith.constant 0 : index
    tpu.barrier barrier_id(%barrier3A_68)
    "tpu.region"() ({
      %run_scoped3A = tpu.sem_alloc : memref<!tpu.dma_semaphore, #tpu.memory_space<semaphore_mem>>
      %dma_start3A_69 = arith.constant 0 : i32
      %dma_start3A_70 = arith.constant 0 : i32
      %dma_start3A_71 = tpu.memref_slice %arg5[%arg0, %dma_start3A_69, %dma_start3A_70] : memref<2x10240x64xf32, #tpu.memory_space<hbm>> -> memref<1x10240x64xf32, #tpu.memory_space<hbm>>
      %dma_start3A_72 = tpu.memref_squeeze %dma_start3A_71 : memref<1x10240x64xf32, #tpu.memory_space<hbm>> -> memref<10240x64xf32, #tpu.memory_space<hbm>>
      %dma_start3A_73 = arith.constant 0 : i32
      %dma_start3A_74 = tpu.memref_slice %dma_start3A_72[%mul3A_0, %dma_start3A_73] : memref<10240x64xf32, #tpu.memory_space<hbm>> -> memref<640x64xf32, #tpu.memory_space<hbm>>
      %dma_start3A_75 = arith.constant 0 : i32
      %dma_start3A_76 = tpu.memref_slice %arg9[%mul3A_0, %dma_start3A_75] : memref<10240x64xf32, #tpu.memory_space<vmem_shared>> -> memref<640x64xf32, #tpu.memory_space<vmem_shared>>
      tpu.enqueue_dma source(%dma_start3A_76 : memref<640x64xf32, #tpu.memory_space<vmem_shared>>) target(%dma_start3A_74 : memref<640x64xf32, #tpu.memory_space<hbm>>) target_semaphore(%run_scoped3A : memref<!tpu.dma_semaphore, #tpu.memory_space<semaphore_mem>>)
      %dma_wait3A = arith.constant 0 : i32
      %dma_wait3A_77 = arith.constant 0 : i32
      %dma_wait3A_78 = tpu.memref_slice %arg5[%arg0, %dma_wait3A, %dma_wait3A_77] : memref<2x10240x64xf32, #tpu.memory_space<hbm>> -> memref<1x10240x64xf32, #tpu.memory_space<hbm>>
      %dma_wait3A_79 = tpu.memref_squeeze %dma_wait3A_78 : memref<1x10240x64xf32, #tpu.memory_space<hbm>> -> memref<10240x64xf32, #tpu.memory_space<hbm>>
      %dma_wait3A_80 = arith.constant 0 : i32
      %dma_wait3A_81 = tpu.memref_slice %dma_wait3A_79[%mul3A_0, %dma_wait3A_80] : memref<10240x64xf32, #tpu.memory_space<hbm>> -> memref<640x64xf32, #tpu.memory_space<hbm>>
      %dma_wait3A_82 = arith.constant 0 : i32
      %dma_wait3A_83 = tpu.memref_slice %arg9[%mul3A_0, %dma_wait3A_82] : memref<10240x64xf32, #tpu.memory_space<vmem_shared>> -> memref<640x64xf32, #tpu.memory_space<vmem_shared>>
      tpu.wait_dma2 semaphore(%run_scoped3A : memref<!tpu.dma_semaphore, #tpu.memory_space<semaphore_mem>>) src(%dma_wait3A_83 : memref<640x64xf32, #tpu.memory_space<vmem_shared>>) dst(%dma_wait3A_81 : memref<640x64xf32, #tpu.memory_space<hbm>>)
      tpu.yield
    }) : () -> ()
    return
  }
}

#map = affine_map<(d0, d1) -> (0, 0, 0)>
module attributes {stable_mosaic.version = 14 : i64} {
  func.func @_mp_body(%arg0: i32, %arg1: i32, %arg2: memref<2x10240x64xf32, #tpu.memory_space<hbm>>, %arg3: memref<16x160x128xi32, #tpu.memory_space<hbm>>, %arg4: memref<16x160x128xi32, #tpu.memory_space<hbm>>, %arg5: memref<2x10240x64xf32, #tpu.memory_space<hbm>>, %arg6: memref<160x128xi32, #tpu.memory_space<vmem>>, %arg7: memref<160x128xi32, #tpu.memory_space<vmem>>, %arg8: memref<4x128x64xf32, #tpu.memory_space<vmem>>, %arg9: memref<10240x64xf32, #tpu.memory_space<vmem_shared>>, %arg10: memref<!tpu.dma_semaphore, #tpu.memory_space<semaphore_mem>>, %arg11: memref<!tpu.dma_semaphore, #tpu.memory_space<semaphore_mem>>, %arg12: memref<!tpu.dma_semaphore, #tpu.memory_space<semaphore_mem>>, %arg13: memref<!tpu.dma_semaphore, #tpu.memory_space<semaphore_mem>>, %arg14: memref<!tpu.dma_semaphore, #tpu.memory_space<semaphore_mem>>, %arg15: memref<!tpu.dma_semaphore, #tpu.memory_space<semaphore_mem>>, %arg16: memref<!tpu.dma_semaphore, #tpu.memory_space<semaphore_mem>>, %arg17: memref<!tpu.dma_semaphore, #tpu.memory_space<semaphore_mem>>) attributes {dimension_semantics = [#tpu.dimension_semantics<core_parallel>, #tpu.dimension_semantics<subcore_parallel>], iteration_bounds = array<i64: 2, 16>, scalar_prefetch = 0 : i64, scratch_operands = 12 : i64, tpu.core_type = #tpu.core_type<sc_vector_subcore>, window_params = [{transform_indices = #map}, {transform_indices = #map}, {transform_indices = #map}, {transform_indices = #map}]} {
    %mul3A = arith.constant 640 : i32
    %mul3A_0 = arith.muli %arg1, %mul3A : i32
    "tpu.region"() ({
      %run_scoped3A = tpu.sem_alloc : memref<!tpu.dma_semaphore, #tpu.memory_space<semaphore_mem>>
      %dma_start3A_69 = arith.constant 0 : i32
      %dma_start3A_70 = tpu.memref_slice %arg9[%mul3A_0, %dma_start3A_69] : memref<10240x64xf32, #tpu.memory_space<vmem_shared>> -> memref<640x64xf32, #tpu.memory_space<vmem_shared>>
      %dma_start3A_71 = arith.constant 0 : i32
      %dma_start3A_72 = arith.constant 0 : i32
      %dma_start3A_73 = tpu.memref_slice %arg2[%arg0, %dma_start3A_71, %dma_start3A_72] : memref<2x10240x64xf32, #tpu.memory_space<hbm>> -> memref<1x10240x64xf32, #tpu.memory_space<hbm>>
      %dma_start3A_74 = tpu.memref_squeeze %dma_start3A_73 : memref<1x10240x64xf32, #tpu.memory_space<hbm>> -> memref<10240x64xf32, #tpu.memory_space<hbm>>
      %dma_start3A_75 = arith.constant 0 : i32
      %dma_start3A_76 = tpu.memref_slice %dma_start3A_74[%mul3A_0, %dma_start3A_75] : memref<10240x64xf32, #tpu.memory_space<hbm>> -> memref<640x64xf32, #tpu.memory_space<hbm>>
      tpu.enqueue_dma source(%dma_start3A_76 : memref<640x64xf32, #tpu.memory_space<hbm>>) target(%dma_start3A_70 : memref<640x64xf32, #tpu.memory_space<vmem_shared>>) target_semaphore(%run_scoped3A : memref<!tpu.dma_semaphore, #tpu.memory_space<semaphore_mem>>)
      %dma_wait3A = arith.constant 0 : i32
      %dma_wait3A_77 = tpu.memref_slice %arg9[%mul3A_0, %dma_wait3A] : memref<10240x64xf32, #tpu.memory_space<vmem_shared>> -> memref<640x64xf32, #tpu.memory_space<vmem_shared>>
      %dma_wait3A_78 = arith.constant 0 : i32
      %dma_wait3A_79 = arith.constant 0 : i32
      %dma_wait3A_80 = tpu.memref_slice %arg2[%arg0, %dma_wait3A_78, %dma_wait3A_79] : memref<2x10240x64xf32, #tpu.memory_space<hbm>> -> memref<1x10240x64xf32, #tpu.memory_space<hbm>>
      %dma_wait3A_81 = tpu.memref_squeeze %dma_wait3A_80 : memref<1x10240x64xf32, #tpu.memory_space<hbm>> -> memref<10240x64xf32, #tpu.memory_space<hbm>>
      %dma_wait3A_82 = arith.constant 0 : i32
      %dma_wait3A_83 = tpu.memref_slice %dma_wait3A_81[%mul3A_0, %dma_wait3A_82] : memref<10240x64xf32, #tpu.memory_space<hbm>> -> memref<640x64xf32, #tpu.memory_space<hbm>>
      tpu.wait_dma2 semaphore(%run_scoped3A : memref<!tpu.dma_semaphore, #tpu.memory_space<semaphore_mem>>) src(%dma_wait3A_83 : memref<640x64xf32, #tpu.memory_space<hbm>>) dst(%dma_wait3A_77 : memref<640x64xf32, #tpu.memory_space<vmem_shared>>)
      tpu.yield
    }) : () -> ()
    "tpu.region"() ({
      %run_scoped3A = tpu.sem_alloc : memref<!tpu.dma_semaphore, #tpu.memory_space<semaphore_mem>>
      %dma_start3A_69 = arith.constant 0 : i32
      %dma_start3A_70 = arith.constant 0 : i32
      %dma_start3A_71 = tpu.memref_slice %arg3[%arg1, %dma_start3A_69, %dma_start3A_70] : memref<16x160x128xi32, #tpu.memory_space<hbm>> -> memref<1x160x128xi32, #tpu.memory_space<hbm>>
      %dma_start3A_72 = tpu.memref_squeeze %dma_start3A_71 : memref<1x160x128xi32, #tpu.memory_space<hbm>> -> memref<160x128xi32, #tpu.memory_space<hbm>>
      %dma_start3A_73 = arith.constant 0 : i32
      %dma_start3A_74 = arith.constant 0 : i32
      %dma_start3A_75 = tpu.memref_slice %arg3[%arg1, %dma_start3A_73, %dma_start3A_74] : memref<16x160x128xi32, #tpu.memory_space<hbm>> -> memref<1x160x128xi32, #tpu.memory_space<hbm>>
      %dma_start3A_76 = tpu.memref_squeeze %dma_start3A_75 : memref<1x160x128xi32, #tpu.memory_space<hbm>> -> memref<160x128xi32, #tpu.memory_space<hbm>>
      tpu.enqueue_dma source(%dma_start3A_76 : memref<160x128xi32, #tpu.memory_space<hbm>>) target(%arg6 : memref<160x128xi32, #tpu.memory_space<vmem>>) target_semaphore(%run_scoped3A : memref<!tpu.dma_semaphore, #tpu.memory_space<semaphore_mem>>)
      %dma_wait3A = arith.constant 0 : i32
      %dma_wait3A_77 = arith.constant 0 : i32
      %dma_wait3A_78 = tpu.memref_slice %arg3[%arg1, %dma_wait3A, %dma_wait3A_77] : memref<16x160x128xi32, #tpu.memory_space<hbm>> -> memref<1x160x128xi32, #tpu.memory_space<hbm>>
      %dma_wait3A_79 = tpu.memref_squeeze %dma_wait3A_78 : memref<1x160x128xi32, #tpu.memory_space<hbm>> -> memref<160x128xi32, #tpu.memory_space<hbm>>
      %dma_wait3A_80 = arith.constant 0 : i32
      %dma_wait3A_81 = arith.constant 0 : i32
      %dma_wait3A_82 = tpu.memref_slice %arg3[%arg1, %dma_wait3A_80, %dma_wait3A_81] : memref<16x160x128xi32, #tpu.memory_space<hbm>> -> memref<1x160x128xi32, #tpu.memory_space<hbm>>
      %dma_wait3A_83 = tpu.memref_squeeze %dma_wait3A_82 : memref<1x160x128xi32, #tpu.memory_space<hbm>> -> memref<160x128xi32, #tpu.memory_space<hbm>>
      tpu.wait_dma2 semaphore(%run_scoped3A : memref<!tpu.dma_semaphore, #tpu.memory_space<semaphore_mem>>) src(%dma_wait3A_83 : memref<160x128xi32, #tpu.memory_space<hbm>>) dst(%arg6 : memref<160x128xi32, #tpu.memory_space<vmem>>)
      tpu.yield
    }) : () -> ()
    "tpu.region"() ({
      %run_scoped3A = tpu.sem_alloc : memref<!tpu.dma_semaphore, #tpu.memory_space<semaphore_mem>>
      %dma_start3A_69 = arith.constant 0 : i32
      %dma_start3A_70 = arith.constant 0 : i32
      %dma_start3A_71 = tpu.memref_slice %arg4[%arg1, %dma_start3A_69, %dma_start3A_70] : memref<16x160x128xi32, #tpu.memory_space<hbm>> -> memref<1x160x128xi32, #tpu.memory_space<hbm>>
      %dma_start3A_72 = tpu.memref_squeeze %dma_start3A_71 : memref<1x160x128xi32, #tpu.memory_space<hbm>> -> memref<160x128xi32, #tpu.memory_space<hbm>>
      %dma_start3A_73 = arith.constant 0 : i32
      %dma_start3A_74 = arith.constant 0 : i32
      %dma_start3A_75 = tpu.memref_slice %arg4[%arg1, %dma_start3A_73, %dma_start3A_74] : memref<16x160x128xi32, #tpu.memory_space<hbm>> -> memref<1x160x128xi32, #tpu.memory_space<hbm>>
      %dma_start3A_76 = tpu.memref_squeeze %dma_start3A_75 : memref<1x160x128xi32, #tpu.memory_space<hbm>> -> memref<160x128xi32, #tpu.memory_space<hbm>>
      tpu.enqueue_dma source(%dma_start3A_76 : memref<160x128xi32, #tpu.memory_space<hbm>>) target(%arg7 : memref<160x128xi32, #tpu.memory_space<vmem>>) target_semaphore(%run_scoped3A : memref<!tpu.dma_semaphore, #tpu.memory_space<semaphore_mem>>)
      %dma_wait3A = arith.constant 0 : i32
      %dma_wait3A_77 = arith.constant 0 : i32
      %dma_wait3A_78 = tpu.memref_slice %arg4[%arg1, %dma_wait3A, %dma_wait3A_77] : memref<16x160x128xi32, #tpu.memory_space<hbm>> -> memref<1x160x128xi32, #tpu.memory_space<hbm>>
      %dma_wait3A_79 = tpu.memref_squeeze %dma_wait3A_78 : memref<1x160x128xi32, #tpu.memory_space<hbm>> -> memref<160x128xi32, #tpu.memory_space<hbm>>
      %dma_wait3A_80 = arith.constant 0 : i32
      %dma_wait3A_81 = arith.constant 0 : i32
      %dma_wait3A_82 = tpu.memref_slice %arg4[%arg1, %dma_wait3A_80, %dma_wait3A_81] : memref<16x160x128xi32, #tpu.memory_space<hbm>> -> memref<1x160x128xi32, #tpu.memory_space<hbm>>
      %dma_wait3A_83 = tpu.memref_squeeze %dma_wait3A_82 : memref<1x160x128xi32, #tpu.memory_space<hbm>> -> memref<160x128xi32, #tpu.memory_space<hbm>>
      tpu.wait_dma2 semaphore(%run_scoped3A : memref<!tpu.dma_semaphore, #tpu.memory_space<semaphore_mem>>) src(%dma_wait3A_83 : memref<160x128xi32, #tpu.memory_space<hbm>>) dst(%arg7 : memref<160x128xi32, #tpu.memory_space<vmem>>)
      tpu.yield
    }) : () -> ()
    %barrier3A = arith.constant 0 : index
    tpu.barrier barrier_id(%barrier3A)
    %dma_start3A = arith.constant 0 : i32
    %dma_start3A_1 = arith.constant 0 : i32
    %dma_start3A_2 = arith.constant 0 : i32
    %dma_start3A_3 = arith.constant 0 : i32
    %dma_start3A_4 = tpu.memref_slice %arg8[%dma_start3A_1, %dma_start3A_2, %dma_start3A_3] : memref<4x128x64xf32, #tpu.memory_space<vmem>> -> memref<1x128x64xf32, #tpu.memory_space<vmem>>
    %dma_start3A_5 = tpu.memref_squeeze %dma_start3A_4 : memref<1x128x64xf32, #tpu.memory_space<vmem>> -> memref<128x64xf32, #tpu.memory_space<vmem>>
    %dma_start3A_6 = arith.constant 0 : i32
    %dma_start3A_7 = tpu.memref_slice %arg6[%dma_start3A, %dma_start3A_6] : memref<160x128xi32, #tpu.memory_space<vmem>> -> memref<1x128xi32, #tpu.memory_space<vmem>>
    %dma_start3A_8 = tpu.memref_squeeze %dma_start3A_7 : memref<1x128xi32, #tpu.memory_space<vmem>> -> memref<128xi32, #tpu.memory_space<vmem>>
    %dma_start3A_9 = arith.constant 0 : i32
    %dma_start3A_10 = arith.constant 0 : i32
    %dma_start3A_11 = tpu.memref_slice %arg2[%arg0, %dma_start3A_9, %dma_start3A_10] : memref<2x10240x64xf32, #tpu.memory_space<hbm>> -> memref<1x10240x64xf32, #tpu.memory_space<hbm>>
    %dma_start3A_12 = tpu.memref_squeeze %dma_start3A_11 : memref<1x10240x64xf32, #tpu.memory_space<hbm>> -> memref<10240x64xf32, #tpu.memory_space<hbm>>
    %dma_start3A_13 = arith.constant 0 : i32
    %dma_start3A_14 = arith.constant 0 : i32
    %dma_start3A_15 = tpu.memref_slice %dma_start3A_12[%dma_start3A_13, %dma_start3A_14] : memref<10240x64xf32, #tpu.memory_space<hbm>> -> memref<10240x64xf32, #tpu.memory_space<hbm>>
    tpu.enqueue_indirect_dma source(%dma_start3A_15 : memref<10240x64xf32, #tpu.memory_space<hbm>>) target(%dma_start3A_5 : memref<128x64xf32, #tpu.memory_space<vmem>>) offsets(%dma_start3A_8 : memref<128xi32, #tpu.memory_space<vmem>>) semaphore(%arg10 : memref<!tpu.dma_semaphore, #tpu.memory_space<semaphore_mem>>)
    %dma_start3A_16 = arith.constant 1 : i32
    %dma_start3A_17 = arith.constant 1 : i32
    %dma_start3A_18 = arith.constant 0 : i32
    %dma_start3A_19 = arith.constant 0 : i32
    %dma_start3A_20 = tpu.memref_slice %arg8[%dma_start3A_17, %dma_start3A_18, %dma_start3A_19] : memref<4x128x64xf32, #tpu.memory_space<vmem>> -> memref<1x128x64xf32, #tpu.memory_space<vmem>>
    %dma_start3A_21 = tpu.memref_squeeze %dma_start3A_20 : memref<1x128x64xf32, #tpu.memory_space<vmem>> -> memref<128x64xf32, #tpu.memory_space<vmem>>
    %dma_start3A_22 = arith.constant 0 : i32
    %dma_start3A_23 = tpu.memref_slice %arg6[%dma_start3A_16, %dma_start3A_22] : memref<160x128xi32, #tpu.memory_space<vmem>> -> memref<1x128xi32, #tpu.memory_space<vmem>>
    %dma_start3A_24 = tpu.memref_squeeze %dma_start3A_23 : memref<1x128xi32, #tpu.memory_space<vmem>> -> memref<128xi32, #tpu.memory_space<vmem>>
    %dma_start3A_25 = arith.constant 0 : i32
    %dma_start3A_26 = arith.constant 0 : i32
    %dma_start3A_27 = tpu.memref_slice %arg2[%arg0, %dma_start3A_25, %dma_start3A_26] : memref<2x10240x64xf32, #tpu.memory_space<hbm>> -> memref<1x10240x64xf32, #tpu.memory_space<hbm>>
    %dma_start3A_28 = tpu.memref_squeeze %dma_start3A_27 : memref<1x10240x64xf32, #tpu.memory_space<hbm>> -> memref<10240x64xf32, #tpu.memory_space<hbm>>
    %dma_start3A_29 = arith.constant 0 : i32
    %dma_start3A_30 = arith.constant 0 : i32
    %dma_start3A_31 = tpu.memref_slice %dma_start3A_28[%dma_start3A_29, %dma_start3A_30] : memref<10240x64xf32, #tpu.memory_space<hbm>> -> memref<10240x64xf32, #tpu.memory_space<hbm>>
    tpu.enqueue_indirect_dma source(%dma_start3A_31 : memref<10240x64xf32, #tpu.memory_space<hbm>>) target(%dma_start3A_21 : memref<128x64xf32, #tpu.memory_space<vmem>>) offsets(%dma_start3A_24 : memref<128xi32, #tpu.memory_space<vmem>>) semaphore(%arg11 : memref<!tpu.dma_semaphore, #tpu.memory_space<semaphore_mem>>)
    %dma_start3A_32 = arith.constant 2 : i32
    %dma_start3A_33 = arith.constant 2 : i32
    %dma_start3A_34 = arith.constant 0 : i32
    %dma_start3A_35 = arith.constant 0 : i32
    %dma_start3A_36 = tpu.memref_slice %arg8[%dma_start3A_33, %dma_start3A_34, %dma_start3A_35] : memref<4x128x64xf32, #tpu.memory_space<vmem>> -> memref<1x128x64xf32, #tpu.memory_space<vmem>>
    %dma_start3A_37 = tpu.memref_squeeze %dma_start3A_36 : memref<1x128x64xf32, #tpu.memory_space<vmem>> -> memref<128x64xf32, #tpu.memory_space<vmem>>
    %dma_start3A_38 = arith.constant 0 : i32
    %dma_start3A_39 = tpu.memref_slice %arg6[%dma_start3A_32, %dma_start3A_38] : memref<160x128xi32, #tpu.memory_space<vmem>> -> memref<1x128xi32, #tpu.memory_space<vmem>>
    %dma_start3A_40 = tpu.memref_squeeze %dma_start3A_39 : memref<1x128xi32, #tpu.memory_space<vmem>> -> memref<128xi32, #tpu.memory_space<vmem>>
    %dma_start3A_41 = arith.constant 0 : i32
    %dma_start3A_42 = arith.constant 0 : i32
    %dma_start3A_43 = tpu.memref_slice %arg2[%arg0, %dma_start3A_41, %dma_start3A_42] : memref<2x10240x64xf32, #tpu.memory_space<hbm>> -> memref<1x10240x64xf32, #tpu.memory_space<hbm>>
    %dma_start3A_44 = tpu.memref_squeeze %dma_start3A_43 : memref<1x10240x64xf32, #tpu.memory_space<hbm>> -> memref<10240x64xf32, #tpu.memory_space<hbm>>
    %dma_start3A_45 = arith.constant 0 : i32
    %dma_start3A_46 = arith.constant 0 : i32
    %dma_start3A_47 = tpu.memref_slice %dma_start3A_44[%dma_start3A_45, %dma_start3A_46] : memref<10240x64xf32, #tpu.memory_space<hbm>> -> memref<10240x64xf32, #tpu.memory_space<hbm>>
    tpu.enqueue_indirect_dma source(%dma_start3A_47 : memref<10240x64xf32, #tpu.memory_space<hbm>>) target(%dma_start3A_37 : memref<128x64xf32, #tpu.memory_space<vmem>>) offsets(%dma_start3A_40 : memref<128xi32, #tpu.memory_space<vmem>>) semaphore(%arg12 : memref<!tpu.dma_semaphore, #tpu.memory_space<semaphore_mem>>)
    %dma_start3A_48 = arith.constant 3 : i32
    %dma_start3A_49 = arith.constant 3 : i32
    %dma_start3A_50 = arith.constant 0 : i32
    %dma_start3A_51 = arith.constant 0 : i32
    %dma_start3A_52 = tpu.memref_slice %arg8[%dma_start3A_49, %dma_start3A_50, %dma_start3A_51] : memref<4x128x64xf32, #tpu.memory_space<vmem>> -> memref<1x128x64xf32, #tpu.memory_space<vmem>>
    %dma_start3A_53 = tpu.memref_squeeze %dma_start3A_52 : memref<1x128x64xf32, #tpu.memory_space<vmem>> -> memref<128x64xf32, #tpu.memory_space<vmem>>
    %dma_start3A_54 = arith.constant 0 : i32
    %dma_start3A_55 = tpu.memref_slice %arg6[%dma_start3A_48, %dma_start3A_54] : memref<160x128xi32, #tpu.memory_space<vmem>> -> memref<1x128xi32, #tpu.memory_space<vmem>>
    %dma_start3A_56 = tpu.memref_squeeze %dma_start3A_55 : memref<1x128xi32, #tpu.memory_space<vmem>> -> memref<128xi32, #tpu.memory_space<vmem>>
    %dma_start3A_57 = arith.constant 0 : i32
    %dma_start3A_58 = arith.constant 0 : i32
    %dma_start3A_59 = tpu.memref_slice %arg2[%arg0, %dma_start3A_57, %dma_start3A_58] : memref<2x10240x64xf32, #tpu.memory_space<hbm>> -> memref<1x10240x64xf32, #tpu.memory_space<hbm>>
    %dma_start3A_60 = tpu.memref_squeeze %dma_start3A_59 : memref<1x10240x64xf32, #tpu.memory_space<hbm>> -> memref<10240x64xf32, #tpu.memory_space<hbm>>
    %dma_start3A_61 = arith.constant 0 : i32
    %dma_start3A_62 = arith.constant 0 : i32
    %dma_start3A_63 = tpu.memref_slice %dma_start3A_60[%dma_start3A_61, %dma_start3A_62] : memref<10240x64xf32, #tpu.memory_space<hbm>> -> memref<10240x64xf32, #tpu.memory_space<hbm>>
    tpu.enqueue_indirect_dma source(%dma_start3A_63 : memref<10240x64xf32, #tpu.memory_space<hbm>>) target(%dma_start3A_53 : memref<128x64xf32, #tpu.memory_space<vmem>>) offsets(%dma_start3A_56 : memref<128xi32, #tpu.memory_space<vmem>>) semaphore(%arg13 : memref<!tpu.dma_semaphore, #tpu.memory_space<semaphore_mem>>)
    %scan3A = arith.constant 0 : i32
    %scan3A_64 = arith.constant 40 : i32
    %scan3A_65 = arith.addi %scan3A, %scan3A_64 : i32
    %scan3A_66 = arith.constant 1 : i32
    scf.for %scan3A_69 = %scan3A to %scan3A_65 step %scan3A_66  : i32 {
      %mul3A_70 = arith.constant 4 : i32
      %mul3A_71 = arith.muli %scan3A_69, %mul3A_70 : i32
      %add3A = arith.constant 0 : i32
      %add3A_72 = arith.addi %add3A, %mul3A_71 : i32
      %dma_wait3A = arith.constant 0 : i32
      %dma_wait3A_73 = arith.constant 0 : i32
      %dma_wait3A_74 = arith.constant 0 : i32
      %dma_wait3A_75 = arith.constant 0 : i32
      %dma_wait3A_76 = tpu.memref_slice %arg8[%dma_wait3A_73, %dma_wait3A_74, %dma_wait3A_75] : memref<4x128x64xf32, #tpu.memory_space<vmem>> -> memref<1x128x64xf32, #tpu.memory_space<vmem>>
      %dma_wait3A_77 = tpu.memref_squeeze %dma_wait3A_76 : memref<1x128x64xf32, #tpu.memory_space<vmem>> -> memref<128x64xf32, #tpu.memory_space<vmem>>
      %dma_wait3A_78 = arith.constant 0 : i32
      %dma_wait3A_79 = tpu.memref_slice %arg6[%dma_wait3A, %dma_wait3A_78] : memref<160x128xi32, #tpu.memory_space<vmem>> -> memref<1x128xi32, #tpu.memory_space<vmem>>
      %dma_wait3A_80 = tpu.memref_squeeze %dma_wait3A_79 : memref<1x128xi32, #tpu.memory_space<vmem>> -> memref<128xi32, #tpu.memory_space<vmem>>
      %dma_wait3A_81 = arith.constant 0 : i32
      %dma_wait3A_82 = arith.constant 0 : i32
      %dma_wait3A_83 = tpu.memref_slice %arg2[%arg0, %dma_wait3A_81, %dma_wait3A_82] : memref<2x10240x64xf32, #tpu.memory_space<hbm>> -> memref<1x10240x64xf32, #tpu.memory_space<hbm>>
      %dma_wait3A_84 = tpu.memref_squeeze %dma_wait3A_83 : memref<1x10240x64xf32, #tpu.memory_space<hbm>> -> memref<10240x64xf32, #tpu.memory_space<hbm>>
      %dma_wait3A_85 = arith.constant 0 : i32
      %dma_wait3A_86 = arith.constant 0 : i32
      %dma_wait3A_87 = tpu.memref_slice %dma_wait3A_84[%dma_wait3A_85, %dma_wait3A_86] : memref<10240x64xf32, #tpu.memory_space<hbm>> -> memref<10240x64xf32, #tpu.memory_space<hbm>>
      tpu.wait_indirect_dma semaphore(%arg10 : memref<!tpu.dma_semaphore, #tpu.memory_space<semaphore_mem>>) src(%dma_wait3A_87 : memref<10240x64xf32, #tpu.memory_space<hbm>>) dst(%dma_wait3A_77 : memref<128x64xf32, #tpu.memory_space<vmem>>)
      %add3A_88 = arith.constant 0 : i32
      %add3A_89 = arith.addi %add3A_72, %add3A_88 : i32
      %dma_start3A_90 = arith.constant 0 : i32
      %dma_start3A_91 = arith.constant 0 : i32
      %dma_start3A_92 = arith.constant 0 : i32
      %dma_start3A_93 = tpu.memref_slice %arg8[%dma_start3A_90, %dma_start3A_91, %dma_start3A_92] : memref<4x128x64xf32, #tpu.memory_space<vmem>> -> memref<1x128x64xf32, #tpu.memory_space<vmem>>
      %dma_start3A_94 = tpu.memref_squeeze %dma_start3A_93 : memref<1x128x64xf32, #tpu.memory_space<vmem>> -> memref<128x64xf32, #tpu.memory_space<vmem>>
      %dma_start3A_95 = arith.constant 0 : i32
      %dma_start3A_96 = tpu.memref_slice %arg7[%add3A_89, %dma_start3A_95] : memref<160x128xi32, #tpu.memory_space<vmem>> -> memref<1x128xi32, #tpu.memory_space<vmem>>
      %dma_start3A_97 = tpu.memref_squeeze %dma_start3A_96 : memref<1x128xi32, #tpu.memory_space<vmem>> -> memref<128xi32, #tpu.memory_space<vmem>>
      %dma_start3A_98 = arith.constant 0 : i32
      %dma_start3A_99 = arith.constant 0 : i32
      %dma_start3A_100 = tpu.memref_slice %arg9[%dma_start3A_98, %dma_start3A_99] : memref<10240x64xf32, #tpu.memory_space<vmem_shared>> -> memref<10240x64xf32, #tpu.memory_space<vmem_shared>>
      tpu.enqueue_indirect_dma source(%dma_start3A_94 : memref<128x64xf32, #tpu.memory_space<vmem>>) target(%dma_start3A_100 : memref<10240x64xf32, #tpu.memory_space<vmem_shared>>) offsets(%dma_start3A_97 : memref<128xi32, #tpu.memory_space<vmem>>) semaphore(%arg14 : memref<!tpu.dma_semaphore, #tpu.memory_space<semaphore_mem>>) {add = true}
      %dma_wait3A_101 = arith.constant 1 : i32
      %dma_wait3A_102 = arith.constant 1 : i32
      %dma_wait3A_103 = arith.constant 0 : i32
      %dma_wait3A_104 = arith.constant 0 : i32
      %dma_wait3A_105 = tpu.memref_slice %arg8[%dma_wait3A_102, %dma_wait3A_103, %dma_wait3A_104] : memref<4x128x64xf32, #tpu.memory_space<vmem>> -> memref<1x128x64xf32, #tpu.memory_space<vmem>>
      %dma_wait3A_106 = tpu.memref_squeeze %dma_wait3A_105 : memref<1x128x64xf32, #tpu.memory_space<vmem>> -> memref<128x64xf32, #tpu.memory_space<vmem>>
      %dma_wait3A_107 = arith.constant 0 : i32
      %dma_wait3A_108 = tpu.memref_slice %arg6[%dma_wait3A_101, %dma_wait3A_107] : memref<160x128xi32, #tpu.memory_space<vmem>> -> memref<1x128xi32, #tpu.memory_space<vmem>>
      %dma_wait3A_109 = tpu.memref_squeeze %dma_wait3A_108 : memref<1x128xi32, #tpu.memory_space<vmem>> -> memref<128xi32, #tpu.memory_space<vmem>>
      %dma_wait3A_110 = arith.constant 0 : i32
      %dma_wait3A_111 = arith.constant 0 : i32
      %dma_wait3A_112 = tpu.memref_slice %arg2[%arg0, %dma_wait3A_110, %dma_wait3A_111] : memref<2x10240x64xf32, #tpu.memory_space<hbm>> -> memref<1x10240x64xf32, #tpu.memory_space<hbm>>
      %dma_wait3A_113 = tpu.memref_squeeze %dma_wait3A_112 : memref<1x10240x64xf32, #tpu.memory_space<hbm>> -> memref<10240x64xf32, #tpu.memory_space<hbm>>
      %dma_wait3A_114 = arith.constant 0 : i32
      %dma_wait3A_115 = arith.constant 0 : i32
      %dma_wait3A_116 = tpu.memref_slice %dma_wait3A_113[%dma_wait3A_114, %dma_wait3A_115] : memref<10240x64xf32, #tpu.memory_space<hbm>> -> memref<10240x64xf32, #tpu.memory_space<hbm>>
      tpu.wait_indirect_dma semaphore(%arg11 : memref<!tpu.dma_semaphore, #tpu.memory_space<semaphore_mem>>) src(%dma_wait3A_116 : memref<10240x64xf32, #tpu.memory_space<hbm>>) dst(%dma_wait3A_106 : memref<128x64xf32, #tpu.memory_space<vmem>>)
      %add3A_117 = arith.constant 1 : i32
      %add3A_118 = arith.addi %add3A_72, %add3A_117 : i32
      %dma_start3A_119 = arith.constant 1 : i32
      %dma_start3A_120 = arith.constant 0 : i32
      %dma_start3A_121 = arith.constant 0 : i32
      %dma_start3A_122 = tpu.memref_slice %arg8[%dma_start3A_119, %dma_start3A_120, %dma_start3A_121] : memref<4x128x64xf32, #tpu.memory_space<vmem>> -> memref<1x128x64xf32, #tpu.memory_space<vmem>>
      %dma_start3A_123 = tpu.memref_squeeze %dma_start3A_122 : memref<1x128x64xf32, #tpu.memory_space<vmem>> -> memref<128x64xf32, #tpu.memory_space<vmem>>
      %dma_start3A_124 = arith.constant 0 : i32
      %dma_start3A_125 = tpu.memref_slice %arg7[%add3A_118, %dma_start3A_124] : memref<160x128xi32, #tpu.memory_space<vmem>> -> memref<1x128xi32, #tpu.memory_space<vmem>>
      %dma_start3A_126 = tpu.memref_squeeze %dma_start3A_125 : memref<1x128xi32, #tpu.memory_space<vmem>> -> memref<128xi32, #tpu.memory_space<vmem>>
      %dma_start3A_127 = arith.constant 0 : i32
      %dma_start3A_128 = arith.constant 0 : i32
      %dma_start3A_129 = tpu.memref_slice %arg9[%dma_start3A_127, %dma_start3A_128] : memref<10240x64xf32, #tpu.memory_space<vmem_shared>> -> memref<10240x64xf32, #tpu.memory_space<vmem_shared>>
      tpu.enqueue_indirect_dma source(%dma_start3A_123 : memref<128x64xf32, #tpu.memory_space<vmem>>) target(%dma_start3A_129 : memref<10240x64xf32, #tpu.memory_space<vmem_shared>>) offsets(%dma_start3A_126 : memref<128xi32, #tpu.memory_space<vmem>>) semaphore(%arg15 : memref<!tpu.dma_semaphore, #tpu.memory_space<semaphore_mem>>) {add = true}
      %dma_wait3A_130 = arith.constant 2 : i32
      %dma_wait3A_131 = arith.constant 2 : i32
      %dma_wait3A_132 = arith.constant 0 : i32
      %dma_wait3A_133 = arith.constant 0 : i32
      %dma_wait3A_134 = tpu.memref_slice %arg8[%dma_wait3A_131, %dma_wait3A_132, %dma_wait3A_133] : memref<4x128x64xf32, #tpu.memory_space<vmem>> -> memref<1x128x64xf32, #tpu.memory_space<vmem>>
      %dma_wait3A_135 = tpu.memref_squeeze %dma_wait3A_134 : memref<1x128x64xf32, #tpu.memory_space<vmem>> -> memref<128x64xf32, #tpu.memory_space<vmem>>
      %dma_wait3A_136 = arith.constant 0 : i32
      %dma_wait3A_137 = tpu.memref_slice %arg6[%dma_wait3A_130, %dma_wait3A_136] : memref<160x128xi32, #tpu.memory_space<vmem>> -> memref<1x128xi32, #tpu.memory_space<vmem>>
      %dma_wait3A_138 = tpu.memref_squeeze %dma_wait3A_137 : memref<1x128xi32, #tpu.memory_space<vmem>> -> memref<128xi32, #tpu.memory_space<vmem>>
      %dma_wait3A_139 = arith.constant 0 : i32
      %dma_wait3A_140 = arith.constant 0 : i32
      %dma_wait3A_141 = tpu.memref_slice %arg2[%arg0, %dma_wait3A_139, %dma_wait3A_140] : memref<2x10240x64xf32, #tpu.memory_space<hbm>> -> memref<1x10240x64xf32, #tpu.memory_space<hbm>>
      %dma_wait3A_142 = tpu.memref_squeeze %dma_wait3A_141 : memref<1x10240x64xf32, #tpu.memory_space<hbm>> -> memref<10240x64xf32, #tpu.memory_space<hbm>>
      %dma_wait3A_143 = arith.constant 0 : i32
      %dma_wait3A_144 = arith.constant 0 : i32
      %dma_wait3A_145 = tpu.memref_slice %dma_wait3A_142[%dma_wait3A_143, %dma_wait3A_144] : memref<10240x64xf32, #tpu.memory_space<hbm>> -> memref<10240x64xf32, #tpu.memory_space<hbm>>
      tpu.wait_indirect_dma semaphore(%arg12 : memref<!tpu.dma_semaphore, #tpu.memory_space<semaphore_mem>>) src(%dma_wait3A_145 : memref<10240x64xf32, #tpu.memory_space<hbm>>) dst(%dma_wait3A_135 : memref<128x64xf32, #tpu.memory_space<vmem>>)
      %add3A_146 = arith.constant 2 : i32
      %add3A_147 = arith.addi %add3A_72, %add3A_146 : i32
      %dma_start3A_148 = arith.constant 2 : i32
      %dma_start3A_149 = arith.constant 0 : i32
      %dma_start3A_150 = arith.constant 0 : i32
      %dma_start3A_151 = tpu.memref_slice %arg8[%dma_start3A_148, %dma_start3A_149, %dma_start3A_150] : memref<4x128x64xf32, #tpu.memory_space<vmem>> -> memref<1x128x64xf32, #tpu.memory_space<vmem>>
      %dma_start3A_152 = tpu.memref_squeeze %dma_start3A_151 : memref<1x128x64xf32, #tpu.memory_space<vmem>> -> memref<128x64xf32, #tpu.memory_space<vmem>>
      %dma_start3A_153 = arith.constant 0 : i32
      %dma_start3A_154 = tpu.memref_slice %arg7[%add3A_147, %dma_start3A_153] : memref<160x128xi32, #tpu.memory_space<vmem>> -> memref<1x128xi32, #tpu.memory_space<vmem>>
      %dma_start3A_155 = tpu.memref_squeeze %dma_start3A_154 : memref<1x128xi32, #tpu.memory_space<vmem>> -> memref<128xi32, #tpu.memory_space<vmem>>
      %dma_start3A_156 = arith.constant 0 : i32
      %dma_start3A_157 = arith.constant 0 : i32
      %dma_start3A_158 = tpu.memref_slice %arg9[%dma_start3A_156, %dma_start3A_157] : memref<10240x64xf32, #tpu.memory_space<vmem_shared>> -> memref<10240x64xf32, #tpu.memory_space<vmem_shared>>
      tpu.enqueue_indirect_dma source(%dma_start3A_152 : memref<128x64xf32, #tpu.memory_space<vmem>>) target(%dma_start3A_158 : memref<10240x64xf32, #tpu.memory_space<vmem_shared>>) offsets(%dma_start3A_155 : memref<128xi32, #tpu.memory_space<vmem>>) semaphore(%arg16 : memref<!tpu.dma_semaphore, #tpu.memory_space<semaphore_mem>>) {add = true}
      %dma_wait3A_159 = arith.constant 3 : i32
      %dma_wait3A_160 = arith.constant 3 : i32
      %dma_wait3A_161 = arith.constant 0 : i32
      %dma_wait3A_162 = arith.constant 0 : i32
      %dma_wait3A_163 = tpu.memref_slice %arg8[%dma_wait3A_160, %dma_wait3A_161, %dma_wait3A_162] : memref<4x128x64xf32, #tpu.memory_space<vmem>> -> memref<1x128x64xf32, #tpu.memory_space<vmem>>
      %dma_wait3A_164 = tpu.memref_squeeze %dma_wait3A_163 : memref<1x128x64xf32, #tpu.memory_space<vmem>> -> memref<128x64xf32, #tpu.memory_space<vmem>>
      %dma_wait3A_165 = arith.constant 0 : i32
      %dma_wait3A_166 = tpu.memref_slice %arg6[%dma_wait3A_159, %dma_wait3A_165] : memref<160x128xi32, #tpu.memory_space<vmem>> -> memref<1x128xi32, #tpu.memory_space<vmem>>
      %dma_wait3A_167 = tpu.memref_squeeze %dma_wait3A_166 : memref<1x128xi32, #tpu.memory_space<vmem>> -> memref<128xi32, #tpu.memory_space<vmem>>
      %dma_wait3A_168 = arith.constant 0 : i32
      %dma_wait3A_169 = arith.constant 0 : i32
      %dma_wait3A_170 = tpu.memref_slice %arg2[%arg0, %dma_wait3A_168, %dma_wait3A_169] : memref<2x10240x64xf32, #tpu.memory_space<hbm>> -> memref<1x10240x64xf32, #tpu.memory_space<hbm>>
      %dma_wait3A_171 = tpu.memref_squeeze %dma_wait3A_170 : memref<1x10240x64xf32, #tpu.memory_space<hbm>> -> memref<10240x64xf32, #tpu.memory_space<hbm>>
      %dma_wait3A_172 = arith.constant 0 : i32
      %dma_wait3A_173 = arith.constant 0 : i32
      %dma_wait3A_174 = tpu.memref_slice %dma_wait3A_171[%dma_wait3A_172, %dma_wait3A_173] : memref<10240x64xf32, #tpu.memory_space<hbm>> -> memref<10240x64xf32, #tpu.memory_space<hbm>>
      tpu.wait_indirect_dma semaphore(%arg13 : memref<!tpu.dma_semaphore, #tpu.memory_space<semaphore_mem>>) src(%dma_wait3A_174 : memref<10240x64xf32, #tpu.memory_space<hbm>>) dst(%dma_wait3A_164 : memref<128x64xf32, #tpu.memory_space<vmem>>)
      %add3A_175 = arith.constant 3 : i32
      %add3A_176 = arith.addi %add3A_72, %add3A_175 : i32
      %dma_start3A_177 = arith.constant 3 : i32
      %dma_start3A_178 = arith.constant 0 : i32
      %dma_start3A_179 = arith.constant 0 : i32
      %dma_start3A_180 = tpu.memref_slice %arg8[%dma_start3A_177, %dma_start3A_178, %dma_start3A_179] : memref<4x128x64xf32, #tpu.memory_space<vmem>> -> memref<1x128x64xf32, #tpu.memory_space<vmem>>
      %dma_start3A_181 = tpu.memref_squeeze %dma_start3A_180 : memref<1x128x64xf32, #tpu.memory_space<vmem>> -> memref<128x64xf32, #tpu.memory_space<vmem>>
      %dma_start3A_182 = arith.constant 0 : i32
      %dma_start3A_183 = tpu.memref_slice %arg7[%add3A_176, %dma_start3A_182] : memref<160x128xi32, #tpu.memory_space<vmem>> -> memref<1x128xi32, #tpu.memory_space<vmem>>
      %dma_start3A_184 = tpu.memref_squeeze %dma_start3A_183 : memref<1x128xi32, #tpu.memory_space<vmem>> -> memref<128xi32, #tpu.memory_space<vmem>>
      %dma_start3A_185 = arith.constant 0 : i32
      %dma_start3A_186 = arith.constant 0 : i32
      %dma_start3A_187 = tpu.memref_slice %arg9[%dma_start3A_185, %dma_start3A_186] : memref<10240x64xf32, #tpu.memory_space<vmem_shared>> -> memref<10240x64xf32, #tpu.memory_space<vmem_shared>>
      tpu.enqueue_indirect_dma source(%dma_start3A_181 : memref<128x64xf32, #tpu.memory_space<vmem>>) target(%dma_start3A_187 : memref<10240x64xf32, #tpu.memory_space<vmem_shared>>) offsets(%dma_start3A_184 : memref<128xi32, #tpu.memory_space<vmem>>) semaphore(%arg17 : memref<!tpu.dma_semaphore, #tpu.memory_space<semaphore_mem>>) {add = true}
      %add3A_188 = arith.constant 0 : i32
      %add3A_189 = arith.addi %add3A_72, %add3A_188 : i32
      %dma_wait3A_190 = arith.constant 0 : i32
      %dma_wait3A_191 = arith.constant 0 : i32
      %dma_wait3A_192 = arith.constant 0 : i32
      %dma_wait3A_193 = tpu.memref_slice %arg8[%dma_wait3A_190, %dma_wait3A_191, %dma_wait3A_192] : memref<4x128x64xf32, #tpu.memory_space<vmem>> -> memref<1x128x64xf32, #tpu.memory_space<vmem>>
      %dma_wait3A_194 = tpu.memref_squeeze %dma_wait3A_193 : memref<1x128x64xf32, #tpu.memory_space<vmem>> -> memref<128x64xf32, #tpu.memory_space<vmem>>
      %dma_wait3A_195 = arith.constant 0 : i32
      %dma_wait3A_196 = tpu.memref_slice %arg7[%add3A_189, %dma_wait3A_195] : memref<160x128xi32, #tpu.memory_space<vmem>> -> memref<1x128xi32, #tpu.memory_space<vmem>>
      %dma_wait3A_197 = tpu.memref_squeeze %dma_wait3A_196 : memref<1x128xi32, #tpu.memory_space<vmem>> -> memref<128xi32, #tpu.memory_space<vmem>>
      %dma_wait3A_198 = arith.constant 0 : i32
      %dma_wait3A_199 = arith.constant 0 : i32
      %dma_wait3A_200 = tpu.memref_slice %arg9[%dma_wait3A_198, %dma_wait3A_199] : memref<10240x64xf32, #tpu.memory_space<vmem_shared>> -> memref<10240x64xf32, #tpu.memory_space<vmem_shared>>
      tpu.wait_indirect_dma semaphore(%arg14 : memref<!tpu.dma_semaphore, #tpu.memory_space<semaphore_mem>>) src(%dma_wait3A_194 : memref<128x64xf32, #tpu.memory_space<vmem>>) dst(%dma_wait3A_200 : memref<10240x64xf32, #tpu.memory_space<vmem_shared>>)
      %add3A_201 = arith.constant 4 : i32
      %add3A_202 = arith.addi %add3A_189, %add3A_201 : i32
      %lt3A = arith.constant 160 : i32
      %lt3A_203 = arith.cmpi slt, %add3A_202, %lt3A : i32
      %convert_element_type3A = arith.extui %lt3A_203 : i1 to i32
      %cond3A = arith.constant 0 : i32
      %cond3A_204 = arith.cmpi ne, %convert_element_type3A, %cond3A : i32
      scf.if %cond3A_204 {
        %add3A_265 = arith.constant 4 : i32
        %add3A_266 = arith.addi %add3A_189, %add3A_265 : i32
        %dma_start3A_267 = arith.constant 0 : i32
        %dma_start3A_268 = arith.constant 0 : i32
        %dma_start3A_269 = arith.constant 0 : i32
        %dma_start3A_270 = tpu.memref_slice %arg8[%dma_start3A_267, %dma_start3A_268, %dma_start3A_269] : memref<4x128x64xf32, #tpu.memory_space<vmem>> -> memref<1x128x64xf32, #tpu.memory_space<vmem>>
        %dma_start3A_271 = tpu.memref_squeeze %dma_start3A_270 : memref<1x128x64xf32, #tpu.memory_space<vmem>> -> memref<128x64xf32, #tpu.memory_space<vmem>>
        %dma_start3A_272 = arith.constant 0 : i32
        %dma_start3A_273 = tpu.memref_slice %arg6[%add3A_266, %dma_start3A_272] : memref<160x128xi32, #tpu.memory_space<vmem>> -> memref<1x128xi32, #tpu.memory_space<vmem>>
        %dma_start3A_274 = tpu.memref_squeeze %dma_start3A_273 : memref<1x128xi32, #tpu.memory_space<vmem>> -> memref<128xi32, #tpu.memory_space<vmem>>
        %dma_start3A_275 = arith.constant 0 : i32
        %dma_start3A_276 = arith.constant 0 : i32
        %dma_start3A_277 = tpu.memref_slice %arg2[%arg0, %dma_start3A_275, %dma_start3A_276] : memref<2x10240x64xf32, #tpu.memory_space<hbm>> -> memref<1x10240x64xf32, #tpu.memory_space<hbm>>
        %dma_start3A_278 = tpu.memref_squeeze %dma_start3A_277 : memref<1x10240x64xf32, #tpu.memory_space<hbm>> -> memref<10240x64xf32, #tpu.memory_space<hbm>>
        %dma_start3A_279 = arith.constant 0 : i32
        %dma_start3A_280 = arith.constant 0 : i32
        %dma_start3A_281 = tpu.memref_slice %dma_start3A_278[%dma_start3A_279, %dma_start3A_280] : memref<10240x64xf32, #tpu.memory_space<hbm>> -> memref<10240x64xf32, #tpu.memory_space<hbm>>
        tpu.enqueue_indirect_dma source(%dma_start3A_281 : memref<10240x64xf32, #tpu.memory_space<hbm>>) target(%dma_start3A_271 : memref<128x64xf32, #tpu.memory_space<vmem>>) offsets(%dma_start3A_274 : memref<128xi32, #tpu.memory_space<vmem>>) semaphore(%arg10 : memref<!tpu.dma_semaphore, #tpu.memory_space<semaphore_mem>>)
      } else {
      }
      %add3A_205 = arith.constant 1 : i32
      %add3A_206 = arith.addi %add3A_72, %add3A_205 : i32
      %dma_wait3A_207 = arith.constant 1 : i32
      %dma_wait3A_208 = arith.constant 0 : i32
      %dma_wait3A_209 = arith.constant 0 : i32
      %dma_wait3A_210 = tpu.memref_slice %arg8[%dma_wait3A_207, %dma_wait3A_208, %dma_wait3A_209] : memref<4x128x64xf32, #tpu.memory_space<vmem>> -> memref<1x128x64xf32, #tpu.memory_space<vmem>>
      %dma_wait3A_211 = tpu.memref_squeeze %dma_wait3A_210 : memref<1x128x64xf32, #tpu.memory_space<vmem>> -> memref<128x64xf32, #tpu.memory_space<vmem>>
      %dma_wait3A_212 = arith.constant 0 : i32
      %dma_wait3A_213 = tpu.memref_slice %arg7[%add3A_206, %dma_wait3A_212] : memref<160x128xi32, #tpu.memory_space<vmem>> -> memref<1x128xi32, #tpu.memory_space<vmem>>
      %dma_wait3A_214 = tpu.memref_squeeze %dma_wait3A_213 : memref<1x128xi32, #tpu.memory_space<vmem>> -> memref<128xi32, #tpu.memory_space<vmem>>
      %dma_wait3A_215 = arith.constant 0 : i32
      %dma_wait3A_216 = arith.constant 0 : i32
      %dma_wait3A_217 = tpu.memref_slice %arg9[%dma_wait3A_215, %dma_wait3A_216] : memref<10240x64xf32, #tpu.memory_space<vmem_shared>> -> memref<10240x64xf32, #tpu.memory_space<vmem_shared>>
      tpu.wait_indirect_dma semaphore(%arg15 : memref<!tpu.dma_semaphore, #tpu.memory_space<semaphore_mem>>) src(%dma_wait3A_211 : memref<128x64xf32, #tpu.memory_space<vmem>>) dst(%dma_wait3A_217 : memref<10240x64xf32, #tpu.memory_space<vmem_shared>>)
      %add3A_218 = arith.constant 4 : i32
      %add3A_219 = arith.addi %add3A_206, %add3A_218 : i32
      %lt3A_220 = arith.constant 160 : i32
      %lt3A_221 = arith.cmpi slt, %add3A_219, %lt3A_220 : i32
      %convert_element_type3A_222 = arith.extui %lt3A_221 : i1 to i32
      %cond3A_223 = arith.constant 0 : i32
      %cond3A_224 = arith.cmpi ne, %convert_element_type3A_222, %cond3A_223 : i32
      scf.if %cond3A_224 {
        %add3A_265 = arith.constant 4 : i32
        %add3A_266 = arith.addi %add3A_206, %add3A_265 : i32
        %dma_start3A_267 = arith.constant 1 : i32
        %dma_start3A_268 = arith.constant 0 : i32
        %dma_start3A_269 = arith.constant 0 : i32
        %dma_start3A_270 = tpu.memref_slice %arg8[%dma_start3A_267, %dma_start3A_268, %dma_start3A_269] : memref<4x128x64xf32, #tpu.memory_space<vmem>> -> memref<1x128x64xf32, #tpu.memory_space<vmem>>
        %dma_start3A_271 = tpu.memref_squeeze %dma_start3A_270 : memref<1x128x64xf32, #tpu.memory_space<vmem>> -> memref<128x64xf32, #tpu.memory_space<vmem>>
        %dma_start3A_272 = arith.constant 0 : i32
        %dma_start3A_273 = tpu.memref_slice %arg6[%add3A_266, %dma_start3A_272] : memref<160x128xi32, #tpu.memory_space<vmem>> -> memref<1x128xi32, #tpu.memory_space<vmem>>
        %dma_start3A_274 = tpu.memref_squeeze %dma_start3A_273 : memref<1x128xi32, #tpu.memory_space<vmem>> -> memref<128xi32, #tpu.memory_space<vmem>>
        %dma_start3A_275 = arith.constant 0 : i32
        %dma_start3A_276 = arith.constant 0 : i32
        %dma_start3A_277 = tpu.memref_slice %arg2[%arg0, %dma_start3A_275, %dma_start3A_276] : memref<2x10240x64xf32, #tpu.memory_space<hbm>> -> memref<1x10240x64xf32, #tpu.memory_space<hbm>>
        %dma_start3A_278 = tpu.memref_squeeze %dma_start3A_277 : memref<1x10240x64xf32, #tpu.memory_space<hbm>> -> memref<10240x64xf32, #tpu.memory_space<hbm>>
        %dma_start3A_279 = arith.constant 0 : i32
        %dma_start3A_280 = arith.constant 0 : i32
        %dma_start3A_281 = tpu.memref_slice %dma_start3A_278[%dma_start3A_279, %dma_start3A_280] : memref<10240x64xf32, #tpu.memory_space<hbm>> -> memref<10240x64xf32, #tpu.memory_space<hbm>>
        tpu.enqueue_indirect_dma source(%dma_start3A_281 : memref<10240x64xf32, #tpu.memory_space<hbm>>) target(%dma_start3A_271 : memref<128x64xf32, #tpu.memory_space<vmem>>) offsets(%dma_start3A_274 : memref<128xi32, #tpu.memory_space<vmem>>) semaphore(%arg11 : memref<!tpu.dma_semaphore, #tpu.memory_space<semaphore_mem>>)
      } else {
      }
      %add3A_225 = arith.constant 2 : i32
      %add3A_226 = arith.addi %add3A_72, %add3A_225 : i32
      %dma_wait3A_227 = arith.constant 2 : i32
      %dma_wait3A_228 = arith.constant 0 : i32
      %dma_wait3A_229 = arith.constant 0 : i32
      %dma_wait3A_230 = tpu.memref_slice %arg8[%dma_wait3A_227, %dma_wait3A_228, %dma_wait3A_229] : memref<4x128x64xf32, #tpu.memory_space<vmem>> -> memref<1x128x64xf32, #tpu.memory_space<vmem>>
      %dma_wait3A_231 = tpu.memref_squeeze %dma_wait3A_230 : memref<1x128x64xf32, #tpu.memory_space<vmem>> -> memref<128x64xf32, #tpu.memory_space<vmem>>
      %dma_wait3A_232 = arith.constant 0 : i32
      %dma_wait3A_233 = tpu.memref_slice %arg7[%add3A_226, %dma_wait3A_232] : memref<160x128xi32, #tpu.memory_space<vmem>> -> memref<1x128xi32, #tpu.memory_space<vmem>>
      %dma_wait3A_234 = tpu.memref_squeeze %dma_wait3A_233 : memref<1x128xi32, #tpu.memory_space<vmem>> -> memref<128xi32, #tpu.memory_space<vmem>>
      %dma_wait3A_235 = arith.constant 0 : i32
      %dma_wait3A_236 = arith.constant 0 : i32
      %dma_wait3A_237 = tpu.memref_slice %arg9[%dma_wait3A_235, %dma_wait3A_236] : memref<10240x64xf32, #tpu.memory_space<vmem_shared>> -> memref<10240x64xf32, #tpu.memory_space<vmem_shared>>
      tpu.wait_indirect_dma semaphore(%arg16 : memref<!tpu.dma_semaphore, #tpu.memory_space<semaphore_mem>>) src(%dma_wait3A_231 : memref<128x64xf32, #tpu.memory_space<vmem>>) dst(%dma_wait3A_237 : memref<10240x64xf32, #tpu.memory_space<vmem_shared>>)
      %add3A_238 = arith.constant 4 : i32
      %add3A_239 = arith.addi %add3A_226, %add3A_238 : i32
      %lt3A_240 = arith.constant 160 : i32
      %lt3A_241 = arith.cmpi slt, %add3A_239, %lt3A_240 : i32
      %convert_element_type3A_242 = arith.extui %lt3A_241 : i1 to i32
      %cond3A_243 = arith.constant 0 : i32
      %cond3A_244 = arith.cmpi ne, %convert_element_type3A_242, %cond3A_243 : i32
      scf.if %cond3A_244 {
        %add3A_265 = arith.constant 4 : i32
        %add3A_266 = arith.addi %add3A_226, %add3A_265 : i32
        %dma_start3A_267 = arith.constant 2 : i32
        %dma_start3A_268 = arith.constant 0 : i32
        %dma_start3A_269 = arith.constant 0 : i32
        %dma_start3A_270 = tpu.memref_slice %arg8[%dma_start3A_267, %dma_start3A_268, %dma_start3A_269] : memref<4x128x64xf32, #tpu.memory_space<vmem>> -> memref<1x128x64xf32, #tpu.memory_space<vmem>>
        %dma_start3A_271 = tpu.memref_squeeze %dma_start3A_270 : memref<1x128x64xf32, #tpu.memory_space<vmem>> -> memref<128x64xf32, #tpu.memory_space<vmem>>
        %dma_start3A_272 = arith.constant 0 : i32
        %dma_start3A_273 = tpu.memref_slice %arg6[%add3A_266, %dma_start3A_272] : memref<160x128xi32, #tpu.memory_space<vmem>> -> memref<1x128xi32, #tpu.memory_space<vmem>>
        %dma_start3A_274 = tpu.memref_squeeze %dma_start3A_273 : memref<1x128xi32, #tpu.memory_space<vmem>> -> memref<128xi32, #tpu.memory_space<vmem>>
        %dma_start3A_275 = arith.constant 0 : i32
        %dma_start3A_276 = arith.constant 0 : i32
        %dma_start3A_277 = tpu.memref_slice %arg2[%arg0, %dma_start3A_275, %dma_start3A_276] : memref<2x10240x64xf32, #tpu.memory_space<hbm>> -> memref<1x10240x64xf32, #tpu.memory_space<hbm>>
        %dma_start3A_278 = tpu.memref_squeeze %dma_start3A_277 : memref<1x10240x64xf32, #tpu.memory_space<hbm>> -> memref<10240x64xf32, #tpu.memory_space<hbm>>
        %dma_start3A_279 = arith.constant 0 : i32
        %dma_start3A_280 = arith.constant 0 : i32
        %dma_start3A_281 = tpu.memref_slice %dma_start3A_278[%dma_start3A_279, %dma_start3A_280] : memref<10240x64xf32, #tpu.memory_space<hbm>> -> memref<10240x64xf32, #tpu.memory_space<hbm>>
        tpu.enqueue_indirect_dma source(%dma_start3A_281 : memref<10240x64xf32, #tpu.memory_space<hbm>>) target(%dma_start3A_271 : memref<128x64xf32, #tpu.memory_space<vmem>>) offsets(%dma_start3A_274 : memref<128xi32, #tpu.memory_space<vmem>>) semaphore(%arg12 : memref<!tpu.dma_semaphore, #tpu.memory_space<semaphore_mem>>)
      } else {
      }
      %add3A_245 = arith.constant 3 : i32
      %add3A_246 = arith.addi %add3A_72, %add3A_245 : i32
      %dma_wait3A_247 = arith.constant 3 : i32
      %dma_wait3A_248 = arith.constant 0 : i32
      %dma_wait3A_249 = arith.constant 0 : i32
      %dma_wait3A_250 = tpu.memref_slice %arg8[%dma_wait3A_247, %dma_wait3A_248, %dma_wait3A_249] : memref<4x128x64xf32, #tpu.memory_space<vmem>> -> memref<1x128x64xf32, #tpu.memory_space<vmem>>
      %dma_wait3A_251 = tpu.memref_squeeze %dma_wait3A_250 : memref<1x128x64xf32, #tpu.memory_space<vmem>> -> memref<128x64xf32, #tpu.memory_space<vmem>>
      %dma_wait3A_252 = arith.constant 0 : i32
      %dma_wait3A_253 = tpu.memref_slice %arg7[%add3A_246, %dma_wait3A_252] : memref<160x128xi32, #tpu.memory_space<vmem>> -> memref<1x128xi32, #tpu.memory_space<vmem>>
      %dma_wait3A_254 = tpu.memref_squeeze %dma_wait3A_253 : memref<1x128xi32, #tpu.memory_space<vmem>> -> memref<128xi32, #tpu.memory_space<vmem>>
      %dma_wait3A_255 = arith.constant 0 : i32
      %dma_wait3A_256 = arith.constant 0 : i32
      %dma_wait3A_257 = tpu.memref_slice %arg9[%dma_wait3A_255, %dma_wait3A_256] : memref<10240x64xf32, #tpu.memory_space<vmem_shared>> -> memref<10240x64xf32, #tpu.memory_space<vmem_shared>>
      tpu.wait_indirect_dma semaphore(%arg17 : memref<!tpu.dma_semaphore, #tpu.memory_space<semaphore_mem>>) src(%dma_wait3A_251 : memref<128x64xf32, #tpu.memory_space<vmem>>) dst(%dma_wait3A_257 : memref<10240x64xf32, #tpu.memory_space<vmem_shared>>)
      %add3A_258 = arith.constant 4 : i32
      %add3A_259 = arith.addi %add3A_246, %add3A_258 : i32
      %lt3A_260 = arith.constant 160 : i32
      %lt3A_261 = arith.cmpi slt, %add3A_259, %lt3A_260 : i32
      %convert_element_type3A_262 = arith.extui %lt3A_261 : i1 to i32
      %cond3A_263 = arith.constant 0 : i32
      %cond3A_264 = arith.cmpi ne, %convert_element_type3A_262, %cond3A_263 : i32
      scf.if %cond3A_264 {
        %add3A_265 = arith.constant 4 : i32
        %add3A_266 = arith.addi %add3A_246, %add3A_265 : i32
        %dma_start3A_267 = arith.constant 3 : i32
        %dma_start3A_268 = arith.constant 0 : i32
        %dma_start3A_269 = arith.constant 0 : i32
        %dma_start3A_270 = tpu.memref_slice %arg8[%dma_start3A_267, %dma_start3A_268, %dma_start3A_269] : memref<4x128x64xf32, #tpu.memory_space<vmem>> -> memref<1x128x64xf32, #tpu.memory_space<vmem>>
        %dma_start3A_271 = tpu.memref_squeeze %dma_start3A_270 : memref<1x128x64xf32, #tpu.memory_space<vmem>> -> memref<128x64xf32, #tpu.memory_space<vmem>>
        %dma_start3A_272 = arith.constant 0 : i32
        %dma_start3A_273 = tpu.memref_slice %arg6[%add3A_266, %dma_start3A_272] : memref<160x128xi32, #tpu.memory_space<vmem>> -> memref<1x128xi32, #tpu.memory_space<vmem>>
        %dma_start3A_274 = tpu.memref_squeeze %dma_start3A_273 : memref<1x128xi32, #tpu.memory_space<vmem>> -> memref<128xi32, #tpu.memory_space<vmem>>
        %dma_start3A_275 = arith.constant 0 : i32
        %dma_start3A_276 = arith.constant 0 : i32
        %dma_start3A_277 = tpu.memref_slice %arg2[%arg0, %dma_start3A_275, %dma_start3A_276] : memref<2x10240x64xf32, #tpu.memory_space<hbm>> -> memref<1x10240x64xf32, #tpu.memory_space<hbm>>
        %dma_start3A_278 = tpu.memref_squeeze %dma_start3A_277 : memref<1x10240x64xf32, #tpu.memory_space<hbm>> -> memref<10240x64xf32, #tpu.memory_space<hbm>>
        %dma_start3A_279 = arith.constant 0 : i32
        %dma_start3A_280 = arith.constant 0 : i32
        %dma_start3A_281 = tpu.memref_slice %dma_start3A_278[%dma_start3A_279, %dma_start3A_280] : memref<10240x64xf32, #tpu.memory_space<hbm>> -> memref<10240x64xf32, #tpu.memory_space<hbm>>
        tpu.enqueue_indirect_dma source(%dma_start3A_281 : memref<10240x64xf32, #tpu.memory_space<hbm>>) target(%dma_start3A_271 : memref<128x64xf32, #tpu.memory_space<vmem>>) offsets(%dma_start3A_274 : memref<128xi32, #tpu.memory_space<vmem>>) semaphore(%arg13 : memref<!tpu.dma_semaphore, #tpu.memory_space<semaphore_mem>>)
      } else {
      }
    }
    %scan3A_67 = arith.constant 40 : i32
    %barrier3A_68 = arith.constant 0 : index
    tpu.barrier barrier_id(%barrier3A_68)
    "tpu.region"() ({
      %run_scoped3A = tpu.sem_alloc : memref<!tpu.dma_semaphore, #tpu.memory_space<semaphore_mem>>
      %dma_start3A_69 = arith.constant 0 : i32
      %dma_start3A_70 = arith.constant 0 : i32
      %dma_start3A_71 = tpu.memref_slice %arg5[%arg0, %dma_start3A_69, %dma_start3A_70] : memref<2x10240x64xf32, #tpu.memory_space<hbm>> -> memref<1x10240x64xf32, #tpu.memory_space<hbm>>
      %dma_start3A_72 = tpu.memref_squeeze %dma_start3A_71 : memref<1x10240x64xf32, #tpu.memory_space<hbm>> -> memref<10240x64xf32, #tpu.memory_space<hbm>>
      %dma_start3A_73 = arith.constant 0 : i32
      %dma_start3A_74 = tpu.memref_slice %dma_start3A_72[%mul3A_0, %dma_start3A_73] : memref<10240x64xf32, #tpu.memory_space<hbm>> -> memref<640x64xf32, #tpu.memory_space<hbm>>
      %dma_start3A_75 = arith.constant 0 : i32
      %dma_start3A_76 = tpu.memref_slice %arg9[%mul3A_0, %dma_start3A_75] : memref<10240x64xf32, #tpu.memory_space<vmem_shared>> -> memref<640x64xf32, #tpu.memory_space<vmem_shared>>
      tpu.enqueue_dma source(%dma_start3A_76 : memref<640x64xf32, #tpu.memory_space<vmem_shared>>) target(%dma_start3A_74 : memref<640x64xf32, #tpu.memory_space<hbm>>) target_semaphore(%run_scoped3A : memref<!tpu.dma_semaphore, #tpu.memory_space<semaphore_mem>>)
      %dma_wait3A = arith.constant 0 : i32
      %dma_wait3A_77 = arith.constant 0 : i32
      %dma_wait3A_78 = tpu.memref_slice %arg5[%arg0, %dma_wait3A, %dma_wait3A_77] : memref<2x10240x64xf32, #tpu.memory_space<hbm>> -> memref<1x10240x64xf32, #tpu.memory_space<hbm>>
      %dma_wait3A_79 = tpu.memref_squeeze %dma_wait3A_78 : memref<1x10240x64xf32, #tpu.memory_space<hbm>> -> memref<10240x64xf32, #tpu.memory_space<hbm>>
      %dma_wait3A_80 = arith.constant 0 : i32
      %dma_wait3A_81 = tpu.memref_slice %dma_wait3A_79[%mul3A_0, %dma_wait3A_80] : memref<10240x64xf32, #tpu.memory_space<hbm>> -> memref<640x64xf32, #tpu.memory_space<hbm>>
      %dma_wait3A_82 = arith.constant 0 : i32
      %dma_wait3A_83 = tpu.memref_slice %arg9[%mul3A_0, %dma_wait3A_82] : memref<10240x64xf32, #tpu.memory_space<vmem_shared>> -> memref<640x64xf32, #tpu.memory_space<vmem_shared>>
      tpu.wait_dma2 semaphore(%run_scoped3A : memref<!tpu.dma_semaphore, #tpu.memory_space<semaphore_mem>>) src(%dma_wait3A_83 : memref<640x64xf32, #tpu.memory_space<vmem_shared>>) dst(%dma_wait3A_81 : memref<640x64xf32, #tpu.memory_space<hbm>>)
      tpu.yield
    }) : () -> ()
    return
  }
}

module attributes {stable_mosaic.version = 14 : i64} {
  func.func @_mm1_body(%arg0: i32, %arg1: memref<640x128xf32, #tpu.memory_space<vmem>>, %arg2: memref<128x128xf32, #tpu.memory_space<vmem>>, %arg3: memref<2x640x64xf32, #tpu.memory_space<vmem>>, %arg4: memref<2x640x64xf32, #tpu.memory_space<vmem>>) attributes {dimension_semantics = [#tpu.dimension_semantics<arbitrary>], iteration_bounds = array<i64: 16>, scalar_prefetch = 0 : i64, scratch_operands = 0 : i64, tpu.core_type = #tpu.core_type<tc>, window_params = [{transform_indices = @transform_0, window_bounds = array<i64: 640, 128>}, {pipeline_mode = #tpu.pipeline_mode<synchronous>, transform_indices = @transform_1, window_bounds = array<i64: 128, 128>}, {transform_indices = @transform_2, window_bounds = array<i64: 2, 640, 64>}, {transform_indices = @transform_3, window_bounds = array<i64: 2, 640, 64>}]} {
    %get3A = arith.constant 0 : index
    %get3A_0 = arith.constant 0 : index
    %get3A_1 = arith.constant 0 : index
    %get3A_2 = vector.load %arg3[%get3A, %get3A_0, %get3A_1] : memref<2x640x64xf32, #tpu.memory_space<vmem>>, vector<2x640x64xf32>
    %slice3A = vector.extract_strided_slice %get3A_2 {offsets = [0, 0, 0], sizes = [1, 640, 64], strides = [1, 1, 1]} : vector<2x640x64xf32> to vector<1x640x64xf32>
    %squeeze3A = vector.shape_cast %slice3A : vector<1x640x64xf32> to vector<640x64xf32>
    %slice3A_3 = vector.extract_strided_slice %squeeze3A {offsets = [0, 0], sizes = [640, 1], strides = [1, 1]} : vector<640x64xf32> to vector<640x1xf32>
    %slice3A_4 = vector.extract_strided_slice %get3A_2 {offsets = [1, 0, 0], sizes = [1, 640, 64], strides = [1, 1, 1]} : vector<2x640x64xf32> to vector<1x640x64xf32>
    %squeeze3A_5 = vector.shape_cast %slice3A_4 : vector<1x640x64xf32> to vector<640x64xf32>
    %slice3A_6 = vector.extract_strided_slice %squeeze3A_5 {offsets = [0, 0], sizes = [640, 1], strides = [1, 1]} : vector<640x64xf32> to vector<640x1xf32>
    %add3A = arith.addf %slice3A_3, %slice3A_6 : vector<640x1xf32>
    %sub3A = arith.constant 1.000000e+00 : f32
    %sub3A_7 = vector.broadcast %sub3A : f32 to vector<640x1xf32>
    %sub3A_8 = arith.subf %add3A, %sub3A_7 : vector<640x1xf32>
    %max3A = arith.constant 1.000000e+00 : f32
    %max3A_9 = vector.broadcast %max3A : f32 to vector<640x1xf32>
    %max3A_10 = arith.maximumf %sub3A_8, %max3A_9 : vector<640x1xf32>
    %rsqrt3A = math.rsqrt %max3A_10 : vector<640x1xf32>
    %get3A_11 = arith.constant 0 : index
    %get3A_12 = arith.constant 0 : index
    %get3A_13 = vector.load %arg1[%get3A_11, %get3A_12] : memref<640x128xf32, #tpu.memory_space<vmem>>, vector<640x128xf32>
    %get3A_14 = arith.constant 0 : index
    %get3A_15 = arith.constant 0 : index
    %get3A_16 = vector.load %arg2[%get3A_14, %get3A_15] : memref<128x128xf32, #tpu.memory_space<vmem>>, vector<128x128xf32>
    %dot_general3A = arith.constant dense<0.000000e+00> : vector<640x128xf32>
    %dot_general3A_17 = tpu.matmul %get3A_13, %get3A_16, %dot_general3A {dimension_numbers = #tpu.dot_dimension_numbers<[1], [0], [0], [1], [0, 0, 1, 1], [], []>, precision = #tpu.contract_precision<fp32>, transpose_lhs_hint = false} : vector<640x128xf32>, vector<128x128xf32>, vector<640x128xf32> -> vector<640x128xf32>
    %mul3A = vector.broadcast %rsqrt3A : vector<640x1xf32> to vector<640x128xf32>
    %mul3A_18 = arith.mulf %mul3A, %dot_general3A_17 : vector<640x128xf32>
    %slice3A_19 = vector.extract_strided_slice %mul3A_18 {offsets = [0, 0], sizes = [640, 64], strides = [1, 1]} : vector<640x128xf32> to vector<640x64xf32>
    %swap3A = arith.constant 0 : index
    %swap3A_20 = arith.constant 0 : index
    %swap3A_21 = arith.constant 0 : index
    %swap3A_22 = vector.load %arg4[%swap3A, %swap3A_20, %swap3A_21] : memref<2x640x64xf32, #tpu.memory_space<vmem>>, vector<1x640x64xf32>
    %swap3A_23 = vector.shape_cast %swap3A_22 : vector<1x640x64xf32> to vector<640x64xf32>
    %swap3A_24 = vector.shape_cast %slice3A_19 : vector<640x64xf32> to vector<1x640x64xf32>
    tpu.vector_store %arg4[%swap3A, %swap3A_20, %swap3A_21], %swap3A_24 {strides = array<i32>} : memref<2x640x64xf32, #tpu.memory_space<vmem>>, vector<1x640x64xf32>,
    %slice3A_25 = vector.extract_strided_slice %mul3A_18 {offsets = [0, 64], sizes = [640, 64], strides = [1, 1]} : vector<640x128xf32> to vector<640x64xf32>
    %swap3A_26 = arith.constant 1 : index
    %swap3A_27 = arith.constant 0 : index
    %swap3A_28 = arith.constant 0 : index
    %swap3A_29 = vector.load %arg4[%swap3A_26, %swap3A_27, %swap3A_28] : memref<2x640x64xf32, #tpu.memory_space<vmem>>, vector<1x640x64xf32>
    %swap3A_30 = vector.shape_cast %swap3A_29 : vector<1x640x64xf32> to vector<640x64xf32>
    %swap3A_31 = vector.shape_cast %slice3A_25 : vector<640x64xf32> to vector<1x640x64xf32>
    tpu.vector_store %arg4[%swap3A_26, %swap3A_27, %swap3A_28], %swap3A_31 {strides = array<i32>} : memref<2x640x64xf32, #tpu.memory_space<vmem>>, vector<1x640x64xf32>,
    return
  }
  func.func @transform_0(%arg0: i32) -> (i32, i32) {
    %c0_i32 = arith.constant 0 : i32
    %c0_i32_0 = arith.constant 0 : i32
    return %arg0, %c0_i32 : i32, i32
  }
  func.func @transform_1(%arg0: i32) -> (i32, i32) {
    %c0_i32 = arith.constant 0 : i32
    %c0_i32_0 = arith.constant 0 : i32
    %c0_i32_1 = arith.constant 0 : i32
    return %c0_i32, %c0_i32_0 : i32, i32
  }
  func.func @transform_2(%arg0: i32) -> (i32, i32, i32) {
    %c0_i32 = arith.constant 0 : i32
    %c0_i32_0 = arith.constant 0 : i32
    %c0_i32_1 = arith.constant 0 : i32
    return %c0_i32, %arg0, %c0_i32_0 : i32, i32, i32
  }
  func.func @transform_3(%arg0: i32) -> (i32, i32, i32) {
    %c0_i32 = arith.constant 0 : i32
    %c0_i32_0 = arith.constant 0 : i32
    %c0_i32_1 = arith.constant 0 : i32
    return %c0_i32, %arg0, %c0_i32_0 : i32, i32, i32
  }
}

module attributes {stable_mosaic.version = 14 : i64} {
  func.func @_mmh_body(%arg0: i32, %arg1: memref<2x640x64xf32, #tpu.memory_space<vmem>>, %arg2: memref<2x640x64xf32, #tpu.memory_space<vmem>>, %arg3: memref<1x128xf32, #tpu.memory_space<vmem>>, %arg4: memref<128x128xf32, #tpu.memory_space<vmem>>, %arg5: memref<2x640x64xf32, #tpu.memory_space<vmem>>) attributes {dimension_semantics = [#tpu.dimension_semantics<arbitrary>], iteration_bounds = array<i64: 16>, scalar_prefetch = 0 : i64, scratch_operands = 0 : i64, tpu.core_type = #tpu.core_type<tc>, window_params = [{transform_indices = @transform_0, window_bounds = array<i64: 2, 640, 64>}, {transform_indices = @transform_1, window_bounds = array<i64: 2, 640, 64>}, {pipeline_mode = #tpu.pipeline_mode<synchronous>, transform_indices = @transform_2, window_bounds = array<i64: 1, 128>}, {pipeline_mode = #tpu.pipeline_mode<synchronous>, transform_indices = @transform_3, window_bounds = array<i64: 128, 128>}, {transform_indices = @transform_4, window_bounds = array<i64: 2, 640, 64>}]} {
    %get3A = arith.constant 0 : index
    %get3A_0 = arith.constant 0 : index
    %get3A_1 = arith.constant 0 : index
    %get3A_2 = vector.load %arg2[%get3A, %get3A_0, %get3A_1] : memref<2x640x64xf32, #tpu.memory_space<vmem>>, vector<2x640x64xf32>
    %slice3A = vector.extract_strided_slice %get3A_2 {offsets = [0, 0, 0], sizes = [1, 640, 64], strides = [1, 1, 1]} : vector<2x640x64xf32> to vector<1x640x64xf32>
    %squeeze3A = vector.shape_cast %slice3A : vector<1x640x64xf32> to vector<640x64xf32>
    %slice3A_3 = vector.extract_strided_slice %squeeze3A {offsets = [0, 0], sizes = [640, 1], strides = [1, 1]} : vector<640x64xf32> to vector<640x1xf32>
    %slice3A_4 = vector.extract_strided_slice %get3A_2 {offsets = [1, 0, 0], sizes = [1, 640, 64], strides = [1, 1, 1]} : vector<2x640x64xf32> to vector<1x640x64xf32>
    %squeeze3A_5 = vector.shape_cast %slice3A_4 : vector<1x640x64xf32> to vector<640x64xf32>
    %slice3A_6 = vector.extract_strided_slice %squeeze3A_5 {offsets = [0, 0], sizes = [640, 1], strides = [1, 1]} : vector<640x64xf32> to vector<640x1xf32>
    %add3A = arith.addf %slice3A_3, %slice3A_6 : vector<640x1xf32>
    %sub3A = arith.constant 1.000000e+00 : f32
    %sub3A_7 = vector.broadcast %sub3A : f32 to vector<640x1xf32>
    %sub3A_8 = arith.subf %add3A, %sub3A_7 : vector<640x1xf32>
    %max3A = arith.constant 1.000000e+00 : f32
    %max3A_9 = vector.broadcast %max3A : f32 to vector<640x1xf32>
    %max3A_10 = arith.maximumf %sub3A_8, %max3A_9 : vector<640x1xf32>
    %rsqrt3A = math.rsqrt %max3A_10 : vector<640x1xf32>
    %get3A_11 = arith.constant 0 : index
    %get3A_12 = arith.constant 0 : index
    %get3A_13 = arith.constant 0 : index
    %get3A_14 = vector.load %arg1[%get3A_11, %get3A_12, %get3A_13] : memref<2x640x64xf32, #tpu.memory_space<vmem>>, vector<1x640x64xf32>
    %get3A_15 = vector.shape_cast %get3A_14 : vector<1x640x64xf32> to vector<640x64xf32>
    %get3A_16 = arith.constant 1 : index
    %get3A_17 = arith.constant 0 : index
    %get3A_18 = arith.constant 0 : index
    %get3A_19 = vector.load %arg1[%get3A_16, %get3A_17, %get3A_18] : memref<2x640x64xf32, #tpu.memory_space<vmem>>, vector<1x640x64xf32>
    %get3A_20 = vector.shape_cast %get3A_19 : vector<1x640x64xf32> to vector<640x64xf32>
    %concatenate3A = tpu.concatenate %get3A_15, %get3A_20 in 1 : vector<640x64xf32>, vector<640x64xf32> -> vector<640x128xf32>
    %mul3A = vector.broadcast %rsqrt3A : vector<640x1xf32> to vector<640x128xf32>
    %mul3A_21 = arith.mulf %mul3A, %concatenate3A : vector<640x128xf32>
    %get3A_22 = arith.constant 0 : index
    %get3A_23 = arith.constant 0 : index
    %get3A_24 = vector.load %arg3[%get3A_22, %get3A_23] : memref<1x128xf32, #tpu.memory_space<vmem>>, vector<1x128xf32>
    %add3A_25 = vector.broadcast %get3A_24 : vector<1x128xf32> to vector<640x128xf32>
    %add3A_26 = arith.addf %mul3A_21, %add3A_25 : vector<640x128xf32>
    %max3A_27 = arith.constant 0.000000e+00 : f32
    %max3A_28 = vector.broadcast %max3A_27 : f32 to vector<640x128xf32>
    %max3A_29 = arith.maximumf %add3A_26, %max3A_28 : vector<640x128xf32>
    %get3A_30 = arith.constant 0 : index
    %get3A_31 = arith.constant 0 : index
    %get3A_32 = vector.load %arg4[%get3A_30, %get3A_31] : memref<128x128xf32, #tpu.memory_space<vmem>>, vector<128x128xf32>
    %dot_general3A = arith.constant dense<0.000000e+00> : vector<640x128xf32>
    %dot_general3A_33 = tpu.matmul %max3A_29, %get3A_32, %dot_general3A {dimension_numbers = #tpu.dot_dimension_numbers<[1], [0], [0], [1], [0, 0, 1, 1], [], []>, precision = #tpu.contract_precision<fp32>, transpose_lhs_hint = false} : vector<640x128xf32>, vector<128x128xf32>, vector<640x128xf32> -> vector<640x128xf32>
    %mul3A_34 = vector.broadcast %rsqrt3A : vector<640x1xf32> to vector<640x128xf32>
    %mul3A_35 = arith.mulf %mul3A_34, %dot_general3A_33 : vector<640x128xf32>
    %slice3A_36 = vector.extract_strided_slice %mul3A_35 {offsets = [0, 0], sizes = [640, 64], strides = [1, 1]} : vector<640x128xf32> to vector<640x64xf32>
    %swap3A = arith.constant 0 : index
    %swap3A_37 = arith.constant 0 : index
    %swap3A_38 = arith.constant 0 : index
    %swap3A_39 = vector.load %arg5[%swap3A, %swap3A_37, %swap3A_38] : memref<2x640x64xf32, #tpu.memory_space<vmem>>, vector<1x640x64xf32>
    %swap3A_40 = vector.shape_cast %swap3A_39 : vector<1x640x64xf32> to vector<640x64xf32>
    %swap3A_41 = vector.shape_cast %slice3A_36 : vector<640x64xf32> to vector<1x640x64xf32>
    tpu.vector_store %arg5[%swap3A, %swap3A_37, %swap3A_38], %swap3A_41 {strides = array<i32>} : memref<2x640x64xf32, #tpu.memory_space<vmem>>, vector<1x640x64xf32>,
    %slice3A_42 = vector.extract_strided_slice %mul3A_35 {offsets = [0, 64], sizes = [640, 64], strides = [1, 1]} : vector<640x128xf32> to vector<640x64xf32>
    %swap3A_43 = arith.constant 1 : index
    %swap3A_44 = arith.constant 0 : index
    %swap3A_45 = arith.constant 0 : index
    %swap3A_46 = vector.load %arg5[%swap3A_43, %swap3A_44, %swap3A_45] : memref<2x640x64xf32, #tpu.memory_space<vmem>>, vector<1x640x64xf32>
    %swap3A_47 = vector.shape_cast %swap3A_46 : vector<1x640x64xf32> to vector<640x64xf32>
    %swap3A_48 = vector.shape_cast %slice3A_42 : vector<640x64xf32> to vector<1x640x64xf32>
    tpu.vector_store %arg5[%swap3A_43, %swap3A_44, %swap3A_45], %swap3A_48 {strides = array<i32>} : memref<2x640x64xf32, #tpu.memory_space<vmem>>, vector<1x640x64xf32>,
    return
  }
  func.func @transform_0(%arg0: i32) -> (i32, i32, i32) {
    %c0_i32 = arith.constant 0 : i32
    %c0_i32_0 = arith.constant 0 : i32
    %c0_i32_1 = arith.constant 0 : i32
    return %c0_i32, %arg0, %c0_i32_0 : i32, i32, i32
  }
  func.func @transform_1(%arg0: i32) -> (i32, i32, i32) {
    %c0_i32 = arith.constant 0 : i32
    %c0_i32_0 = arith.constant 0 : i32
    %c0_i32_1 = arith.constant 0 : i32
    return %c0_i32, %arg0, %c0_i32_0 : i32, i32, i32
  }
  func.func @transform_2(%arg0: i32) -> (i32, i32) {
    %c0_i32 = arith.constant 0 : i32
    %c0_i32_0 = arith.constant 0 : i32
    %c0_i32_1 = arith.constant 0 : i32
    return %c0_i32, %c0_i32_0 : i32, i32
  }
  func.func @transform_3(%arg0: i32) -> (i32, i32) {
    %c0_i32 = arith.constant 0 : i32
    %c0_i32_0 = arith.constant 0 : i32
    %c0_i32_1 = arith.constant 0 : i32
    return %c0_i32, %c0_i32_0 : i32, i32
  }
  func.func @transform_4(%arg0: i32) -> (i32, i32, i32) {
    %c0_i32 = arith.constant 0 : i32
    %c0_i32_0 = arith.constant 0 : i32
    %c0_i32_1 = arith.constant 0 : i32
    return %c0_i32, %arg0, %c0_i32_0 : i32, i32, i32
  }
}

module attributes {stable_mosaic.version = 14 : i64} {
  func.func @_fin_body(%arg0: i32, %arg1: memref<2x640x64xf32, #tpu.memory_space<vmem>>, %arg2: memref<2x640x64xf32, #tpu.memory_space<vmem>>, %arg3: memref<1x128xf32, #tpu.memory_space<vmem>>, %arg4: memref<640x128xf32, #tpu.memory_space<vmem>>) attributes {dimension_semantics = [#tpu.dimension_semantics<arbitrary>], iteration_bounds = array<i64: 16>, scalar_prefetch = 0 : i64, scratch_operands = 0 : i64, tpu.core_type = #tpu.core_type<tc>, window_params = [{transform_indices = @transform_0, window_bounds = array<i64: 2, 640, 64>}, {transform_indices = @transform_1, window_bounds = array<i64: 2, 640, 64>}, {pipeline_mode = #tpu.pipeline_mode<synchronous>, transform_indices = @transform_2, window_bounds = array<i64: 1, 128>}, {transform_indices = @transform_3, window_bounds = array<i64: 640, 128>}]} {
    %get3A = arith.constant 0 : index
    %get3A_0 = arith.constant 0 : index
    %get3A_1 = arith.constant 0 : index
    %get3A_2 = vector.load %arg2[%get3A, %get3A_0, %get3A_1] : memref<2x640x64xf32, #tpu.memory_space<vmem>>, vector<2x640x64xf32>
    %slice3A = vector.extract_strided_slice %get3A_2 {offsets = [0, 0, 0], sizes = [1, 640, 64], strides = [1, 1, 1]} : vector<2x640x64xf32> to vector<1x640x64xf32>
    %squeeze3A = vector.shape_cast %slice3A : vector<1x640x64xf32> to vector<640x64xf32>
    %slice3A_3 = vector.extract_strided_slice %squeeze3A {offsets = [0, 0], sizes = [640, 1], strides = [1, 1]} : vector<640x64xf32> to vector<640x1xf32>
    %slice3A_4 = vector.extract_strided_slice %get3A_2 {offsets = [1, 0, 0], sizes = [1, 640, 64], strides = [1, 1, 1]} : vector<2x640x64xf32> to vector<1x640x64xf32>
    %squeeze3A_5 = vector.shape_cast %slice3A_4 : vector<1x640x64xf32> to vector<640x64xf32>
    %slice3A_6 = vector.extract_strided_slice %squeeze3A_5 {offsets = [0, 0], sizes = [640, 1], strides = [1, 1]} : vector<640x64xf32> to vector<640x1xf32>
    %add3A = arith.addf %slice3A_3, %slice3A_6 : vector<640x1xf32>
    %sub3A = arith.constant 1.000000e+00 : f32
    %sub3A_7 = vector.broadcast %sub3A : f32 to vector<640x1xf32>
    %sub3A_8 = arith.subf %add3A, %sub3A_7 : vector<640x1xf32>
    %max3A = arith.constant 1.000000e+00 : f32
    %max3A_9 = vector.broadcast %max3A : f32 to vector<640x1xf32>
    %max3A_10 = arith.maximumf %sub3A_8, %max3A_9 : vector<640x1xf32>
    %rsqrt3A = math.rsqrt %max3A_10 : vector<640x1xf32>
    %get3A_11 = arith.constant 0 : index
    %get3A_12 = arith.constant 0 : index
    %get3A_13 = arith.constant 0 : index
    %get3A_14 = vector.load %arg1[%get3A_11, %get3A_12, %get3A_13] : memref<2x640x64xf32, #tpu.memory_space<vmem>>, vector<1x640x64xf32>
    %get3A_15 = vector.shape_cast %get3A_14 : vector<1x640x64xf32> to vector<640x64xf32>
    %get3A_16 = arith.constant 1 : index
    %get3A_17 = arith.constant 0 : index
    %get3A_18 = arith.constant 0 : index
    %get3A_19 = vector.load %arg1[%get3A_16, %get3A_17, %get3A_18] : memref<2x640x64xf32, #tpu.memory_space<vmem>>, vector<1x640x64xf32>
    %get3A_20 = vector.shape_cast %get3A_19 : vector<1x640x64xf32> to vector<640x64xf32>
    %concatenate3A = tpu.concatenate %get3A_15, %get3A_20 in 1 : vector<640x64xf32>, vector<640x64xf32> -> vector<640x128xf32>
    %mul3A = vector.broadcast %rsqrt3A : vector<640x1xf32> to vector<640x128xf32>
    %mul3A_21 = arith.mulf %mul3A, %concatenate3A : vector<640x128xf32>
    %get3A_22 = arith.constant 0 : index
    %get3A_23 = arith.constant 0 : index
    %get3A_24 = vector.load %arg3[%get3A_22, %get3A_23] : memref<1x128xf32, #tpu.memory_space<vmem>>, vector<1x128xf32>
    %add3A_25 = vector.broadcast %get3A_24 : vector<1x128xf32> to vector<640x128xf32>
    %add3A_26 = arith.addf %mul3A_21, %add3A_25 : vector<640x128xf32>
    %reduce_max3A = arith.constant dense<0xFF800000> : vector<640xf32>
    %reduce_max3A_27 = vector.multi_reduction <maximumf>, %add3A_26, %reduce_max3A [1] : vector<640x128xf32> to vector<640xf32>
    %broadcast_in_dim3A = vector.shape_cast %reduce_max3A_27 : vector<640xf32> to vector<640x1xf32>
    %sub3A_28 = vector.broadcast %broadcast_in_dim3A : vector<640x1xf32> to vector<640x128xf32>
    %sub3A_29 = arith.subf %add3A_26, %sub3A_28 : vector<640x128xf32>
    %exp3A = math.exp %sub3A_29 : vector<640x128xf32>
    %reduce_sum3A = arith.constant dense<0.000000e+00> : vector<640xf32>
    %reduce_sum3A_30 = vector.multi_reduction <add>, %exp3A, %reduce_sum3A [1] : vector<640x128xf32> to vector<640xf32>
    %broadcast_in_dim3A_31 = vector.shape_cast %reduce_sum3A_30 : vector<640xf32> to vector<640x1xf32>
    %log3A = math.log %broadcast_in_dim3A_31 : vector<640x1xf32>
    %add3A_32 = arith.addf %log3A, %broadcast_in_dim3A : vector<640x1xf32>
    %sub3A_33 = vector.broadcast %add3A_32 : vector<640x1xf32> to vector<640x128xf32>
    %sub3A_34 = arith.subf %add3A_26, %sub3A_33 : vector<640x128xf32>
    %swap3A = arith.constant 0 : index
    %swap3A_35 = arith.constant 0 : index
    %swap3A_36 = vector.load %arg4[%swap3A, %swap3A_35] : memref<640x128xf32, #tpu.memory_space<vmem>>, vector<640x128xf32>
    tpu.vector_store %arg4[%swap3A, %swap3A_35], %sub3A_34 {strides = array<i32>} : memref<640x128xf32, #tpu.memory_space<vmem>>, vector<640x128xf32>,
    return
  }
  func.func @transform_0(%arg0: i32) -> (i32, i32, i32) {
    %c0_i32 = arith.constant 0 : i32
    %c0_i32_0 = arith.constant 0 : i32
    %c0_i32_1 = arith.constant 0 : i32
    return %c0_i32, %arg0, %c0_i32_0 : i32, i32, i32
  }
  func.func @transform_1(%arg0: i32) -> (i32, i32, i32) {
    %c0_i32 = arith.constant 0 : i32
    %c0_i32_0 = arith.constant 0 : i32
    %c0_i32_1 = arith.constant 0 : i32
    return %c0_i32, %arg0, %c0_i32_0 : i32, i32, i32
  }
  func.func @transform_2(%arg0: i32) -> (i32, i32) {
    %c0_i32 = arith.constant 0 : i32
    %c0_i32_0 = arith.constant 0 : i32
    %c0_i32_1 = arith.constant 0 : i32
    return %c0_i32, %c0_i32_0 : i32, i32
  }
  func.func @transform_3(%arg0: i32) -> (i32, i32) {
    %c0_i32 = arith.constant 0 : i32
    %c0_i32_0 = arith.constant 0 : i32
    return %arg0, %c0_i32 : i32, i32
  }
}

</mosaic_0001>

<sc_bundles>
// kernel: kernel.10.cloned.1.call-start
scs
__scs_entry_jumppad:
0x0: {  	(pc) =	sbr.rel $0x88, $3  }
0x1: {  	(tag) =	ssettag $0x0;
	lr =	simm.s32 $0x1  }
0x2: {  	[smem:$0x3F99] =	sst lr;
	_ =	strace $0xD0000000  }
0x3: {  	_ = 	snop  }
0x4: {  	_ = 	snop  }
0x5: {  	_ = 	snop  }
0x6: {  	_ = 	snop  }
0x7: {  	_ = 	snop  }
__scs_overlays_trampoline_lowered:
0x8: {  	[smem:$0x3FA8] =	sst s0  }
0x9: {  	[smem:$0x3FA9] =	sst s1  }
0xa: {  	[smem:$0x3FAA] =	sst s2  }
0xb: {  	[smem:$0x3FAB] =	sst s3  }
0xc: {  	[smem:$0x3FAC] =	sst s4  }
0xd: {  	[smem:$0x3FAD] =	sst s5  }
0xe: {  	[smem:$0x3FAE] =	sst s6  }
0xf: {  	[smem:$0x3FAF] =	sst s7  }
0x10: {  	[smem:$0x3FB0] =	sst s8  }
0x11: {  	[smem:$0x3FB1] =	sst s9;
	s0 =	simm.s32 @!p0 $0x0  }
0x12: {  	s1 =	sld [smem:$0x3F97];
	s0 =	simm.s32 @p0 $0x1  }
0x13: {  	[smem:$0x3FB2] =	sst s0;
	s0 =	simm.s32 @!p1 $0x0  }
0x14: {  	s2 =	sld [smem:$0x3F96];
	s0 =	simm.s32 @p1 $0x1  }
0x15: {  	[smem:$0x3FB3] =	sst s0;
	s0 =	simm.s32 @!p2 $0x0  }
0x16: {  	s3 =	sld [smem:$0x3FDB];
	s0 =	simm.s32 @p2 $0x1  }
0x17: {  	s4 =	simm.s32 $0x1BF5;
	[smem:$0x3FB5] =	sst s0  }
0x18: {  	s0 =	sld [smem:$0x3F98];
	_ =	swait.ge [sflag:s4], $0x0  }
0x19: {  	s7 =	sld [smem:$0x3F99]  }
0x1a: {  	s8 =	sadd.s32 $0xFFFFE003, lr  }
0x1b: {  	s9 =	sadd.s32 $0xFFFFFEF7, lr;
	s5 =	simm.s32 $0xFFFFFFFF;
	p2 =	slt.u32 s8, $0xFFFFF086  }
0x1c: {  	p1 =	slt.u32 s9, $0xF7A;
	s5 =	simm.s32 @!p2 $0x0  }
0x1d: {  	s5 =	simm.s32 @p1 $0x1;
	p0 =	seq.s32 s7, s2  }
0x1e: {  	s7 =	smul.u32 @!p0 $0xF7A, s2;
	p2 =	seq.s32 @!p0 s5, $0x0  }
0x1f: {  	s9 =	smul.u32 $0xF7A, s1;
	s8 =	simm.s32 @!p0 $0x1BF5;
	p2 =	por !p2, p0  }
0x20: {  	[sflag:s8] =	ssyncset.s32 @!p0 $0xFFFFF086;
	s6 =	sadd.s32 @!p0 s3, s7;
	s7 =	simm.s32 @!p0 $0x108  }
0x21: {  	s3 =	sadd.s32 s3, s9;
	s6 =	sadd.s32 @!p0 $0x88, s6;
	s7 =	simm.s32 @p2 $0x1082  }
0x22: {  	[simem:s7], [sflag:s8] =	dma.local @!p0 [hbm:s6], $0xF7A  }
0x23: {  	s9 =	sor.u32 $0xD0000000, s2;
	s6 =	simm.s32 $0x108;
	_ =	swait.ge @!p0 [sflag:s8], $0x0  }
0x24: {  	s3 =	sadd.s32 $0x88, s3;
	s6 =	simm.s32 @!p1 $0x1082;
	[sflag:s4] =	ssyncset.s32 $0xFFFFF086  }
0x25: {  	[simem:s6], [sflag:s4] =	dma.local [hbm:s3], $0xF7A  }
0x26: {  	[smem:$0x3F99] =	sst s1;
	(tag) =	ssettag s2;
	_ =	strace s9  }
0x27: {  	s1 =	sld [smem:$0x3FA9]  }
0x28: {  	s2 =	sld [smem:$0x3FAA]  }
0x29: {  	s4 =	sld [smem:$0x3FAC]  }
0x2a: {  	p0 =	seq.s32 s5, $0x0;
	s5 =	sld [smem:$0x3FAD]  }
0x2b: {  	s6 =	sld [smem:$0x3FAE]  }
0x2c: {  	s7 =	sld [smem:$0x3FAF]  }
0x2d: {  	s3 =	simm.s32 $0x108;
	s8 =	sld [smem:$0x3FB0]  }
0x2e: {  	s3 =	simm.s32 @!p0 $0x1082;
	s9 =	sld [smem:$0x3FB1]  }
0x2f: {  	lr =	sadd.s32 s0, s3;
	s0 =	sld [smem:$0x3FA8]  }
0x30: {  	s3 =	sld [smem:$0x3FAB]  }
0x31: {  	[smem:$0x3FB4] =	sst s10  }
0x32: {  	s10 =	sld [smem:$0x3FB2];
	_ =	sdelay $0x3  }
0x33: {  	p0 =	seq.s32 s10, $0x1;
	s10 =	sld [smem:$0x3FB4];
	_ =	sdelay $0x3  }
0x34: {  	[smem:$0x3FB4] =	sst s10  }
0x35: {  	s10 =	sld [smem:$0x3FB3];
	_ =	sdelay $0x3  }
0x36: {  	p1 =	seq.s32 s10, $0x1;
	s10 =	sld [smem:$0x3FB4];
	_ =	sdelay $0x3  }
0x37: {  	[smem:$0x3FB4] =	sst s10  }
0x38: {  	s10 =	sld [smem:$0x3FB5]  }
0x39: {  	_ = 	snop;
	(pc) =	sbr.ind lr, $3  }
0x3a: {  	_ = 	snop  }
0x3b: {  	_ = 	snop  }
0x3c: {  	p2 =	seq.s32 s10, $0x1;
	s10 =	sld [smem:$0x3FB4]  }
0x3d: {  	_ =	shalt  }
0x3e: {  	_ =	shalt  }
0x3f: {  	_ =	shalt  }
0x40: {  	_ =	shalt  }
0x41: {  	_ =	shalt  }
0x42: {  	_ =	shalt  }
0x43: {  	_ =	shalt  }
0x44: {  	_ =	shalt  }
0x45: {  	_ =	shalt  }
0x46: {  	_ =	shalt  }
0x47: {  	_ =	shalt  }
0x48: {  	_ =	shalt  }
0x49: {  	_ =	shalt  }
0x4a: {  	_ =	shalt  }
0x4b: {  	_ =	shalt  }
0x4c: {  	_ =	shalt  }
0x4d: {  	_ =	shalt  }
0x4e: {  	_ =	shalt  }
0x4f: {  	_ =	shalt  }
0x50: {  	_ =	shalt  }
0x51: {  	_ =	shalt  }
0x52: {  	_ =	shalt  }
0x53: {  	_ =	shalt  }
0x54: {  	_ =	shalt  }
0x55: {  	_ =	shalt  }
0x56: {  	_ =	shalt  }
0x57: {  	_ =	shalt  }
0x58: {  	_ =	shalt  }
0x59: {  	_ =	shalt  }
0x5a: {  	_ =	shalt  }
0x5b: {  	_ =	shalt  }
0x5c: {  	_ =	shalt  }
0x5d: {  	_ =	shalt  }
0x5e: {  	_ =	shalt  }
0x5f: {  	_ =	shalt  }
0x60: {  	_ =	shalt  }
0x61: {  	_ =	shalt  }
0x62: {  	_ =	shalt  }
0x63: {  	_ =	shalt  }
0x64: {  	_ =	shalt  }
0x65: {  	_ =	shalt  }
0x66: {  	_ =	shalt  }
0x67: {  	_ =	shalt  }
0x68: {  	_ =	shalt  }
0x69: {  	_ =	shalt  }
0x6a: {  	_ =	shalt  }
0x6b: {  	_ =	shalt  }
0x6c: {  	_ =	shalt  }
0x6d: {  	_ =	shalt  }
0x6e: {  	_ =	shalt  }
0x6f: {  	_ =	shalt  }
0x70: {  	_ =	shalt  }
0x71: {  	_ =	shalt  }
0x72: {  	_ =	shalt  }
0x73: {  	_ =	shalt  }
0x74: {  	_ =	shalt  }
0x75: {  	_ =	shalt  }
0x76: {  	_ =	shalt  }
0x77: {  	_ =	shalt  }
0x78: {  	_ =	shalt  }
0x79: {  	_ =	shalt  }
0x7a: {  	_ =	shalt  }
0x7b: {  	_ =	shalt  }
0x7c: {  	_ =	shalt  }
0x7d: {  	_ =	shalt  }
0x7e: {  	_ =	shalt  }
0x7f: {  	_ =	shalt  }
0x80: {  	_ =	shalt  }
0x81: {  	_ =	shalt  }
0x82: {  	_ =	shalt  }
0x83: {  	_ =	shalt  }
0x84: {  	_ =	shalt  }
0x85: {  	_ =	shalt  }
0x86: {  	_ =	shalt  }
0x87: {  	_ =	shalt  }
.Lfunc_end0:
.L_simem_size_0:
called_computation_lowered:
.L_overlay_start_0:
0x88: {  	s2 =	sld [smem:$0x3FD9]  }
0x89: {  	s3 =	sld [smem:$0x3FFE];
	_ =	sdelay $0x1  }
0x8a: {  	s1 =	srdreg.scid  }
0x8b: {  	s0 =	sand.u32 $0x1, s1  }
0x8c: {  	s17 =	sshll.u32 s0, $0xA;
	s2 =	sadd.s32 s3, s2  }
0x8d: {  	s2 =	sadd.s32 s2, s17  }
0x8e: {  	[smem:$0x3FC0] =	sst s2  }
0x8f: {  	_ = 	snop  }
0x90: {  	s2 =	sld [smem:$0x3FD0];
	(tm) =	ssettm $0x1  }
0x91: {  	s18 =	sld [smem:$0x3FFB];
	_ =	sdelay $0x3  }
0x92: {  	_ =	strace s18  }
0x93: {  	s3 =	sld [smem:$0x3FFC];
	_ =	sdelay $0x3  }
0x94: {  	_ =	strace s3  }
0x95: {  	s3 =	sld [smem:$0x3FFD];
	_ =	sdelay $0x3  }
0x96: {  	_ =	strace s3  }
0x97: {  	_ =	strace $0x8FFFFFFF  }
0x98: {  	s19 =	sld [smem:$0x3FDB];
	_ =	sdelay $0x1  }
0x99: {  	s4 =	simm.s32 $_scs_section_size  }
0x9a: {  	s5 =	simm.s32 $_size__tile_overlayer_lowered;
	s6 =	simm.s32 $_tile_overlayer_lowered  }
0x9b: {  	s22 =	simm.s32 $0x1BFF;
	s21 =	sshll.u32 s6, $0x1;
	s3 =	sadd.s32 s4, s19  }
0x9c: {  	s7 =	simm.s32 $0x0;
	s20 =	sshll.u32 s5, $0x1;
	s5 =	sadd.s32 s21, s3  }
0x9d: {  	[timem:s7], [sflag:s22] =	dma.local [hbm:s5], s20  }
0x9e: {  	_ =	swait.ge [sflag:s22], s20  }
0x9f: {  	s4 =	ssub.s32 $0x0, s20;
	[sflag:s22] =	ssyncset.done $0x0  }
0xa0: {  	[sflag:s22] =	ssyncadd.s32 s4;
	_ =	sdelay $0x1  }
0xa1: {  	s23 =	simm.s32 $0x1B8B  }
0xa2: {  	_ =	swait.ge [sflag:s23], $0x1  }
0xa3: {  	[sflag:s23] =	ssyncset.done $0x0  }
0xa4: {  	s25 =	simm.s32 $0x1B8E;
	s24 =	sld [smem:$0x3FFE];
	[sflag:s23] =	ssyncadd.s32 $0xFFFFFFFF  }
0xa5: {  	s26 =	simm.s32 $execute0_lowered;
	[smem:$0x3FD2] =	sst s25  }
0xa6: {  	s5 =	sshll.u32 s26, $0x1;
	_ =	strace $0x80000046;
	[dreg:$0x1] =	wrdreg $0xFFFFFFFF  }
0xa7: {  	s28 =	simm.s32 $_size_execute0_lowered;
	s3 =	sadd.s32 s3, s5;
	[dreg:$0x0] =	wrdreg $0x0  }
0xa8: {  	s5 =	sshll.u32 s28, $0x1;
	[dreg:$0x2] =	wrdreg s3  }
0xa9: {  	[dreg:$0x3] =	wrdreg s5  }
0xaa: {  	[dreg:$0x4] =	wrdreg $0xC0  }
0xab: {  	_ =	task [dreg:s7], $0x5FFFF  }
0xac: {  	[dreg:$0x1] =	wrdreg $0xFFFFFFFF  }
0xad: {  	[dreg:$0x0] =	wrdreg $0x60  }
0xae: {  	[dreg:$0x2] =	wrdreg s2  }
0xaf: {  	[dreg:$0x3] =	wrdreg s24  }
0xb0: {  	[dreg:$0x4] =	wrdreg $0x70000  }
0xb1: {  	[dreg:$0x5] =	wrdreg $0x9  }
0xb2: {  	_ =	task.clear_ibuf [dreg:s7], $0x6FFFF;
	_ =	strace $0x90000046  }
0xb3: {  	s29 =	simm.s32 $0x9;
	_ =	strace $0x80000048  }
0xb4: {  	_ =	swait.ge [sflag:s29], $0x1  }
0xb5: {  	[sflag:s29] =	ssyncadd.s32 $0xFFFFFFFF  }
0xb6: {  	_ =	strace $0x90000048  }
0xb7: {  	_ =	sfence  }
0xb8: {  	s30 =	sld [smem:$0x0];
	_ =	sdelay $0x2  }
0xb9: {  	s31 =	sshll.u32 s1, $0xD;
	s1 =	sshrl.u32 s1, $0x2  }
0xba: {  	s3 =	sand.u32 $0x4000, s31;
	s1 =	sadd.s32 s1, s30  }
0xbb: {  	s0 =	sor.u32 s3, s0;
	s1 =	sshll.u32 s1, $0x11  }
0xbc: {  	s0 =	sor.u32 s1, s0  }
0xbd: {  	s0 =	sadd.s32 $0x8F2B, s0  }
0xbe: {  	[sflag:s0] =	ssyncadd.remote.s32 $0x1  }
0xbf: {  	_ =	sfence.sel $0xFFFF  }
0xc0: {  	[dreg:$0x0] =	wrdreg $0xFFFFFFFF;
	(pc) =	sbr.abs _section_cstart, $3  }
0xc1: {  	[dreg:$0x1] =	wrdreg $0xFFFFFFFF  }
0xc2: {  	_ =	task.clear_ibuf [dreg:s7], $0x2FFFF;
	_ =	strace $0x9FFFFFFF  }
0xc3: {  	(tm) =	ssettm $0x7FFFFFFF  }
tec
execute0_lowered:
.L_overlay_start_1:
0x0: {  	(tag) =	ssettag $0x1  }
0x1: {  	s2 =	rddreg [dreg:$0x0]  }
0x2: {  	s5 =	rddreg [dreg:$0x1]  }
0x3: {  	s3 =	rddreg [dreg:$0x2]  }
0x4: {  	s0 =	rddreg [dreg:$0x3]  }
0x5: {  	s1 =	stileid.u32;
	s6 =	srdreg.scid;
	s4 =	simm.s32 $0x0  }
0x6: {  	s14 =	simm.s32 $0x2;
	s15 =	simm.s32 $0x3;
	s7 =	smul.u32 $0xA00, s1  }
0x7: {  	s16 =	simm.s32 $0x4;
	s6 =	sand.u32 $0x1, s6;
	s9 =	smul.u32 $0xA000, s1  }
0x8: {  	[smem:$0x7FF] =	sst s4;
	s11 =	sshll.u32 s1, $0x6;
	s8 =	smul.u32 $0x14000, s6  }
0x9: {  	_ =	strace $0x80000047;
	s31 =	ssub.s32 $0x2, s6;
	s12 =	smul.u32 $0xA000, s6  }
0xa: {  	s7 =	sadd.s32 s7, s5;
	s10 =	sshrl.u32 s31, $0x1;
	s13 =	sadd.s32 s9, s3  }
0xb: {  	s18 =	sshrl.u32 s9, $0x3;
	s8 =	sadd.s32 s8, s5;
	s10 =	ssub.s32 s31, s10  }
0xc: {  	s5 =	sor.u32 $0x1C05, s11;
	s6 =	sadd.s32 $0x1E00, s7;
	s7 =	sshrl.u32 s12, $0x2  }
0xd: {  	s9 =	sshrl.u32 s13, $0x3;
	s11 =	simm.s32 $0x5000;
	s12 =	simm.s32 $0x80  }
0xe: {  	s13 =	simm.s32 $0x1;
	s17 =	sadd.s32 $0x15E00, s8;
	s8 =	smax.u32 s10, $0x1  }
0xf: {  	s10 =	simm.s32 $0x5;
	s17 =	sadd.s32 s18, s17;
	s18 =	simm.s32 $0x0  }
.LBB2_1:
0x10: {  	[spmem:s9], [sflag:s5] =	dma.local [hbm:s2], $0x1400  }
0x11: {  	_ =	swait.ge [sflag:s10], $0x1400  }
0x12: {  	[sflag:s10] =	ssyncset.done $0x0  }
0x13: {  	[sflag:s10] =	ssyncadd.s32 $0xFFFFEC00  }
0x14: {  	[tilespmem:s11], [sflag:$0x5] =	stream.linear.gather [hbm4b:s2+s4], $0x2000, $0x38;
	[tilespmem:$0x11000] =	vst v63  }
0x15: {  	_ =	swait.ge [sflag:s10], $0x2000  }
0x16: {  	[sflag:s10] =	ssyncset.done $0x0  }
0x17: {  	[sflag:s10] =	ssyncadd.s32 $0xFFFFE000  }
0x18: {  	[tilespmem:s4], [sflag:$0x5] =	stream.linear.gather [hbm4b:s6+s4], $0x5000, $0x38;
	[tilespmem:$0x11000] =	vst v63  }
0x19: {  	_ =	swait.ge [sflag:s10], $0x5000  }
0x1a: {  	[sflag:s10] =	ssyncset.done $0x0  }
0x1b: {  	[sflag:s10] =	ssyncadd.s32 $0xFFFFB000  }
0x1c: {  	s19 =	sadd.s32 $0x0, s7;
	[bflag:$0x0] =	sbarrier.arrive $0xFFFF  }
0x1d: {  	[spmem:s3] =	stream.indirect.scatter.add.f32 [tilespmem:s11], [sflag:$0x1], $0x40, s19, s12, $0xb8;
	[tilespmem:$0x11000] =	vst v63  }
0x1e: {  	s20 =	sadd.s32 $0x80, s19  }
0x1f: {  	[spmem:s3] =	stream.indirect.scatter.add.f32 [tilespmem:s11], [sflag:$0x2], $0x40, s20, s12, $0xb8;
	[tilespmem:$0x11000] =	vst v63  }
0x20: {  	s31 =	sadd.s32 $0x100, s19  }
0x21: {  	[spmem:s3] =	stream.indirect.scatter.add.f32 [tilespmem:s11], [sflag:$0x3], $0x40, s31, s12, $0xb8;
	[tilespmem:$0x11000] =	vst v63  }
0x22: {  	s19 =	sadd.s32 $0x180, s19  }
0x23: {  	[spmem:s3] =	stream.indirect.scatter.add.f32 [tilespmem:s11], [sflag:$0x4], $0x40, s19, s12, $0xb8;
	[tilespmem:$0x11000] =	vst v63  }
0x24: {  	_ =	swait.ge [sflag:s13], $0x2000  }
0x25: {  	[sflag:s13] =	ssyncset.done $0x0  }
0x26: {  	[sflag:s13] =	ssyncadd.s32 $0xFFFFE000  }
0x27: {  	_ =	swait.ge [sflag:s14], $0x2000  }
0x28: {  	[sflag:s14] =	ssyncset.done $0x0  }
0x29: {  	[sflag:s14] =	ssyncadd.s32 $0xFFFFE000  }
0x2a: {  	_ =	swait.ge [sflag:s15], $0x2000  }
0x2b: {  	[sflag:s15] =	ssyncset.done $0x0  }
0x2c: {  	[sflag:s15] =	ssyncadd.s32 $0xFFFFE000  }
0x2d: {  	_ =	swait.ge [sflag:s16], $0x2000  }
0x2e: {  	s20 =	simm.s32 $0x200;
	s19 =	simm.s32 $0x1000;
	[sflag:s16] =	ssyncset.done $0x0  }
.LBB2_2:
0x2f: {  	s20 =	sadd.s32 s20, s7  }
0x30: {  	[sflag:s16] =	ssyncadd.s32 $0xFFFFE000;
	s21 =	smov.u32 s19;
	s22 =	sadd.s32 $0x800, s19  }
0x31: {  	[spmem:s3] =	stream.indirect.scatter.add.f32 [tilespmem:s11], [sflag:$0x1], $0x40, s20, s12, $0xb8;
	[tilespmem:$0x11000] =	vst v63  }
0x32: {  	p0 =	sne.s32 s19, $0x9800;
	s19 =	sadd.s32 $0x80, s20  }
0x33: {  	[spmem:s3] =	stream.indirect.scatter.add.f32 [tilespmem:s11], [sflag:$0x2], $0x40, s19, s12, $0xb8;
	[tilespmem:$0x11000] =	vst v63  }
0x34: {  	s19 =	sadd.s32 $0x100, s20  }
0x35: {  	[spmem:s3] =	stream.indirect.scatter.add.f32 [tilespmem:s11], [sflag:$0x3], $0x40, s19, s12, $0xb8;
	[tilespmem:$0x11000] =	vst v63  }
0x36: {  	s19 =	sadd.s32 $0x180, s20  }
0x37: {  	[spmem:s3] =	stream.indirect.scatter.add.f32 [tilespmem:s11], [sflag:$0x4], $0x40, s19, s12, $0xb8;
	[tilespmem:$0x11000] =	vst v63  }
0x38: {  	_ =	swait.ge [sflag:s13], $0x2000  }
0x39: {  	[sflag:s13] =	ssyncset.done $0x0  }
0x3a: {  	[sflag:s13] =	ssyncadd.s32 $0xFFFFE000  }
0x3b: {  	_ =	swait.ge [sflag:s14], $0x2000  }
0x3c: {  	[sflag:s14] =	ssyncset.done $0x0  }
0x3d: {  	[sflag:s14] =	ssyncadd.s32 $0xFFFFE000  }
.Ltmp0:
0x3e: {  	_ =	swait.ge [sflag:s15], $0x2000;
	(pc) =	sbr.rel @p0 .LBB2_2-.Ltmp0, $4  }
0x3f: {  	[sflag:s15] =	ssyncset.done $0x0  }
0x40: {  	[sflag:s15] =	ssyncadd.s32 $0xFFFFE000  }
0x41: {  	_ =	swait.ge [sflag:s16], $0x2000  }
0x42: {  	s20 =	sshra.s32 s21, $0x2;
	s19 =	smov.u32 s22;
	[sflag:s16] =	ssyncset.done $0x0  }
0x43: {  	s19 =	sadd.s32 s20, s7;
	[sflag:s16] =	ssyncadd.s32 $0xFFFFE000  }
0x44: {  	[spmem:s3] =	stream.indirect.scatter.add.f32 [tilespmem:s11], [sflag:$0x1], $0x40, s19, s12, $0xb8;
	[tilespmem:$0x11000] =	vst v63  }
0x45: {  	s20 =	sadd.s32 $0x80, s19  }
0x46: {  	[spmem:s3] =	stream.indirect.scatter.add.f32 [tilespmem:s11], [sflag:$0x2], $0x40, s20, s12, $0xb8;
	[tilespmem:$0x11000] =	vst v63  }
0x47: {  	s31 =	sadd.s32 $0x100, s19  }
0x48: {  	[spmem:s3] =	stream.indirect.scatter.add.f32 [tilespmem:s11], [sflag:$0x3], $0x40, s31, s12, $0xb8;
	[tilespmem:$0x11000] =	vst v63  }
0x49: {  	s19 =	sadd.s32 $0x180, s19  }
0x4a: {  	[spmem:s3] =	stream.indirect.scatter.add.f32 [tilespmem:s11], [sflag:$0x4], $0x40, s19, s12, $0xb8;
	[tilespmem:$0x11000] =	vst v63  }
0x4b: {  	_ =	swait.ge [sflag:s13], $0x2000  }
0x4c: {  	[sflag:s13] =	ssyncset.done $0x0  }
0x4d: {  	[sflag:s13] =	ssyncadd.s32 $0xFFFFE000  }
0x4e: {  	_ =	swait.ge [sflag:s14], $0x2000  }
0x4f: {  	[sflag:s14] =	ssyncset.done $0x0  }
0x50: {  	[sflag:s14] =	ssyncadd.s32 $0xFFFFE000  }
0x51: {  	_ =	swait.ge [sflag:s15], $0x2000  }
0x52: {  	[sflag:s15] =	ssyncset.done $0x0  }
0x53: {  	[sflag:s15] =	ssyncadd.s32 $0xFFFFE000  }
0x54: {  	_ =	swait.ge [sflag:s16], $0x2000  }
0x55: {  	s18 =	sadd.s32 $0x1, s18;
	[sflag:s16] =	ssyncset.done $0x0  }
0x56: {  	p0 =	sne.s32 s18, s8;
	[sflag:s16] =	ssyncadd.s32 $0xFFFFE000  }
.Ltmp1:
0x57: {  	[bflag:$0x0] =	sbarrier.arrive $0xFFFF;
	(pc) =	sbr.rel @p0 .LBB2_1-.Ltmp1, $4  }
0x58: {  	[hbm:s17], [sflag:s5] =	dma.local [spmem:s9], $0x1400  }
0x59: {  	_ =	swait.ge [sflag:s10], $0x1400  }
0x5a: {  	[sflag:s10] =	ssyncset.done $0x0  }
0x5b: {  	[sflag:s10] =	ssyncadd.s32 $0xFFFFEC00  }
0x5c: {  	_ =	sfence.sel $0x180000  }
0x5d: {  	[bflag:$0x0] =	sbarrier.arrive $0xFFFF  }
0x5e: {  	p0 =	sne.s32 s1, $0x0;
	_ =	strace $0x90000047  }
0x5f: {  	s0 =	sadd.s32 @!p0 $0x100000, s0;
	[bflag:$0x2] =	sbarrier.arrive $0xFFFF  }
0x60: {  	[sflag:s0] =	ssyncadd.tile.s32 @!p0 $0x1;
	_ =	shalt  }
.Lfunc_end2:
_tile_overlayer_lowered:
.L_overlay_start_2:
0x61: {  	(tag) =	ssettag $0x2  }
0x62: {  	s0 =	rddreg [dreg:$0x0];
	s2 =	stileid.u32  }
0x63: {  	s1 =	rddreg [dreg:$0x1];
	p0 =	sne.s32 s2, $0x0  }
0x64: {  	s3 =	rddreg [dreg:$0x2];
	[bflag:$0x3] =	sbarrier.arrive $0xFFFF;
	s2 =	simm.s32 @!p0 $0x1C05  }
0x65: {  	[timem:s3], [sflag:s2] =	dma.local @!p0 [hbm:s0], s1  }
0x66: {  	s0 =	simm.s32 @!p0 $0x5  }
0x67: {  	_ =	swait.ge @!p0 [sflag:s0], s1  }
0x68: {  	s1 =	ssub.s32 @!p0 $0x0, s1;
	[sflag:s0] =	ssyncset.done @!p0 $0x0  }
0x69: {  	[sflag:s0] =	ssyncadd.s32 @!p0 s1  }
0x6a: {  	[bflag:$0x3] =	sbarrier.arrive $0xFFFF  }
0x6b: {  	_ =	shalt  }

// kernel: kernel.13.cloned.1.call-start
scs
__scs_entry_jumppad:
0x0: {  	(pc) =	sbr.rel $0x88, $3  }
0x1: {  	(tag) =	ssettag $0x0;
	lr =	simm.s32 $0x1  }
0x2: {  	[smem:$0x3F99] =	sst lr;
	_ =	strace $0xD0000000  }
0x3: {  	_ = 	snop  }
0x4: {  	_ = 	snop  }
0x5: {  	_ = 	snop  }
0x6: {  	_ = 	snop  }
0x7: {  	_ = 	snop  }
__scs_overlays_trampoline_lowered:
0x8: {  	[smem:$0x3FA8] =	sst s0  }
0x9: {  	[smem:$0x3FA9] =	sst s1  }
0xa: {  	[smem:$0x3FAA] =	sst s2  }
0xb: {  	[smem:$0x3FAB] =	sst s3  }
0xc: {  	[smem:$0x3FAC] =	sst s4  }
0xd: {  	[smem:$0x3FAD] =	sst s5  }
0xe: {  	[smem:$0x3FAE] =	sst s6  }
0xf: {  	[smem:$0x3FAF] =	sst s7  }
0x10: {  	[smem:$0x3FB0] =	sst s8  }
0x11: {  	[smem:$0x3FB1] =	sst s9;
	s0 =	simm.s32 @!p0 $0x0  }
0x12: {  	s1 =	sld [smem:$0x3F97];
	s0 =	simm.s32 @p0 $0x1  }
0x13: {  	[smem:$0x3FB2] =	sst s0;
	s0 =	simm.s32 @!p1 $0x0  }
0x14: {  	s2 =	sld [smem:$0x3F96];
	s0 =	simm.s32 @p1 $0x1  }
0x15: {  	[smem:$0x3FB3] =	sst s0;
	s0 =	simm.s32 @!p2 $0x0  }
0x16: {  	s3 =	sld [smem:$0x3FDB];
	s0 =	simm.s32 @p2 $0x1  }
0x17: {  	s4 =	simm.s32 $0x1BF5;
	[smem:$0x3FB5] =	sst s0  }
0x18: {  	s0 =	sld [smem:$0x3F98];
	_ =	swait.ge [sflag:s4], $0x0  }
0x19: {  	s7 =	sld [smem:$0x3F99]  }
0x1a: {  	s8 =	sadd.s32 $0xFFFFE003, lr  }
0x1b: {  	s9 =	sadd.s32 $0xFFFFFEF7, lr;
	s5 =	simm.s32 $0xFFFFFFFF;
	p2 =	slt.u32 s8, $0xFFFFF086  }
0x1c: {  	p1 =	slt.u32 s9, $0xF7A;
	s5 =	simm.s32 @!p2 $0x0  }
0x1d: {  	s5 =	simm.s32 @p1 $0x1;
	p0 =	seq.s32 s7, s2  }
0x1e: {  	s7 =	smul.u32 @!p0 $0xF7A, s2;
	p2 =	seq.s32 @!p0 s5, $0x0  }
0x1f: {  	s9 =	smul.u32 $0xF7A, s1;
	s8 =	simm.s32 @!p0 $0x1BF5;
	p2 =	por !p2, p0  }
0x20: {  	[sflag:s8] =	ssyncset.s32 @!p0 $0xFFFFF086;
	s6 =	sadd.s32 @!p0 s3, s7;
	s7 =	simm.s32 @!p0 $0x108  }
0x21: {  	s3 =	sadd.s32 s3, s9;
	s6 =	sadd.s32 @!p0 $0x88, s6;
	s7 =	simm.s32 @p2 $0x1082  }
0x22: {  	[simem:s7], [sflag:s8] =	dma.local @!p0 [hbm:s6], $0xF7A  }
0x23: {  	s9 =	sor.u32 $0xD0000000, s2;
	s6 =	simm.s32 $0x108;
	_ =	swait.ge @!p0 [sflag:s8], $0x0  }
0x24: {  	s3 =	sadd.s32 $0x88, s3;
	s6 =	simm.s32 @!p1 $0x1082;
	[sflag:s4] =	ssyncset.s32 $0xFFFFF086  }
0x25: {  	[simem:s6], [sflag:s4] =	dma.local [hbm:s3], $0xF7A  }
0x26: {  	[smem:$0x3F99] =	sst s1;
	(tag) =	ssettag s2;
	_ =	strace s9  }
0x27: {  	s1 =	sld [smem:$0x3FA9]  }
0x28: {  	s2 =	sld [smem:$0x3FAA]  }
0x29: {  	s4 =	sld [smem:$0x3FAC]  }
0x2a: {  	p0 =	seq.s32 s5, $0x0;
	s5 =	sld [smem:$0x3FAD]  }
0x2b: {  	s6 =	sld [smem:$0x3FAE]  }
0x2c: {  	s7 =	sld [smem:$0x3FAF]  }
0x2d: {  	s3 =	simm.s32 $0x108;
	s8 =	sld [smem:$0x3FB0]  }
0x2e: {  	s3 =	simm.s32 @!p0 $0x1082;
	s9 =	sld [smem:$0x3FB1]  }
0x2f: {  	lr =	sadd.s32 s0, s3;
	s0 =	sld [smem:$0x3FA8]  }
0x30: {  	s3 =	sld [smem:$0x3FAB]  }
0x31: {  	[smem:$0x3FB4] =	sst s10  }
0x32: {  	s10 =	sld [smem:$0x3FB2];
	_ =	sdelay $0x3  }
0x33: {  	p0 =	seq.s32 s10, $0x1;
	s10 =	sld [smem:$0x3FB4];
	_ =	sdelay $0x3  }
0x34: {  	[smem:$0x3FB4] =	sst s10  }
0x35: {  	s10 =	sld [smem:$0x3FB3];
	_ =	sdelay $0x3  }
0x36: {  	p1 =	seq.s32 s10, $0x1;
	s10 =	sld [smem:$0x3FB4];
	_ =	sdelay $0x3  }
0x37: {  	[smem:$0x3FB4] =	sst s10  }
0x38: {  	s10 =	sld [smem:$0x3FB5]  }
0x39: {  	_ = 	snop;
	(pc) =	sbr.ind lr, $3  }
0x3a: {  	_ = 	snop  }
0x3b: {  	_ = 	snop  }
0x3c: {  	p2 =	seq.s32 s10, $0x1;
	s10 =	sld [smem:$0x3FB4]  }
0x3d: {  	_ =	shalt  }
0x3e: {  	_ =	shalt  }
0x3f: {  	_ =	shalt  }
0x40: {  	_ =	shalt  }
0x41: {  	_ =	shalt  }
0x42: {  	_ =	shalt  }
0x43: {  	_ =	shalt  }
0x44: {  	_ =	shalt  }
0x45: {  	_ =	shalt  }
0x46: {  	_ =	shalt  }
0x47: {  	_ =	shalt  }
0x48: {  	_ =	shalt  }
0x49: {  	_ =	shalt  }
0x4a: {  	_ =	shalt  }
0x4b: {  	_ =	shalt  }
0x4c: {  	_ =	shalt  }
0x4d: {  	_ =	shalt  }
0x4e: {  	_ =	shalt  }
0x4f: {  	_ =	shalt  }
0x50: {  	_ =	shalt  }
0x51: {  	_ =	shalt  }
0x52: {  	_ =	shalt  }
0x53: {  	_ =	shalt  }
0x54: {  	_ =	shalt  }
0x55: {  	_ =	shalt  }
0x56: {  	_ =	shalt  }
0x57: {  	_ =	shalt  }
0x58: {  	_ =	shalt  }
0x59: {  	_ =	shalt  }
0x5a: {  	_ =	shalt  }
0x5b: {  	_ =	shalt  }
0x5c: {  	_ =	shalt  }
0x5d: {  	_ =	shalt  }
0x5e: {  	_ =	shalt  }
0x5f: {  	_ =	shalt  }
0x60: {  	_ =	shalt  }
0x61: {  	_ =	shalt  }
0x62: {  	_ =	shalt  }
0x63: {  	_ =	shalt  }
0x64: {  	_ =	shalt  }
0x65: {  	_ =	shalt  }
0x66: {  	_ =	shalt  }
0x67: {  	_ =	shalt  }
0x68: {  	_ =	shalt  }
0x69: {  	_ =	shalt  }
0x6a: {  	_ =	shalt  }
0x6b: {  	_ =	shalt  }
0x6c: {  	_ =	shalt  }
0x6d: {  	_ =	shalt  }
0x6e: {  	_ =	shalt  }
0x6f: {  	_ =	shalt  }
0x70: {  	_ =	shalt  }
0x71: {  	_ =	shalt  }
0x72: {  	_ =	shalt  }
0x73: {  	_ =	shalt  }
0x74: {  	_ =	shalt  }
0x75: {  	_ =	shalt  }
0x76: {  	_ =	shalt  }
0x77: {  	_ =	shalt  }
0x78: {  	_ =	shalt  }
0x79: {  	_ =	shalt  }
0x7a: {  	_ =	shalt  }
0x7b: {  	_ =	shalt  }
0x7c: {  	_ =	shalt  }
0x7d: {  	_ =	shalt  }
0x7e: {  	_ =	shalt  }
0x7f: {  	_ =	shalt  }
0x80: {  	_ =	shalt  }
0x81: {  	_ =	shalt  }
0x82: {  	_ =	shalt  }
0x83: {  	_ =	shalt  }
0x84: {  	_ =	shalt  }
0x85: {  	_ =	shalt  }
0x86: {  	_ =	shalt  }
0x87: {  	_ =	shalt  }
.Lfunc_end0:
.L_simem_size_0:
called_computation.1_lowered:
.L_overlay_start_0:
0x88: {  	s2 =	sld [smem:$0x3FD9]  }
0x89: {  	s3 =	sld [smem:$0x3FFE];
	_ =	sdelay $0x1  }
0x8a: {  	s1 =	srdreg.scid  }
0x8b: {  	s0 =	sand.u32 $0x1, s1  }
0x8c: {  	s16 =	sshll.u32 s0, $0xA;
	s2 =	sadd.s32 s3, s2  }
0x8d: {  	s2 =	sadd.s32 s2, s16  }
0x8e: {  	[smem:$0x3FC0] =	sst s2  }
0x8f: {  	_ = 	snop  }
0x90: {  	(tm) =	ssettm $0x1  }
0x91: {  	s17 =	sld [smem:$0x3FFB];
	_ =	sdelay $0x3  }
0x92: {  	_ =	strace s17  }
0x93: {  	s2 =	sld [smem:$0x3FFC];
	_ =	sdelay $0x3  }
0x94: {  	_ =	strace s2  }
0x95: {  	s2 =	sld [smem:$0x3FFD];
	_ =	sdelay $0x3  }
0x96: {  	_ =	strace s2  }
0x97: {  	_ =	strace $0x8FFFFFFF  }
0x98: {  	s18 =	sld [smem:$0x3FDB];
	_ =	sdelay $0x1  }
0x99: {  	s19 =	simm.s32 $_scs_section_size  }
0x9a: {  	s4 =	simm.s32 $_size__tile_overlayer_lowered;
	s5 =	simm.s32 $_tile_overlayer_lowered  }
0x9b: {  	s22 =	simm.s32 $0x1BFF;
	s21 =	sshll.u32 s5, $0x1;
	s2 =	sadd.s32 s19, s18  }
0x9c: {  	s6 =	simm.s32 $0x0;
	s20 =	sshll.u32 s4, $0x1;
	s4 =	sadd.s32 s21, s2  }
0x9d: {  	[timem:s6], [sflag:s22] =	dma.local [hbm:s4], s20  }
0x9e: {  	_ =	swait.ge [sflag:s22], s20  }
0x9f: {  	s3 =	ssub.s32 $0x0, s20;
	[sflag:s22] =	ssyncset.done $0x0  }
0xa0: {  	[sflag:s22] =	ssyncadd.s32 s3;
	_ =	sdelay $0x1  }
0xa1: {  	s23 =	simm.s32 $0x1B8B  }
0xa2: {  	_ =	swait.ge [sflag:s23], $0x1  }
0xa3: {  	[sflag:s23] =	ssyncset.done $0x0  }
0xa4: {  	s25 =	simm.s32 $0x1B8E;
	s24 =	sld [smem:$0x3FFE];
	[sflag:s23] =	ssyncadd.s32 $0xFFFFFFFF  }
0xa5: {  	s26 =	simm.s32 $execute0_lowered;
	[smem:$0x3FD2] =	sst s25  }
0xa6: {  	s4 =	sshll.u32 s26, $0x1;
	_ =	strace $0x80000049;
	[dreg:$0x1] =	wrdreg $0xFFFFFFFF  }
0xa7: {  	s28 =	simm.s32 $_size_execute0_lowered;
	s2 =	sadd.s32 s2, s4;
	[dreg:$0x0] =	wrdreg $0x0  }
0xa8: {  	s4 =	sshll.u32 s28, $0x1;
	[dreg:$0x2] =	wrdreg s2  }
0xa9: {  	[dreg:$0x3] =	wrdreg s4  }
0xaa: {  	[dreg:$0x4] =	wrdreg $0xC0  }
0xab: {  	_ =	task [dreg:s6], $0x5FFFF  }
0xac: {  	[dreg:$0x1] =	wrdreg $0xFFFFFFFF  }
0xad: {  	[dreg:$0x0] =	wrdreg $0x60  }
0xae: {  	[dreg:$0x2] =	wrdreg s24  }
0xaf: {  	[dreg:$0x3] =	wrdreg $0x120000  }
0xb0: {  	[dreg:$0x4] =	wrdreg $0x9  }
0xb1: {  	_ =	task.clear_ibuf [dreg:s6], $0x5FFFF;
	_ =	strace $0x90000049  }
0xb2: {  	s29 =	simm.s32 $0x9;
	_ =	strace $0x8000004B  }
0xb3: {  	_ =	swait.ge [sflag:s29], $0x1  }
0xb4: {  	[sflag:s29] =	ssyncadd.s32 $0xFFFFFFFF  }
0xb5: {  	_ =	strace $0x9000004B  }
0xb6: {  	_ =	sfence  }
0xb7: {  	s30 =	sld [smem:$0x0];
	_ =	sdelay $0x2  }
0xb8: {  	s31 =	sshll.u32 s1, $0xD;
	s1 =	sshrl.u32 s1, $0x2  }
0xb9: {  	s3 =	sand.u32 $0x4000, s31;
	s1 =	sadd.s32 s1, s30  }
0xba: {  	s0 =	sor.u32 s3, s0;
	s1 =	sshll.u32 s1, $0x11  }
0xbb: {  	s0 =	sor.u32 s1, s0  }
0xbc: {  	s0 =	sadd.s32 $0x8F2B, s0  }
0xbd: {  	[sflag:s0] =	ssyncadd.remote.s32 $0x1  }
0xbe: {  	_ =	sfence.sel $0xFFFF  }
0xbf: {  	[dreg:$0x0] =	wrdreg $0xFFFFFFFF;
	(pc) =	sbr.abs _section_cstart, $3  }
0xc0: {  	[dreg:$0x1] =	wrdreg $0xFFFFFFFF  }
0xc1: {  	_ =	task.clear_ibuf [dreg:s6], $0x2FFFF;
	_ =	strace $0x9FFFFFFF  }
0xc2: {  	(tm) =	ssettm $0x7FFFFFFF  }
0xc3: {  	_ =	shalt  }
tec
execute0_lowered:
.L_overlay_start_1:
0x0: {  	(tag) =	ssettag $0x1  }
0x1: {  	s0 =	rddreg [dreg:$0x0];
	s7 =	stileid.u32  }
0x2: {  	s1 =	srdreg.scid;
	s2 =	rddreg [dreg:$0x1]  }
0x3: {  	s3 =	simm.s32 $0x0;
	s11 =	simm.s32 $0x9;
	s13 =	simm.s32 $0x80  }
0x4: {  	s14 =	simm.s32 $0xA000;
	s15 =	simm.s32 $0xC000;
	s17 =	simm.s32 $0xE000  }
0x5: {  	s19 =	simm.s32 $0x10000;
	s20 =	simm.s32 $0x1;
	s21 =	simm.s32 $0x2  }
0x6: {  	s22 =	simm.s32 $0x3;
	s23 =	simm.s32 $0x4;
	s25 =	simm.s32 $0x5  }
0x7: {  	s28 =	simm.s32 $0x7;
	s29 =	simm.s32 $0x8;
	s4 =	smul.u32 $0xA00, s7  }
0x8: {  	s31 =	simm.s32 $0x9E80;
	s1 =	sand.u32 $0x1, s1;
	s6 =	smul.u32 $0xA000, s7  }
0x9: {  	[smem:$0x7FF] =	sst s3;
	s30 =	sshll.u32 s7, $0x6;
	s5 =	smul.u32 $0x14000, s1  }
0xa: {  	s1 =	ssub.s32 $0x2, s1;
	_ =	strace $0x8000004A;
	s8 =	sadd.s32 s4, s0  }
0xb: {  	s26 =	sshrl.u32 s1, $0x1;
	s10 =	sadd.s32 s6, s2;
	s12 =	sshrl.u32 s6, $0x3  }
0xc: {  	s6 =	sor.u32 $0x1C09, s30;
	s0 =	sadd.s32 s5, s0;
	s1 =	ssub.s32 s1, s26  }
0xd: {  	s7 =	sadd.s32 $0xBE00, s8;
	s8 =	sadd.s32 $0x1E00, s8;
	s10 =	sshrl.u32 s10, $0x3  }
0xe: {  	s26 =	simm.s32 $0x6;
	s4 =	sadd.s32 $0x15E00, s0;
	s0 =	sadd.s32 $0x8DE00, s0  }
0xf: {  	s9 =	smax.u32 s1, $0x1;
	s1 =	simm.s32 $0x9F00;
	s5 =	sadd.s32 s12, s4  }
0x10: {  	s24 =	sadd.s32 s12, s0;
	s0 =	simm.s32 $0x9F80;
	s12 =	simm.s32 $0x0  }
.LBB2_1:
0x11: {  	[spmem:s10], [sflag:s6] =	dma.local [hbm:s5], $0x1400  }
0x12: {  	_ =	swait.ge [sflag:s11], $0x1400  }
0x13: {  	[sflag:s11] =	ssyncset.done $0x0  }
0x14: {  	[sflag:s11] =	ssyncadd.s32 $0xFFFFEC00  }
0x15: {  	[tilespmem:s3], [sflag:$0x9] =	stream.linear.gather [hbm4b:s7+s3], $0x5000, $0x38;
	[tilespmem:$0x1C000] =	vst v63  }
0x16: {  	_ =	swait.ge [sflag:s11], $0x5000  }
0x17: {  	[sflag:s11] =	ssyncset.done $0x0  }
0x18: {  	s16 =	simm.s32 $0x5000;
	[sflag:s11] =	ssyncadd.s32 $0xFFFFB000  }
0x19: {  	[tilespmem:s16], [sflag:$0x9] =	stream.linear.gather [hbm4b:s8+s3], $0x5000, $0x38;
	[tilespmem:$0x1C000] =	vst v63  }
0x1a: {  	_ =	swait.ge [sflag:s11], $0x5000  }
0x1b: {  	[sflag:s11] =	ssyncset.done $0x0  }
0x1c: {  	[sflag:s11] =	ssyncadd.s32 $0xFFFFB000  }
0x1d: {  	[bflag:$0x0] =	sbarrier.arrive $0xFFFF  }
0x1e: {  	[tilespmem:s14], [sflag:$0x1] =	stream.indirect.gather [hbm4b:s4+s13], $0x40, s3, s13, $0xb8;
	[tilespmem:$0x1C000] =	vst v63  }
0x1f: {  	_ = 	snop  }
0x20: {  	[tilespmem:s15], [sflag:$0x2] =	stream.indirect.gather [hbm4b:s4+s13], $0x40, s13, s13, $0xb8;
	[tilespmem:$0x1C000] =	vst v63  }
0x21: {  	s30 =	simm.s32 $0x100  }
0x22: {  	[tilespmem:s17], [sflag:$0x3] =	stream.indirect.gather [hbm4b:s4+s13], $0x40, s30, s13, $0xb8;
	[tilespmem:$0x1C000] =	vst v63  }
0x23: {  	s18 =	simm.s32 $0x180  }
0x24: {  	[tilespmem:s19], [sflag:$0x4] =	stream.indirect.gather [hbm4b:s4+s13], $0x40, s18, s13, $0xb8;
	[tilespmem:$0x1C000] =	vst v63  }
0x25: {  	_ =	swait.ge [sflag:s20], $0x2000  }
0x26: {  	[sflag:s20] =	ssyncset.done $0x0  }
0x27: {  	s30 =	simm.s32 $0x5000;
	[sflag:s20] =	ssyncadd.s32 $0xFFFFE000  }
0x28: {  	[spmem:s2] =	stream.indirect.scatter.add.f32 [tilespmem:s14], [sflag:$0x5], $0x40, s30, s13, $0xb8;
	[tilespmem:$0x1C000] =	vst v63  }
0x29: {  	_ =	swait.ge [sflag:s21], $0x2000  }
0x2a: {  	[sflag:s21] =	ssyncset.done $0x0  }
0x2b: {  	s18 =	simm.s32 $0x5080;
	[sflag:s21] =	ssyncadd.s32 $0xFFFFE000  }
0x2c: {  	[spmem:s2] =	stream.indirect.scatter.add.f32 [tilespmem:s15], [sflag:$0x6], $0x40, s18, s13, $0xb8;
	[tilespmem:$0x1C000] =	vst v63  }
0x2d: {  	_ =	swait.ge [sflag:s22], $0x2000  }
0x2e: {  	[sflag:s22] =	ssyncset.done $0x0  }
0x2f: {  	s30 =	simm.s32 $0x5100;
	[sflag:s22] =	ssyncadd.s32 $0xFFFFE000  }
0x30: {  	[spmem:s2] =	stream.indirect.scatter.add.f32 [tilespmem:s17], [sflag:$0x7], $0x40, s30, s13, $0xb8;
	[tilespmem:$0x1C000] =	vst v63  }
0x31: {  	_ =	swait.ge [sflag:s23], $0x2000  }
0x32: {  	[sflag:s23] =	ssyncset.done $0x0  }
0x33: {  	s18 =	simm.s32 $0x5180;
	[sflag:s23] =	ssyncadd.s32 $0xFFFFE000  }
0x34: {  	[spmem:s2] =	stream.indirect.scatter.add.f32 [tilespmem:s19], [sflag:$0x8], $0x40, s18, s13, $0xb8;
	[tilespmem:$0x1C000] =	vst v63  }
0x35: {  	_ =	swait.ge [sflag:s25], $0x2000  }
0x36: {  	[sflag:s25] =	ssyncset.done $0x0  }
0x37: {  	s30 =	simm.s32 $0x200;
	[sflag:s25] =	ssyncadd.s32 $0xFFFFE000  }
0x38: {  	[tilespmem:s14], [sflag:$0x1] =	stream.indirect.gather [hbm4b:s4+s13], $0x40, s30, s13, $0xb8;
	[tilespmem:$0x1C000] =	vst v63  }
0x39: {  	_ =	swait.ge [sflag:s26], $0x2000  }
0x3a: {  	[sflag:s26] =	ssyncset.done $0x0  }
0x3b: {  	s18 =	simm.s32 $0x280;
	[sflag:s26] =	ssyncadd.s32 $0xFFFFE000  }
0x3c: {  	[tilespmem:s15], [sflag:$0x2] =	stream.indirect.gather [hbm4b:s4+s13], $0x40, s18, s13, $0xb8;
	[tilespmem:$0x1C000] =	vst v63  }
0x3d: {  	_ =	swait.ge [sflag:s28], $0x2000  }
0x3e: {  	[sflag:s28] =	ssyncset.done $0x0  }
0x3f: {  	s30 =	simm.s32 $0x300;
	[sflag:s28] =	ssyncadd.s32 $0xFFFFE000  }
0x40: {  	[tilespmem:s17], [sflag:$0x3] =	stream.indirect.gather [hbm4b:s4+s13], $0x40, s30, s13, $0xb8;
	[tilespmem:$0x1C000] =	vst v63  }
0x41: {  	_ =	swait.ge [sflag:s29], $0x2000  }
0x42: {  	[sflag:s29] =	ssyncset.done $0x0  }
0x43: {  	s16 =	simm.s32 $0x800;
	s18 =	simm.s32 $0x380;
	[sflag:s29] =	ssyncadd.s32 $0xFFFFE000  }
.LBB2_2:
0x44: {  	[tilespmem:s19], [sflag:$0x4] =	stream.indirect.gather [hbm4b:s4+s13], $0x40, s18, s13, $0xb8;
	[tilespmem:$0x1C000] =	vst v63  }
0x45: {  	s18 =	smov.u32 s16  }
0x46: {  	p0 =	sne.s32 s16, $0x13000;
	s16 =	sadd.s32 $0x800, s16;
	_ =	swait.ge [sflag:s20], $0x2000  }
0x47: {  	s18 =	sshra.s32 s18, $0x2;
	[sflag:s20] =	ssyncset.done $0x0  }
0x48: {  	s30 =	sadd.s32 $0x5000, s18;
	[sflag:s20] =	ssyncadd.s32 $0xFFFFE000  }
0x49: {  	[spmem:s2] =	stream.indirect.scatter.add.f32 [tilespmem:s14], [sflag:$0x5], $0x40, s30, s13, $0xb8;
	[tilespmem:$0x1C000] =	vst v63  }
0x4a: {  	_ =	swait.ge [sflag:s21], $0x2000  }
0x4b: {  	[sflag:s21] =	ssyncset.done $0x0  }
0x4c: {  	s30 =	sadd.s32 $0x5080, s18;
	[sflag:s21] =	ssyncadd.s32 $0xFFFFE000  }
0x4d: {  	[spmem:s2] =	stream.indirect.scatter.add.f32 [tilespmem:s15], [sflag:$0x6], $0x40, s30, s13, $0xb8;
	[tilespmem:$0x1C000] =	vst v63  }
0x4e: {  	_ =	swait.ge [sflag:s22], $0x2000  }
0x4f: {  	[sflag:s22] =	ssyncset.done $0x0  }
0x50: {  	s30 =	sadd.s32 $0x5100, s18;
	[sflag:s22] =	ssyncadd.s32 $0xFFFFE000  }
0x51: {  	[spmem:s2] =	stream.indirect.scatter.add.f32 [tilespmem:s17], [sflag:$0x7], $0x40, s30, s13, $0xb8;
	[tilespmem:$0x1C000] =	vst v63  }
0x52: {  	_ =	swait.ge [sflag:s23], $0x2000  }
0x53: {  	[sflag:s23] =	ssyncset.done $0x0  }
0x54: {  	s30 =	sadd.s32 $0x5180, s18;
	[sflag:s23] =	ssyncadd.s32 $0xFFFFE000  }
0x55: {  	[spmem:s2] =	stream.indirect.scatter.add.f32 [tilespmem:s19], [sflag:$0x8], $0x40, s30, s13, $0xb8;
	[tilespmem:$0x1C000] =	vst v63  }
0x56: {  	_ =	swait.ge [sflag:s25], $0x2000  }
0x57: {  	[sflag:s25] =	ssyncset.done $0x0  }
0x58: {  	s30 =	sadd.s32 $0x200, s18;
	[sflag:s25] =	ssyncadd.s32 $0xFFFFE000  }
0x59: {  	[tilespmem:s14], [sflag:$0x1] =	stream.indirect.gather [hbm4b:s4+s13], $0x40, s30, s13, $0xb8;
	[tilespmem:$0x1C000] =	vst v63  }
0x5a: {  	_ =	swait.ge [sflag:s26], $0x2000  }
0x5b: {  	[sflag:s26] =	ssyncset.done $0x0  }
0x5c: {  	s30 =	sadd.s32 $0x280, s18;
	[sflag:s26] =	ssyncadd.s32 $0xFFFFE000  }
0x5d: {  	[tilespmem:s15], [sflag:$0x2] =	stream.indirect.gather [hbm4b:s4+s13], $0x40, s30, s13, $0xb8;
	[tilespmem:$0x1C000] =	vst v63  }
0x5e: {  	_ =	swait.ge [sflag:s28], $0x2000  }
0x5f: {  	[sflag:s28] =	ssyncset.done $0x0  }
.Ltmp0:
0x60: {  	s30 =	sadd.s32 $0x300, s18;
	[sflag:s28] =	ssyncadd.s32 $0xFFFFE000;
	(pc) =	sbr.rel @p0 .LBB2_2-.Ltmp0, $4  }
0x61: {  	[tilespmem:s17], [sflag:$0x3] =	stream.indirect.gather [hbm4b:s4+s13], $0x40, s30, s13, $0xb8;
	[tilespmem:$0x1C000] =	vst v63  }
0x62: {  	_ =	swait.ge [sflag:s29], $0x2000  }
0x63: {  	[sflag:s29] =	ssyncset.done $0x0  }
0x64: {  	s18 =	sadd.s32 $0x380, s18;
	[sflag:s29] =	ssyncadd.s32 $0xFFFFE000  }
0x65: {  	[tilespmem:s19], [sflag:$0x4] =	stream.indirect.gather [hbm4b:s4+s13], $0x40, s18, s13, $0xb8;
	[tilespmem:$0x1C000] =	vst v63  }
0x66: {  	_ =	swait.ge [sflag:s20], $0x2000  }
0x67: {  	[sflag:s20] =	ssyncset.done $0x0  }
0x68: {  	s16 =	simm.s32 $0x9E00;
	[sflag:s20] =	ssyncadd.s32 $0xFFFFE000  }
0x69: {  	[spmem:s2] =	stream.indirect.scatter.add.f32 [tilespmem:s14], [sflag:$0x5], $0x40, s16, s13, $0xb8;
	[tilespmem:$0x1C000] =	vst v63  }
0x6a: {  	_ =	swait.ge [sflag:s21], $0x2000  }
0x6b: {  	[sflag:s21] =	ssyncset.done $0x0  }
0x6c: {  	[sflag:s21] =	ssyncadd.s32 $0xFFFFE000  }
0x6d: {  	[spmem:s2] =	stream.indirect.scatter.add.f32 [tilespmem:s15], [sflag:$0x6], $0x40, s31, s13, $0xb8;
	[tilespmem:$0x1C000] =	vst v63  }
0x6e: {  	_ =	swait.ge [sflag:s22], $0x2000  }
0x6f: {  	[sflag:s22] =	ssyncset.done $0x0  }
0x70: {  	[sflag:s22] =	ssyncadd.s32 $0xFFFFE000  }
0x71: {  	[spmem:s2] =	stream.indirect.scatter.add.f32 [tilespmem:s17], [sflag:$0x7], $0x40, s1, s13, $0xb8;
	[tilespmem:$0x1C000] =	vst v63  }
0x72: {  	_ =	swait.ge [sflag:s23], $0x2000  }
0x73: {  	[sflag:s23] =	ssyncset.done $0x0  }
0x74: {  	[sflag:s23] =	ssyncadd.s32 $0xFFFFE000  }
0x75: {  	[spmem:s2] =	stream.indirect.scatter.add.f32 [tilespmem:s19], [sflag:$0x8], $0x40, s0, s13, $0xb8;
	[tilespmem:$0x1C000] =	vst v63  }
0x76: {  	_ =	swait.ge [sflag:s25], $0x2000  }
0x77: {  	[sflag:s25] =	ssyncset.done $0x0  }
0x78: {  	[sflag:s25] =	ssyncadd.s32 $0xFFFFE000  }
0x79: {  	_ =	swait.ge [sflag:s26], $0x2000  }
0x7a: {  	[sflag:s26] =	ssyncset.done $0x0  }
0x7b: {  	[sflag:s26] =	ssyncadd.s32 $0xFFFFE000  }
0x7c: {  	_ =	swait.ge [sflag:s28], $0x2000  }
0x7d: {  	[sflag:s28] =	ssyncset.done $0x0  }
0x7e: {  	[sflag:s28] =	ssyncadd.s32 $0xFFFFE000  }
0x7f: {  	_ =	swait.ge [sflag:s29], $0x2000  }
0x80: {  	s12 =	sadd.s32 $0x1, s12;
	[sflag:s29] =	ssyncset.done $0x0  }
0x81: {  	p0 =	sne.s32 s12, s9;
	[sflag:s29] =	ssyncadd.s32 $0xFFFFE000  }
.Ltmp1:
0x82: {  	[bflag:$0x0] =	sbarrier.arrive $0xFFFF;
	(pc) =	sbr.rel @p0 .LBB2_1-.Ltmp1, $4  }
0x83: {  	[hbm:s24], [sflag:s6] =	dma.local [spmem:s10], $0x1400  }
0x84: {  	_ =	swait.ge [sflag:s11], $0x1400  }
0x85: {  	[sflag:s11] =	ssyncset.done $0x0  }
0x86: {  	[sflag:s11] =	ssyncadd.s32 $0xFFFFEC00  }
0x87: {  	_ =	sfence.sel $0x180000  }
0x88: {  	[bflag:$0x0] =	sbarrier.arrive $0xFFFF  }
0x89: {  	_ =	strace $0x9000004A  }
0x8a: {  	s0 =	stileid.u32;
	[bflag:$0x2] =	sbarrier.arrive $0xFFFF  }
0x8b: {  	p0 =	sne.s32 s0, $0x0;
	s0 =	rddreg [dreg:$0x2]  }
0x8c: {  	s0 =	sadd.s32 @!p0 $0x100000, s0  }
0x8d: {  	[sflag:s0] =	ssyncadd.tile.s32 @!p0 $0x1;
	_ =	shalt  }
.Lfunc_end2:
_tile_overlayer_lowered:
.L_overlay_start_2:
0x8e: {  	(tag) =	ssettag $0x2  }
0x8f: {  	s0 =	rddreg [dreg:$0x0];
	s2 =	stileid.u32  }
0x90: {  	s1 =	rddreg [dreg:$0x1];
	p0 =	sne.s32 s2, $0x0  }
0x91: {  	s3 =	rddreg [dreg:$0x2];
	[bflag:$0x3] =	sbarrier.arrive $0xFFFF;
	s2 =	simm.s32 @!p0 $0x1C09  }
0x92: {  	[timem:s3], [sflag:s2] =	dma.local @!p0 [hbm:s0], s1  }
0x93: {  	s0 =	simm.s32 @!p0 $0x9  }
0x94: {  	_ =	swait.ge @!p0 [sflag:s0], s1  }
0x95: {  	s1 =	ssub.s32 @!p0 $0x0, s1;
	[sflag:s0] =	ssyncset.done @!p0 $0x0  }
0x96: {  	[sflag:s0] =	ssyncadd.s32 @!p0 s1  }
0x97: {  	[bflag:$0x3] =	sbarrier.arrive $0xFFFF  }
0x98: {  	_ =	shalt  }

// kernel: kernel.16.cloned.1.call-start
scs
__scs_entry_jumppad:
0x0: {  	(pc) =	sbr.rel $0x88, $3  }
0x1: {  	(tag) =	ssettag $0x0;
	lr =	simm.s32 $0x1  }
0x2: {  	[smem:$0x3F99] =	sst lr;
	_ =	strace $0xD0000000  }
0x3: {  	_ = 	snop  }
0x4: {  	_ = 	snop  }
0x5: {  	_ = 	snop  }
0x6: {  	_ = 	snop  }
0x7: {  	_ = 	snop  }
__scs_overlays_trampoline_lowered:
0x8: {  	[smem:$0x3FA8] =	sst s0  }
0x9: {  	[smem:$0x3FA9] =	sst s1  }
0xa: {  	[smem:$0x3FAA] =	sst s2  }
0xb: {  	[smem:$0x3FAB] =	sst s3  }
0xc: {  	[smem:$0x3FAC] =	sst s4  }
0xd: {  	[smem:$0x3FAD] =	sst s5  }
0xe: {  	[smem:$0x3FAE] =	sst s6  }
0xf: {  	[smem:$0x3FAF] =	sst s7  }
0x10: {  	[smem:$0x3FB0] =	sst s8  }
0x11: {  	[smem:$0x3FB1] =	sst s9;
	s0 =	simm.s32 @!p0 $0x0  }
0x12: {  	s1 =	sld [smem:$0x3F97];
	s0 =	simm.s32 @p0 $0x1  }
0x13: {  	[smem:$0x3FB2] =	sst s0;
	s0 =	simm.s32 @!p1 $0x0  }
0x14: {  	s2 =	sld [smem:$0x3F96];
	s0 =	simm.s32 @p1 $0x1  }
0x15: {  	[smem:$0x3FB3] =	sst s0;
	s0 =	simm.s32 @!p2 $0x0  }
0x16: {  	s3 =	sld [smem:$0x3FDB];
	s0 =	simm.s32 @p2 $0x1  }
0x17: {  	s4 =	simm.s32 $0x1BF5;
	[smem:$0x3FB5] =	sst s0  }
0x18: {  	s0 =	sld [smem:$0x3F98];
	_ =	swait.ge [sflag:s4], $0x0  }
0x19: {  	s7 =	sld [smem:$0x3F99]  }
0x1a: {  	s8 =	sadd.s32 $0xFFFFE003, lr  }
0x1b: {  	s9 =	sadd.s32 $0xFFFFFEF7, lr;
	s5 =	simm.s32 $0xFFFFFFFF;
	p2 =	slt.u32 s8, $0xFFFFF086  }
0x1c: {  	p1 =	slt.u32 s9, $0xF7A;
	s5 =	simm.s32 @!p2 $0x0  }
0x1d: {  	s5 =	simm.s32 @p1 $0x1;
	p0 =	seq.s32 s7, s2  }
0x1e: {  	s7 =	smul.u32 @!p0 $0xF7A, s2;
	p2 =	seq.s32 @!p0 s5, $0x0  }
0x1f: {  	s9 =	smul.u32 $0xF7A, s1;
	s8 =	simm.s32 @!p0 $0x1BF5;
	p2 =	por !p2, p0  }
0x20: {  	[sflag:s8] =	ssyncset.s32 @!p0 $0xFFFFF086;
	s6 =	sadd.s32 @!p0 s3, s7;
	s7 =	simm.s32 @!p0 $0x108  }
0x21: {  	s3 =	sadd.s32 s3, s9;
	s6 =	sadd.s32 @!p0 $0x88, s6;
	s7 =	simm.s32 @p2 $0x1082  }
0x22: {  	[simem:s7], [sflag:s8] =	dma.local @!p0 [hbm:s6], $0xF7A  }
0x23: {  	s9 =	sor.u32 $0xD0000000, s2;
	s6 =	simm.s32 $0x108;
	_ =	swait.ge @!p0 [sflag:s8], $0x0  }
0x24: {  	s3 =	sadd.s32 $0x88, s3;
	s6 =	simm.s32 @!p1 $0x1082;
	[sflag:s4] =	ssyncset.s32 $0xFFFFF086  }
0x25: {  	[simem:s6], [sflag:s4] =	dma.local [hbm:s3], $0xF7A  }
0x26: {  	[smem:$0x3F99] =	sst s1;
	(tag) =	ssettag s2;
	_ =	strace s9  }
0x27: {  	s1 =	sld [smem:$0x3FA9]  }
0x28: {  	s2 =	sld [smem:$0x3FAA]  }
0x29: {  	s4 =	sld [smem:$0x3FAC]  }
0x2a: {  	p0 =	seq.s32 s5, $0x0;
	s5 =	sld [smem:$0x3FAD]  }
0x2b: {  	s6 =	sld [smem:$0x3FAE]  }
0x2c: {  	s7 =	sld [smem:$0x3FAF]  }
0x2d: {  	s3 =	simm.s32 $0x108;
	s8 =	sld [smem:$0x3FB0]  }
0x2e: {  	s3 =	simm.s32 @!p0 $0x1082;
	s9 =	sld [smem:$0x3FB1]  }
0x2f: {  	lr =	sadd.s32 s0, s3;
	s0 =	sld [smem:$0x3FA8]  }
0x30: {  	s3 =	sld [smem:$0x3FAB]  }
0x31: {  	[smem:$0x3FB4] =	sst s10  }
0x32: {  	s10 =	sld [smem:$0x3FB2];
	_ =	sdelay $0x3  }
0x33: {  	p0 =	seq.s32 s10, $0x1;
	s10 =	sld [smem:$0x3FB4];
	_ =	sdelay $0x3  }
0x34: {  	[smem:$0x3FB4] =	sst s10  }
0x35: {  	s10 =	sld [smem:$0x3FB3];
	_ =	sdelay $0x3  }
0x36: {  	p1 =	seq.s32 s10, $0x1;
	s10 =	sld [smem:$0x3FB4];
	_ =	sdelay $0x3  }
0x37: {  	[smem:$0x3FB4] =	sst s10  }
0x38: {  	s10 =	sld [smem:$0x3FB5]  }
0x39: {  	_ = 	snop;
	(pc) =	sbr.ind lr, $3  }
0x3a: {  	_ = 	snop  }
0x3b: {  	_ = 	snop  }
0x3c: {  	p2 =	seq.s32 s10, $0x1;
	s10 =	sld [smem:$0x3FB4]  }
0x3d: {  	_ =	shalt  }
0x3e: {  	_ =	shalt  }
0x3f: {  	_ =	shalt  }
0x40: {  	_ =	shalt  }
0x41: {  	_ =	shalt  }
0x42: {  	_ =	shalt  }
0x43: {  	_ =	shalt  }
0x44: {  	_ =	shalt  }
0x45: {  	_ =	shalt  }
0x46: {  	_ =	shalt  }
0x47: {  	_ =	shalt  }
0x48: {  	_ =	shalt  }
0x49: {  	_ =	shalt  }
0x4a: {  	_ =	shalt  }
0x4b: {  	_ =	shalt  }
0x4c: {  	_ =	shalt  }
0x4d: {  	_ =	shalt  }
0x4e: {  	_ =	shalt  }
0x4f: {  	_ =	shalt  }
0x50: {  	_ =	shalt  }
0x51: {  	_ =	shalt  }
0x52: {  	_ =	shalt  }
0x53: {  	_ =	shalt  }
0x54: {  	_ =	shalt  }
0x55: {  	_ =	shalt  }
0x56: {  	_ =	shalt  }
0x57: {  	_ =	shalt  }
0x58: {  	_ =	shalt  }
0x59: {  	_ =	shalt  }
0x5a: {  	_ =	shalt  }
0x5b: {  	_ =	shalt  }
0x5c: {  	_ =	shalt  }
0x5d: {  	_ =	shalt  }
0x5e: {  	_ =	shalt  }
0x5f: {  	_ =	shalt  }
0x60: {  	_ =	shalt  }
0x61: {  	_ =	shalt  }
0x62: {  	_ =	shalt  }
0x63: {  	_ =	shalt  }
0x64: {  	_ =	shalt  }
0x65: {  	_ =	shalt  }
0x66: {  	_ =	shalt  }
0x67: {  	_ =	shalt  }
0x68: {  	_ =	shalt  }
0x69: {  	_ =	shalt  }
0x6a: {  	_ =	shalt  }
0x6b: {  	_ =	shalt  }
0x6c: {  	_ =	shalt  }
0x6d: {  	_ =	shalt  }
0x6e: {  	_ =	shalt  }
0x6f: {  	_ =	shalt  }
0x70: {  	_ =	shalt  }
0x71: {  	_ =	shalt  }
0x72: {  	_ =	shalt  }
0x73: {  	_ =	shalt  }
0x74: {  	_ =	shalt  }
0x75: {  	_ =	shalt  }
0x76: {  	_ =	shalt  }
0x77: {  	_ =	shalt  }
0x78: {  	_ =	shalt  }
0x79: {  	_ =	shalt  }
0x7a: {  	_ =	shalt  }
0x7b: {  	_ =	shalt  }
0x7c: {  	_ =	shalt  }
0x7d: {  	_ =	shalt  }
0x7e: {  	_ =	shalt  }
0x7f: {  	_ =	shalt  }
0x80: {  	_ =	shalt  }
0x81: {  	_ =	shalt  }
0x82: {  	_ =	shalt  }
0x83: {  	_ =	shalt  }
0x84: {  	_ =	shalt  }
0x85: {  	_ =	shalt  }
0x86: {  	_ =	shalt  }
0x87: {  	_ =	shalt  }
.Lfunc_end0:
.L_simem_size_0:
called_computation.2_lowered:
.L_overlay_start_0:
0x88: {  	s2 =	sld [smem:$0x3FD9]  }
0x89: {  	s3 =	sld [smem:$0x3FFE];
	_ =	sdelay $0x1  }
0x8a: {  	s1 =	srdreg.scid  }
0x8b: {  	s0 =	sand.u32 $0x1, s1  }
0x8c: {  	s16 =	sshll.u32 s0, $0xA;
	s2 =	sadd.s32 s3, s2  }
0x8d: {  	s2 =	sadd.s32 s2, s16  }
0x8e: {  	[smem:$0x3FC0] =	sst s2  }
0x8f: {  	_ = 	snop  }
0x90: {  	(tm) =	ssettm $0x1  }
0x91: {  	s17 =	sld [smem:$0x3FFB];
	_ =	sdelay $0x3  }
0x92: {  	_ =	strace s17  }
0x93: {  	s2 =	sld [smem:$0x3FFC];
	_ =	sdelay $0x3  }
0x94: {  	_ =	strace s2  }
0x95: {  	s2 =	sld [smem:$0x3FFD];
	_ =	sdelay $0x3  }
0x96: {  	_ =	strace s2  }
0x97: {  	_ =	strace $0x8FFFFFFF  }
0x98: {  	s18 =	sld [smem:$0x3FDB];
	_ =	sdelay $0x1  }
0x99: {  	s19 =	simm.s32 $_scs_section_size  }
0x9a: {  	s4 =	simm.s32 $_size__tile_overlayer_lowered;
	s5 =	simm.s32 $_tile_overlayer_lowered  }
0x9b: {  	s22 =	simm.s32 $0x1BFF;
	s21 =	sshll.u32 s5, $0x1;
	s2 =	sadd.s32 s19, s18  }
0x9c: {  	s6 =	simm.s32 $0x0;
	s20 =	sshll.u32 s4, $0x1;
	s4 =	sadd.s32 s21, s2  }
0x9d: {  	[timem:s6], [sflag:s22] =	dma.local [hbm:s4], s20  }
0x9e: {  	_ =	swait.ge [sflag:s22], s20  }
0x9f: {  	s3 =	ssub.s32 $0x0, s20;
	[sflag:s22] =	ssyncset.done $0x0  }
0xa0: {  	[sflag:s22] =	ssyncadd.s32 s3;
	_ =	sdelay $0x1  }
0xa1: {  	s23 =	simm.s32 $0x1B8B  }
0xa2: {  	_ =	swait.ge [sflag:s23], $0x1  }
0xa3: {  	[sflag:s23] =	ssyncset.done $0x0  }
0xa4: {  	s25 =	simm.s32 $0x1B8E;
	s24 =	sld [smem:$0x3FFE];
	[sflag:s23] =	ssyncadd.s32 $0xFFFFFFFF  }
0xa5: {  	s26 =	simm.s32 $execute0_lowered;
	[smem:$0x3FD2] =	sst s25  }
0xa6: {  	s4 =	sshll.u32 s26, $0x1;
	_ =	strace $0x8000004C;
	[dreg:$0x1] =	wrdreg $0xFFFFFFFF  }
0xa7: {  	s28 =	simm.s32 $_size_execute0_lowered;
	s2 =	sadd.s32 s2, s4;
	[dreg:$0x0] =	wrdreg $0x0  }
0xa8: {  	s4 =	sshll.u32 s28, $0x1;
	[dreg:$0x2] =	wrdreg s2  }
0xa9: {  	[dreg:$0x3] =	wrdreg s4  }
0xaa: {  	[dreg:$0x4] =	wrdreg $0xC0  }
0xab: {  	_ =	task [dreg:s6], $0x5FFFF  }
0xac: {  	[dreg:$0x1] =	wrdreg $0xFFFFFFFF  }
0xad: {  	[dreg:$0x0] =	wrdreg $0x60  }
0xae: {  	[dreg:$0x2] =	wrdreg s24  }
0xaf: {  	[dreg:$0x3] =	wrdreg $0x120000  }
0xb0: {  	[dreg:$0x4] =	wrdreg $0x9  }
0xb1: {  	_ =	task.clear_ibuf [dreg:s6], $0x5FFFF;
	_ =	strace $0x9000004C  }
0xb2: {  	s29 =	simm.s32 $0x9;
	_ =	strace $0x8000004E  }
0xb3: {  	_ =	swait.ge [sflag:s29], $0x1  }
0xb4: {  	[sflag:s29] =	ssyncadd.s32 $0xFFFFFFFF  }
0xb5: {  	_ =	strace $0x9000004E  }
0xb6: {  	_ =	sfence  }
0xb7: {  	s30 =	sld [smem:$0x0];
	_ =	sdelay $0x2  }
0xb8: {  	s31 =	sshll.u32 s1, $0xD;
	s1 =	sshrl.u32 s1, $0x2  }
0xb9: {  	s3 =	sand.u32 $0x4000, s31;
	s1 =	sadd.s32 s1, s30  }
0xba: {  	s0 =	sor.u32 s3, s0;
	s1 =	sshll.u32 s1, $0x11  }
0xbb: {  	s0 =	sor.u32 s1, s0  }
0xbc: {  	s0 =	sadd.s32 $0x8F2B, s0  }
0xbd: {  	[sflag:s0] =	ssyncadd.remote.s32 $0x1  }
0xbe: {  	_ =	sfence.sel $0xFFFF  }
0xbf: {  	[dreg:$0x0] =	wrdreg $0xFFFFFFFF;
	(pc) =	sbr.abs _section_cstart, $3  }
0xc0: {  	[dreg:$0x1] =	wrdreg $0xFFFFFFFF  }
0xc1: {  	_ =	task.clear_ibuf [dreg:s6], $0x2FFFF;
	_ =	strace $0x9FFFFFFF  }
0xc2: {  	(tm) =	ssettm $0x7FFFFFFF  }
0xc3: {  	_ =	shalt  }
tec
execute0_lowered:
.L_overlay_start_1:
0x0: {  	(tag) =	ssettag $0x1  }
0x1: {  	s0 =	rddreg [dreg:$0x0];
	s7 =	stileid.u32  }
0x2: {  	s1 =	srdreg.scid;
	s2 =	rddreg [dreg:$0x1]  }
0x3: {  	s3 =	simm.s32 $0x0;
	s11 =	simm.s32 $0x9;
	s13 =	simm.s32 $0x80  }
0x4: {  	s14 =	simm.s32 $0xA000;
	s15 =	simm.s32 $0xC000;
	s17 =	simm.s32 $0xE000  }
0x5: {  	s19 =	simm.s32 $0x10000;
	s20 =	simm.s32 $0x1;
	s21 =	simm.s32 $0x2  }
0x6: {  	s22 =	simm.s32 $0x3;
	s23 =	simm.s32 $0x4;
	s25 =	simm.s32 $0x5  }
0x7: {  	s28 =	simm.s32 $0x7;
	s29 =	simm.s32 $0x8;
	s4 =	smul.u32 $0xA00, s7  }
0x8: {  	s31 =	simm.s32 $0x9E80;
	s1 =	sand.u32 $0x1, s1;
	s6 =	smul.u32 $0xA000, s7  }
0x9: {  	[smem:$0x7FF] =	sst s3;
	s30 =	sshll.u32 s7, $0x6;
	s5 =	smul.u32 $0x14000, s1  }
0xa: {  	s1 =	ssub.s32 $0x2, s1;
	_ =	strace $0x8000004D;
	s8 =	sadd.s32 s4, s0  }
0xb: {  	s26 =	sshrl.u32 s1, $0x1;
	s10 =	sadd.s32 s6, s2;
	s12 =	sshrl.u32 s6, $0x3  }
0xc: {  	s6 =	sor.u32 $0x1C09, s30;
	s0 =	sadd.s32 s5, s0;
	s1 =	ssub.s32 s1, s26  }
0xd: {  	s7 =	sadd.s32 $0xBE00, s8;
	s8 =	sadd.s32 $0x1E00, s8;
	s10 =	sshrl.u32 s10, $0x3  }
0xe: {  	s26 =	simm.s32 $0x6;
	s4 =	sadd.s32 $0x15E00, s0;
	s0 =	sadd.s32 $0x8DE00, s0  }
0xf: {  	s9 =	smax.u32 s1, $0x1;
	s1 =	simm.s32 $0x9F00;
	s5 =	sadd.s32 s12, s4  }
0x10: {  	s24 =	sadd.s32 s12, s0;
	s0 =	simm.s32 $0x9F80;
	s12 =	simm.s32 $0x0  }
.LBB2_1:
0x11: {  	[spmem:s10], [sflag:s6] =	dma.local [hbm:s5], $0x1400  }
0x12: {  	_ =	swait.ge [sflag:s11], $0x1400  }
0x13: {  	[sflag:s11] =	ssyncset.done $0x0  }
0x14: {  	[sflag:s11] =	ssyncadd.s32 $0xFFFFEC00  }
0x15: {  	[tilespmem:s3], [sflag:$0x9] =	stream.linear.gather [hbm4b:s7+s3], $0x5000, $0x38;
	[tilespmem:$0x1C000] =	vst v63  }
0x16: {  	_ =	swait.ge [sflag:s11], $0x5000  }
0x17: {  	[sflag:s11] =	ssyncset.done $0x0  }
0x18: {  	s16 =	simm.s32 $0x5000;
	[sflag:s11] =	ssyncadd.s32 $0xFFFFB000  }
0x19: {  	[tilespmem:s16], [sflag:$0x9] =	stream.linear.gather [hbm4b:s8+s3], $0x5000, $0x38;
	[tilespmem:$0x1C000] =	vst v63  }
0x1a: {  	_ =	swait.ge [sflag:s11], $0x5000  }
0x1b: {  	[sflag:s11] =	ssyncset.done $0x0  }
0x1c: {  	[sflag:s11] =	ssyncadd.s32 $0xFFFFB000  }
0x1d: {  	[bflag:$0x0] =	sbarrier.arrive $0xFFFF  }
0x1e: {  	[tilespmem:s14], [sflag:$0x1] =	stream.indirect.gather [hbm4b:s4+s13], $0x40, s3, s13, $0xb8;
	[tilespmem:$0x1C000] =	vst v63  }
0x1f: {  	_ = 	snop  }
0x20: {  	[tilespmem:s15], [sflag:$0x2] =	stream.indirect.gather [hbm4b:s4+s13], $0x40, s13, s13, $0xb8;
	[tilespmem:$0x1C000] =	vst v63  }
0x21: {  	s30 =	simm.s32 $0x100  }
0x22: {  	[tilespmem:s17], [sflag:$0x3] =	stream.indirect.gather [hbm4b:s4+s13], $0x40, s30, s13, $0xb8;
	[tilespmem:$0x1C000] =	vst v63  }
0x23: {  	s18 =	simm.s32 $0x180  }
0x24: {  	[tilespmem:s19], [sflag:$0x4] =	stream.indirect.gather [hbm4b:s4+s13], $0x40, s18, s13, $0xb8;
	[tilespmem:$0x1C000] =	vst v63  }
0x25: {  	_ =	swait.ge [sflag:s20], $0x2000  }
0x26: {  	[sflag:s20] =	ssyncset.done $0x0  }
0x27: {  	s30 =	simm.s32 $0x5000;
	[sflag:s20] =	ssyncadd.s32 $0xFFFFE000  }
0x28: {  	[spmem:s2] =	stream.indirect.scatter.add.f32 [tilespmem:s14], [sflag:$0x5], $0x40, s30, s13, $0xb8;
	[tilespmem:$0x1C000] =	vst v63  }
0x29: {  	_ =	swait.ge [sflag:s21], $0x2000  }
0x2a: {  	[sflag:s21] =	ssyncset.done $0x0  }
0x2b: {  	s18 =	simm.s32 $0x5080;
	[sflag:s21] =	ssyncadd.s32 $0xFFFFE000  }
0x2c: {  	[spmem:s2] =	stream.indirect.scatter.add.f32 [tilespmem:s15], [sflag:$0x6], $0x40, s18, s13, $0xb8;
	[tilespmem:$0x1C000] =	vst v63  }
0x2d: {  	_ =	swait.ge [sflag:s22], $0x2000  }
0x2e: {  	[sflag:s22] =	ssyncset.done $0x0  }
0x2f: {  	s30 =	simm.s32 $0x5100;
	[sflag:s22] =	ssyncadd.s32 $0xFFFFE000  }
0x30: {  	[spmem:s2] =	stream.indirect.scatter.add.f32 [tilespmem:s17], [sflag:$0x7], $0x40, s30, s13, $0xb8;
	[tilespmem:$0x1C000] =	vst v63  }
0x31: {  	_ =	swait.ge [sflag:s23], $0x2000  }
0x32: {  	[sflag:s23] =	ssyncset.done $0x0  }
0x33: {  	s18 =	simm.s32 $0x5180;
	[sflag:s23] =	ssyncadd.s32 $0xFFFFE000  }
0x34: {  	[spmem:s2] =	stream.indirect.scatter.add.f32 [tilespmem:s19], [sflag:$0x8], $0x40, s18, s13, $0xb8;
	[tilespmem:$0x1C000] =	vst v63  }
0x35: {  	_ =	swait.ge [sflag:s25], $0x2000  }
0x36: {  	[sflag:s25] =	ssyncset.done $0x0  }
0x37: {  	s30 =	simm.s32 $0x200;
	[sflag:s25] =	ssyncadd.s32 $0xFFFFE000  }
0x38: {  	[tilespmem:s14], [sflag:$0x1] =	stream.indirect.gather [hbm4b:s4+s13], $0x40, s30, s13, $0xb8;
	[tilespmem:$0x1C000] =	vst v63  }
0x39: {  	_ =	swait.ge [sflag:s26], $0x2000  }
0x3a: {  	[sflag:s26] =	ssyncset.done $0x0  }
0x3b: {  	s18 =	simm.s32 $0x280;
	[sflag:s26] =	ssyncadd.s32 $0xFFFFE000  }
0x3c: {  	[tilespmem:s15], [sflag:$0x2] =	stream.indirect.gather [hbm4b:s4+s13], $0x40, s18, s13, $0xb8;
	[tilespmem:$0x1C000] =	vst v63  }
0x3d: {  	_ =	swait.ge [sflag:s28], $0x2000  }
0x3e: {  	[sflag:s28] =	ssyncset.done $0x0  }
0x3f: {  	s30 =	simm.s32 $0x300;
	[sflag:s28] =	ssyncadd.s32 $0xFFFFE000  }
0x40: {  	[tilespmem:s17], [sflag:$0x3] =	stream.indirect.gather [hbm4b:s4+s13], $0x40, s30, s13, $0xb8;
	[tilespmem:$0x1C000] =	vst v63  }
0x41: {  	_ =	swait.ge [sflag:s29], $0x2000  }
0x42: {  	[sflag:s29] =	ssyncset.done $0x0  }
0x43: {  	s16 =	simm.s32 $0x800;
	s18 =	simm.s32 $0x380;
	[sflag:s29] =	ssyncadd.s32 $0xFFFFE000  }
.LBB2_2:
0x44: {  	[tilespmem:s19], [sflag:$0x4] =	stream.indirect.gather [hbm4b:s4+s13], $0x40, s18, s13, $0xb8;
	[tilespmem:$0x1C000] =	vst v63  }
0x45: {  	s18 =	smov.u32 s16  }
0x46: {  	p0 =	sne.s32 s16, $0x13000;
	s16 =	sadd.s32 $0x800, s16;
	_ =	swait.ge [sflag:s20], $0x2000  }
0x47: {  	s18 =	sshra.s32 s18, $0x2;
	[sflag:s20] =	ssyncset.done $0x0  }
0x48: {  	s30 =	sadd.s32 $0x5000, s18;
	[sflag:s20] =	ssyncadd.s32 $0xFFFFE000  }
0x49: {  	[spmem:s2] =	stream.indirect.scatter.add.f32 [tilespmem:s14], [sflag:$0x5], $0x40, s30, s13, $0xb8;
	[tilespmem:$0x1C000] =	vst v63  }
0x4a: {  	_ =	swait.ge [sflag:s21], $0x2000  }
0x4b: {  	[sflag:s21] =	ssyncset.done $0x0  }
0x4c: {  	s30 =	sadd.s32 $0x5080, s18;
	[sflag:s21] =	ssyncadd.s32 $0xFFFFE000  }
0x4d: {  	[spmem:s2] =	stream.indirect.scatter.add.f32 [tilespmem:s15], [sflag:$0x6], $0x40, s30, s13, $0xb8;
	[tilespmem:$0x1C000] =	vst v63  }
0x4e: {  	_ =	swait.ge [sflag:s22], $0x2000  }
0x4f: {  	[sflag:s22] =	ssyncset.done $0x0  }
0x50: {  	s30 =	sadd.s32 $0x5100, s18;
	[sflag:s22] =	ssyncadd.s32 $0xFFFFE000  }
0x51: {  	[spmem:s2] =	stream.indirect.scatter.add.f32 [tilespmem:s17], [sflag:$0x7], $0x40, s30, s13, $0xb8;
	[tilespmem:$0x1C000] =	vst v63  }
0x52: {  	_ =	swait.ge [sflag:s23], $0x2000  }
0x53: {  	[sflag:s23] =	ssyncset.done $0x0  }
0x54: {  	s30 =	sadd.s32 $0x5180, s18;
	[sflag:s23] =	ssyncadd.s32 $0xFFFFE000  }
0x55: {  	[spmem:s2] =	stream.indirect.scatter.add.f32 [tilespmem:s19], [sflag:$0x8], $0x40, s30, s13, $0xb8;
	[tilespmem:$0x1C000] =	vst v63  }
0x56: {  	_ =	swait.ge [sflag:s25], $0x2000  }
0x57: {  	[sflag:s25] =	ssyncset.done $0x0  }
0x58: {  	s30 =	sadd.s32 $0x200, s18;
	[sflag:s25] =	ssyncadd.s32 $0xFFFFE000  }
0x59: {  	[tilespmem:s14], [sflag:$0x1] =	stream.indirect.gather [hbm4b:s4+s13], $0x40, s30, s13, $0xb8;
	[tilespmem:$0x1C000] =	vst v63  }
0x5a: {  	_ =	swait.ge [sflag:s26], $0x2000  }
0x5b: {  	[sflag:s26] =	ssyncset.done $0x0  }
0x5c: {  	s30 =	sadd.s32 $0x280, s18;
	[sflag:s26] =	ssyncadd.s32 $0xFFFFE000  }
0x5d: {  	[tilespmem:s15], [sflag:$0x2] =	stream.indirect.gather [hbm4b:s4+s13], $0x40, s30, s13, $0xb8;
	[tilespmem:$0x1C000] =	vst v63  }
0x5e: {  	_ =	swait.ge [sflag:s28], $0x2000  }
0x5f: {  	[sflag:s28] =	ssyncset.done $0x0  }
.Ltmp0:
0x60: {  	s30 =	sadd.s32 $0x300, s18;
	[sflag:s28] =	ssyncadd.s32 $0xFFFFE000;
	(pc) =	sbr.rel @p0 .LBB2_2-.Ltmp0, $4  }
0x61: {  	[tilespmem:s17], [sflag:$0x3] =	stream.indirect.gather [hbm4b:s4+s13], $0x40, s30, s13, $0xb8;
	[tilespmem:$0x1C000] =	vst v63  }
0x62: {  	_ =	swait.ge [sflag:s29], $0x2000  }
0x63: {  	[sflag:s29] =	ssyncset.done $0x0  }
0x64: {  	s18 =	sadd.s32 $0x380, s18;
	[sflag:s29] =	ssyncadd.s32 $0xFFFFE000  }
0x65: {  	[tilespmem:s19], [sflag:$0x4] =	stream.indirect.gather [hbm4b:s4+s13], $0x40, s18, s13, $0xb8;
	[tilespmem:$0x1C000] =	vst v63  }
0x66: {  	_ =	swait.ge [sflag:s20], $0x2000  }
0x67: {  	[sflag:s20] =	ssyncset.done $0x0  }
0x68: {  	s16 =	simm.s32 $0x9E00;
	[sflag:s20] =	ssyncadd.s32 $0xFFFFE000  }
0x69: {  	[spmem:s2] =	stream.indirect.scatter.add.f32 [tilespmem:s14], [sflag:$0x5], $0x40, s16, s13, $0xb8;
	[tilespmem:$0x1C000] =	vst v63  }
0x6a: {  	_ =	swait.ge [sflag:s21], $0x2000  }
0x6b: {  	[sflag:s21] =	ssyncset.done $0x0  }
0x6c: {  	[sflag:s21] =	ssyncadd.s32 $0xFFFFE000  }
0x6d: {  	[spmem:s2] =	stream.indirect.scatter.add.f32 [tilespmem:s15], [sflag:$0x6], $0x40, s31, s13, $0xb8;
	[tilespmem:$0x1C000] =	vst v63  }
0x6e: {  	_ =	swait.ge [sflag:s22], $0x2000  }
0x6f: {  	[sflag:s22] =	ssyncset.done $0x0  }
0x70: {  	[sflag:s22] =	ssyncadd.s32 $0xFFFFE000  }
0x71: {  	[spmem:s2] =	stream.indirect.scatter.add.f32 [tilespmem:s17], [sflag:$0x7], $0x40, s1, s13, $0xb8;
	[tilespmem:$0x1C000] =	vst v63  }
0x72: {  	_ =	swait.ge [sflag:s23], $0x2000  }
0x73: {  	[sflag:s23] =	ssyncset.done $0x0  }
0x74: {  	[sflag:s23] =	ssyncadd.s32 $0xFFFFE000  }
0x75: {  	[spmem:s2] =	stream.indirect.scatter.add.f32 [tilespmem:s19], [sflag:$0x8], $0x40, s0, s13, $0xb8;
	[tilespmem:$0x1C000] =	vst v63  }
0x76: {  	_ =	swait.ge [sflag:s25], $0x2000  }
0x77: {  	[sflag:s25] =	ssyncset.done $0x0  }
0x78: {  	[sflag:s25] =	ssyncadd.s32 $0xFFFFE000  }
0x79: {  	_ =	swait.ge [sflag:s26], $0x2000  }
0x7a: {  	[sflag:s26] =	ssyncset.done $0x0  }
0x7b: {  	[sflag:s26] =	ssyncadd.s32 $0xFFFFE000  }
0x7c: {  	_ =	swait.ge [sflag:s28], $0x2000  }
0x7d: {  	[sflag:s28] =	ssyncset.done $0x0  }
0x7e: {  	[sflag:s28] =	ssyncadd.s32 $0xFFFFE000  }
0x7f: {  	_ =	swait.ge [sflag:s29], $0x2000  }
0x80: {  	s12 =	sadd.s32 $0x1, s12;
	[sflag:s29] =	ssyncset.done $0x0  }
0x81: {  	p0 =	sne.s32 s12, s9;
	[sflag:s29] =	ssyncadd.s32 $0xFFFFE000  }
.Ltmp1:
0x82: {  	[bflag:$0x0] =	sbarrier.arrive $0xFFFF;
	(pc) =	sbr.rel @p0 .LBB2_1-.Ltmp1, $4  }
0x83: {  	[hbm:s24], [sflag:s6] =	dma.local [spmem:s10], $0x1400  }
0x84: {  	_ =	swait.ge [sflag:s11], $0x1400  }
0x85: {  	[sflag:s11] =	ssyncset.done $0x0  }
0x86: {  	[sflag:s11] =	ssyncadd.s32 $0xFFFFEC00  }
0x87: {  	_ =	sfence.sel $0x180000  }
0x88: {  	[bflag:$0x0] =	sbarrier.arrive $0xFFFF  }
0x89: {  	_ =	strace $0x9000004D  }
0x8a: {  	s0 =	stileid.u32;
	[bflag:$0x2] =	sbarrier.arrive $0xFFFF  }
0x8b: {  	p0 =	sne.s32 s0, $0x0;
	s0 =	rddreg [dreg:$0x2]  }
0x8c: {  	s0 =	sadd.s32 @!p0 $0x100000, s0  }
0x8d: {  	[sflag:s0] =	ssyncadd.tile.s32 @!p0 $0x1;
	_ =	shalt  }
.Lfunc_end2:
_tile_overlayer_lowered:
.L_overlay_start_2:
0x8e: {  	(tag) =	ssettag $0x2  }
0x8f: {  	s0 =	rddreg [dreg:$0x0];
	s2 =	stileid.u32  }
0x90: {  	s1 =	rddreg [dreg:$0x1];
	p0 =	sne.s32 s2, $0x0  }
0x91: {  	s3 =	rddreg [dreg:$0x2];
	[bflag:$0x3] =	sbarrier.arrive $0xFFFF;
	s2 =	simm.s32 @!p0 $0x1C09  }
0x92: {  	[timem:s3], [sflag:s2] =	dma.local @!p0 [hbm:s0], s1  }
0x93: {  	s0 =	simm.s32 @!p0 $0x9  }
0x94: {  	_ =	swait.ge @!p0 [sflag:s0], s1  }
0x95: {  	s1 =	ssub.s32 @!p0 $0x0, s1;
	[sflag:s0] =	ssyncset.done @!p0 $0x0  }
0x96: {  	[sflag:s0] =	ssyncadd.s32 @!p0 s1  }
0x97: {  	[bflag:$0x3] =	sbarrier.arrive $0xFFFF  }
0x98: {  	_ =	shalt  }

// kernel: kernel.19.cloned.1.call-start
scs
__scs_entry_jumppad:
0x0: {  	(pc) =	sbr.rel $0x88, $3  }
0x1: {  	(tag) =	ssettag $0x0;
	lr =	simm.s32 $0x1  }
0x2: {  	[smem:$0x3F99] =	sst lr;
	_ =	strace $0xD0000000  }
0x3: {  	_ = 	snop  }
0x4: {  	_ = 	snop  }
0x5: {  	_ = 	snop  }
0x6: {  	_ = 	snop  }
0x7: {  	_ = 	snop  }
__scs_overlays_trampoline_lowered:
0x8: {  	[smem:$0x3FA8] =	sst s0  }
0x9: {  	[smem:$0x3FA9] =	sst s1  }
0xa: {  	[smem:$0x3FAA] =	sst s2  }
0xb: {  	[smem:$0x3FAB] =	sst s3  }
0xc: {  	[smem:$0x3FAC] =	sst s4  }
0xd: {  	[smem:$0x3FAD] =	sst s5  }
0xe: {  	[smem:$0x3FAE] =	sst s6  }
0xf: {  	[smem:$0x3FAF] =	sst s7  }
0x10: {  	[smem:$0x3FB0] =	sst s8  }
0x11: {  	[smem:$0x3FB1] =	sst s9;
	s0 =	simm.s32 @!p0 $0x0  }
0x12: {  	s1 =	sld [smem:$0x3F97];
	s0 =	simm.s32 @p0 $0x1  }
0x13: {  	[smem:$0x3FB2] =	sst s0;
	s0 =	simm.s32 @!p1 $0x0  }
0x14: {  	s2 =	sld [smem:$0x3F96];
	s0 =	simm.s32 @p1 $0x1  }
0x15: {  	[smem:$0x3FB3] =	sst s0;
	s0 =	simm.s32 @!p2 $0x0  }
0x16: {  	s3 =	sld [smem:$0x3FDB];
	s0 =	simm.s32 @p2 $0x1  }
0x17: {  	s4 =	simm.s32 $0x1BF5;
	[smem:$0x3FB5] =	sst s0  }
0x18: {  	s0 =	sld [smem:$0x3F98];
	_ =	swait.ge [sflag:s4], $0x0  }
0x19: {  	s7 =	sld [smem:$0x3F99]  }
0x1a: {  	s8 =	sadd.s32 $0xFFFFE003, lr  }
0x1b: {  	s9 =	sadd.s32 $0xFFFFFEF7, lr;
	s5 =	simm.s32 $0xFFFFFFFF;
	p2 =	slt.u32 s8, $0xFFFFF086  }
0x1c: {  	p1 =	slt.u32 s9, $0xF7A;
	s5 =	simm.s32 @!p2 $0x0  }
0x1d: {  	s5 =	simm.s32 @p1 $0x1;
	p0 =	seq.s32 s7, s2  }
0x1e: {  	s7 =	smul.u32 @!p0 $0xF7A, s2;
	p2 =	seq.s32 @!p0 s5, $0x0  }
0x1f: {  	s9 =	smul.u32 $0xF7A, s1;
	s8 =	simm.s32 @!p0 $0x1BF5;
	p2 =	por !p2, p0  }
0x20: {  	[sflag:s8] =	ssyncset.s32 @!p0 $0xFFFFF086;
	s6 =	sadd.s32 @!p0 s3, s7;
	s7 =	simm.s32 @!p0 $0x108  }
0x21: {  	s3 =	sadd.s32 s3, s9;
	s6 =	sadd.s32 @!p0 $0x88, s6;
	s7 =	simm.s32 @p2 $0x1082  }
0x22: {  	[simem:s7], [sflag:s8] =	dma.local @!p0 [hbm:s6], $0xF7A  }
0x23: {  	s9 =	sor.u32 $0xD0000000, s2;
	s6 =	simm.s32 $0x108;
	_ =	swait.ge @!p0 [sflag:s8], $0x0  }
0x24: {  	s3 =	sadd.s32 $0x88, s3;
	s6 =	simm.s32 @!p1 $0x1082;
	[sflag:s4] =	ssyncset.s32 $0xFFFFF086  }
0x25: {  	[simem:s6], [sflag:s4] =	dma.local [hbm:s3], $0xF7A  }
0x26: {  	[smem:$0x3F99] =	sst s1;
	(tag) =	ssettag s2;
	_ =	strace s9  }
0x27: {  	s1 =	sld [smem:$0x3FA9]  }
0x28: {  	s2 =	sld [smem:$0x3FAA]  }
0x29: {  	s4 =	sld [smem:$0x3FAC]  }
0x2a: {  	p0 =	seq.s32 s5, $0x0;
	s5 =	sld [smem:$0x3FAD]  }
0x2b: {  	s6 =	sld [smem:$0x3FAE]  }
0x2c: {  	s7 =	sld [smem:$0x3FAF]  }
0x2d: {  	s3 =	simm.s32 $0x108;
	s8 =	sld [smem:$0x3FB0]  }
0x2e: {  	s3 =	simm.s32 @!p0 $0x1082;
	s9 =	sld [smem:$0x3FB1]  }
0x2f: {  	lr =	sadd.s32 s0, s3;
	s0 =	sld [smem:$0x3FA8]  }
0x30: {  	s3 =	sld [smem:$0x3FAB]  }
0x31: {  	[smem:$0x3FB4] =	sst s10  }
0x32: {  	s10 =	sld [smem:$0x3FB2];
	_ =	sdelay $0x3  }
0x33: {  	p0 =	seq.s32 s10, $0x1;
	s10 =	sld [smem:$0x3FB4];
	_ =	sdelay $0x3  }
0x34: {  	[smem:$0x3FB4] =	sst s10  }
0x35: {  	s10 =	sld [smem:$0x3FB3];
	_ =	sdelay $0x3  }
0x36: {  	p1 =	seq.s32 s10, $0x1;
	s10 =	sld [smem:$0x3FB4];
	_ =	sdelay $0x3  }
0x37: {  	[smem:$0x3FB4] =	sst s10  }
0x38: {  	s10 =	sld [smem:$0x3FB5]  }
0x39: {  	_ = 	snop;
	(pc) =	sbr.ind lr, $3  }
0x3a: {  	_ = 	snop  }
0x3b: {  	_ = 	snop  }
0x3c: {  	p2 =	seq.s32 s10, $0x1;
	s10 =	sld [smem:$0x3FB4]  }
0x3d: {  	_ =	shalt  }
0x3e: {  	_ =	shalt  }
0x3f: {  	_ =	shalt  }
0x40: {  	_ =	shalt  }
0x41: {  	_ =	shalt  }
0x42: {  	_ =	shalt  }
0x43: {  	_ =	shalt  }
0x44: {  	_ =	shalt  }
0x45: {  	_ =	shalt  }
0x46: {  	_ =	shalt  }
0x47: {  	_ =	shalt  }
0x48: {  	_ =	shalt  }
0x49: {  	_ =	shalt  }
0x4a: {  	_ =	shalt  }
0x4b: {  	_ =	shalt  }
0x4c: {  	_ =	shalt  }
0x4d: {  	_ =	shalt  }
0x4e: {  	_ =	shalt  }
0x4f: {  	_ =	shalt  }
0x50: {  	_ =	shalt  }
0x51: {  	_ =	shalt  }
0x52: {  	_ =	shalt  }
0x53: {  	_ =	shalt  }
0x54: {  	_ =	shalt  }
0x55: {  	_ =	shalt  }
0x56: {  	_ =	shalt  }
0x57: {  	_ =	shalt  }
0x58: {  	_ =	shalt  }
0x59: {  	_ =	shalt  }
0x5a: {  	_ =	shalt  }
0x5b: {  	_ =	shalt  }
0x5c: {  	_ =	shalt  }
0x5d: {  	_ =	shalt  }
0x5e: {  	_ =	shalt  }
0x5f: {  	_ =	shalt  }
0x60: {  	_ =	shalt  }
0x61: {  	_ =	shalt  }
0x62: {  	_ =	shalt  }
0x63: {  	_ =	shalt  }
0x64: {  	_ =	shalt  }
0x65: {  	_ =	shalt  }
0x66: {  	_ =	shalt  }
0x67: {  	_ =	shalt  }
0x68: {  	_ =	shalt  }
0x69: {  	_ =	shalt  }
0x6a: {  	_ =	shalt  }
0x6b: {  	_ =	shalt  }
0x6c: {  	_ =	shalt  }
0x6d: {  	_ =	shalt  }
0x6e: {  	_ =	shalt  }
0x6f: {  	_ =	shalt  }
0x70: {  	_ =	shalt  }
0x71: {  	_ =	shalt  }
0x72: {  	_ =	shalt  }
0x73: {  	_ =	shalt  }
0x74: {  	_ =	shalt  }
0x75: {  	_ =	shalt  }
0x76: {  	_ =	shalt  }
0x77: {  	_ =	shalt  }
0x78: {  	_ =	shalt  }
0x79: {  	_ =	shalt  }
0x7a: {  	_ =	shalt  }
0x7b: {  	_ =	shalt  }
0x7c: {  	_ =	shalt  }
0x7d: {  	_ =	shalt  }
0x7e: {  	_ =	shalt  }
0x7f: {  	_ =	shalt  }
0x80: {  	_ =	shalt  }
0x81: {  	_ =	shalt  }
0x82: {  	_ =	shalt  }
0x83: {  	_ =	shalt  }
0x84: {  	_ =	shalt  }
0x85: {  	_ =	shalt  }
0x86: {  	_ =	shalt  }
0x87: {  	_ =	shalt  }
.Lfunc_end0:
.L_simem_size_0:
called_computation.3_lowered:
.L_overlay_start_0:
0x88: {  	s2 =	sld [smem:$0x3FD9]  }
0x89: {  	s3 =	sld [smem:$0x3FFE];
	_ =	sdelay $0x1  }
0x8a: {  	s1 =	srdreg.scid  }
0x8b: {  	s0 =	sand.u32 $0x1, s1  }
0x8c: {  	s16 =	sshll.u32 s0, $0xA;
	s2 =	sadd.s32 s3, s2  }
0x8d: {  	s2 =	sadd.s32 s2, s16  }
0x8e: {  	[smem:$0x3FC0] =	sst s2  }
0x8f: {  	_ = 	snop  }
0x90: {  	(tm) =	ssettm $0x1  }
0x91: {  	s17 =	sld [smem:$0x3FFB];
	_ =	sdelay $0x3  }
0x92: {  	_ =	strace s17  }
0x93: {  	s2 =	sld [smem:$0x3FFC];
	_ =	sdelay $0x3  }
0x94: {  	_ =	strace s2  }
0x95: {  	s2 =	sld [smem:$0x3FFD];
	_ =	sdelay $0x3  }
0x96: {  	_ =	strace s2  }
0x97: {  	_ =	strace $0x8FFFFFFF  }
0x98: {  	s18 =	sld [smem:$0x3FDB];
	_ =	sdelay $0x1  }
0x99: {  	s19 =	simm.s32 $_scs_section_size  }
0x9a: {  	s4 =	simm.s32 $_size__tile_overlayer_lowered;
	s5 =	simm.s32 $_tile_overlayer_lowered  }
0x9b: {  	s22 =	simm.s32 $0x1BFF;
	s21 =	sshll.u32 s5, $0x1;
	s2 =	sadd.s32 s19, s18  }
0x9c: {  	s6 =	simm.s32 $0x0;
	s20 =	sshll.u32 s4, $0x1;
	s4 =	sadd.s32 s21, s2  }
0x9d: {  	[timem:s6], [sflag:s22] =	dma.local [hbm:s4], s20  }
0x9e: {  	_ =	swait.ge [sflag:s22], s20  }
0x9f: {  	s3 =	ssub.s32 $0x0, s20;
	[sflag:s22] =	ssyncset.done $0x0  }
0xa0: {  	[sflag:s22] =	ssyncadd.s32 s3;
	_ =	sdelay $0x1  }
0xa1: {  	s23 =	simm.s32 $0x1B8B  }
0xa2: {  	_ =	swait.ge [sflag:s23], $0x1  }
0xa3: {  	[sflag:s23] =	ssyncset.done $0x0  }
0xa4: {  	s25 =	simm.s32 $0x1B8E;
	s24 =	sld [smem:$0x3FFE];
	[sflag:s23] =	ssyncadd.s32 $0xFFFFFFFF  }
0xa5: {  	s26 =	simm.s32 $execute0_lowered;
	[smem:$0x3FD2] =	sst s25  }
0xa6: {  	s4 =	sshll.u32 s26, $0x1;
	_ =	strace $0x8000004F;
	[dreg:$0x1] =	wrdreg $0xFFFFFFFF  }
0xa7: {  	s28 =	simm.s32 $_size_execute0_lowered;
	s2 =	sadd.s32 s2, s4;
	[dreg:$0x0] =	wrdreg $0x0  }
0xa8: {  	s4 =	sshll.u32 s28, $0x1;
	[dreg:$0x2] =	wrdreg s2  }
0xa9: {  	[dreg:$0x3] =	wrdreg s4  }
0xaa: {  	[dreg:$0x4] =	wrdreg $0xC0  }
0xab: {  	_ =	task [dreg:s6], $0x5FFFF  }
0xac: {  	[dreg:$0x1] =	wrdreg $0xFFFFFFFF  }
0xad: {  	[dreg:$0x0] =	wrdreg $0x60  }
0xae: {  	[dreg:$0x2] =	wrdreg s24  }
0xaf: {  	[dreg:$0x3] =	wrdreg $0x120000  }
0xb0: {  	[dreg:$0x4] =	wrdreg $0x9  }
0xb1: {  	_ =	task.clear_ibuf [dreg:s6], $0x5FFFF;
	_ =	strace $0x9000004F  }
0xb2: {  	s29 =	simm.s32 $0x9;
	_ =	strace $0x80000051  }
0xb3: {  	_ =	swait.ge [sflag:s29], $0x1  }
0xb4: {  	[sflag:s29] =	ssyncadd.s32 $0xFFFFFFFF  }
0xb5: {  	_ =	strace $0x90000051  }
0xb6: {  	_ =	sfence  }
0xb7: {  	s30 =	sld [smem:$0x0];
	_ =	sdelay $0x2  }
0xb8: {  	s31 =	sshll.u32 s1, $0xD;
	s1 =	sshrl.u32 s1, $0x2  }
0xb9: {  	s3 =	sand.u32 $0x4000, s31;
	s1 =	sadd.s32 s1, s30  }
0xba: {  	s0 =	sor.u32 s3, s0;
	s1 =	sshll.u32 s1, $0x11  }
0xbb: {  	s0 =	sor.u32 s1, s0  }
0xbc: {  	s0 =	sadd.s32 $0x8F2B, s0  }
0xbd: {  	[sflag:s0] =	ssyncadd.remote.s32 $0x1  }
0xbe: {  	_ =	sfence.sel $0xFFFF  }
0xbf: {  	[dreg:$0x0] =	wrdreg $0xFFFFFFFF;
	(pc) =	sbr.abs _section_cstart, $3  }
0xc0: {  	[dreg:$0x1] =	wrdreg $0xFFFFFFFF  }
0xc1: {  	_ =	task.clear_ibuf [dreg:s6], $0x2FFFF;
	_ =	strace $0x9FFFFFFF  }
0xc2: {  	(tm) =	ssettm $0x7FFFFFFF  }
0xc3: {  	_ =	shalt  }
tec
execute0_lowered:
.L_overlay_start_1:
0x0: {  	(tag) =	ssettag $0x1  }
0x1: {  	s0 =	rddreg [dreg:$0x0];
	s7 =	stileid.u32  }
0x2: {  	s1 =	srdreg.scid;
	s2 =	rddreg [dreg:$0x1]  }
0x3: {  	s3 =	simm.s32 $0x0;
	s11 =	simm.s32 $0x9;
	s13 =	simm.s32 $0x80  }
0x4: {  	s14 =	simm.s32 $0xA000;
	s15 =	simm.s32 $0xC000;
	s17 =	simm.s32 $0xE000  }
0x5: {  	s19 =	simm.s32 $0x10000;
	s20 =	simm.s32 $0x1;
	s21 =	simm.s32 $0x2  }
0x6: {  	s22 =	simm.s32 $0x3;
	s23 =	simm.s32 $0x4;
	s25 =	simm.s32 $0x5  }
0x7: {  	s28 =	simm.s32 $0x7;
	s29 =	simm.s32 $0x8;
	s4 =	smul.u32 $0xA00, s7  }
0x8: {  	s31 =	simm.s32 $0x9E80;
	s1 =	sand.u32 $0x1, s1;
	s6 =	smul.u32 $0xA000, s7  }
0x9: {  	[smem:$0x7FF] =	sst s3;
	s30 =	sshll.u32 s7, $0x6;
	s5 =	smul.u32 $0x14000, s1  }
0xa: {  	s1 =	ssub.s32 $0x2, s1;
	_ =	strace $0x80000050;
	s8 =	sadd.s32 s4, s0  }
0xb: {  	s26 =	sshrl.u32 s1, $0x1;
	s10 =	sadd.s32 s6, s2;
	s12 =	sshrl.u32 s6, $0x3  }
0xc: {  	s6 =	sor.u32 $0x1C09, s30;
	s0 =	sadd.s32 s5, s0;
	s1 =	ssub.s32 s1, s26  }
0xd: {  	s7 =	sadd.s32 $0xBE00, s8;
	s8 =	sadd.s32 $0x1E00, s8;
	s10 =	sshrl.u32 s10, $0x3  }
0xe: {  	s26 =	simm.s32 $0x6;
	s4 =	sadd.s32 $0x15E00, s0;
	s0 =	sadd.s32 $0x8DE00, s0  }
0xf: {  	s9 =	smax.u32 s1, $0x1;
	s1 =	simm.s32 $0x9F00;
	s5 =	sadd.s32 s12, s4  }
0x10: {  	s24 =	sadd.s32 s12, s0;
	s0 =	simm.s32 $0x9F80;
	s12 =	simm.s32 $0x0  }
.LBB2_1:
0x11: {  	[spmem:s10], [sflag:s6] =	dma.local [hbm:s5], $0x1400  }
0x12: {  	_ =	swait.ge [sflag:s11], $0x1400  }
0x13: {  	[sflag:s11] =	ssyncset.done $0x0  }
0x14: {  	[sflag:s11] =	ssyncadd.s32 $0xFFFFEC00  }
0x15: {  	[tilespmem:s3], [sflag:$0x9] =	stream.linear.gather [hbm4b:s7+s3], $0x5000, $0x38;
	[tilespmem:$0x1C000] =	vst v63  }
0x16: {  	_ =	swait.ge [sflag:s11], $0x5000  }
0x17: {  	[sflag:s11] =	ssyncset.done $0x0  }
0x18: {  	s16 =	simm.s32 $0x5000;
	[sflag:s11] =	ssyncadd.s32 $0xFFFFB000  }
0x19: {  	[tilespmem:s16], [sflag:$0x9] =	stream.linear.gather [hbm4b:s8+s3], $0x5000, $0x38;
	[tilespmem:$0x1C000] =	vst v63  }
0x1a: {  	_ =	swait.ge [sflag:s11], $0x5000  }
0x1b: {  	[sflag:s11] =	ssyncset.done $0x0  }
0x1c: {  	[sflag:s11] =	ssyncadd.s32 $0xFFFFB000  }
0x1d: {  	[bflag:$0x0] =	sbarrier.arrive $0xFFFF  }
0x1e: {  	[tilespmem:s14], [sflag:$0x1] =	stream.indirect.gather [hbm4b:s4+s13], $0x40, s3, s13, $0xb8;
	[tilespmem:$0x1C000] =	vst v63  }
0x1f: {  	_ = 	snop  }
0x20: {  	[tilespmem:s15], [sflag:$0x2] =	stream.indirect.gather [hbm4b:s4+s13], $0x40, s13, s13, $0xb8;
	[tilespmem:$0x1C000] =	vst v63  }
0x21: {  	s30 =	simm.s32 $0x100  }
0x22: {  	[tilespmem:s17], [sflag:$0x3] =	stream.indirect.gather [hbm4b:s4+s13], $0x40, s30, s13, $0xb8;
	[tilespmem:$0x1C000] =	vst v63  }
0x23: {  	s18 =	simm.s32 $0x180  }
0x24: {  	[tilespmem:s19], [sflag:$0x4] =	stream.indirect.gather [hbm4b:s4+s13], $0x40, s18, s13, $0xb8;
	[tilespmem:$0x1C000] =	vst v63  }
0x25: {  	_ =	swait.ge [sflag:s20], $0x2000  }
0x26: {  	[sflag:s20] =	ssyncset.done $0x0  }
0x27: {  	s30 =	simm.s32 $0x5000;
	[sflag:s20] =	ssyncadd.s32 $0xFFFFE000  }
0x28: {  	[spmem:s2] =	stream.indirect.scatter.add.f32 [tilespmem:s14], [sflag:$0x5], $0x40, s30, s13, $0xb8;
	[tilespmem:$0x1C000] =	vst v63  }
0x29: {  	_ =	swait.ge [sflag:s21], $0x2000  }
0x2a: {  	[sflag:s21] =	ssyncset.done $0x0  }
0x2b: {  	s18 =	simm.s32 $0x5080;
	[sflag:s21] =	ssyncadd.s32 $0xFFFFE000  }
0x2c: {  	[spmem:s2] =	stream.indirect.scatter.add.f32 [tilespmem:s15], [sflag:$0x6], $0x40, s18, s13, $0xb8;
	[tilespmem:$0x1C000] =	vst v63  }
0x2d: {  	_ =	swait.ge [sflag:s22], $0x2000  }
0x2e: {  	[sflag:s22] =	ssyncset.done $0x0  }
0x2f: {  	s30 =	simm.s32 $0x5100;
	[sflag:s22] =	ssyncadd.s32 $0xFFFFE000  }
0x30: {  	[spmem:s2] =	stream.indirect.scatter.add.f32 [tilespmem:s17], [sflag:$0x7], $0x40, s30, s13, $0xb8;
	[tilespmem:$0x1C000] =	vst v63  }
0x31: {  	_ =	swait.ge [sflag:s23], $0x2000  }
0x32: {  	[sflag:s23] =	ssyncset.done $0x0  }
0x33: {  	s18 =	simm.s32 $0x5180;
	[sflag:s23] =	ssyncadd.s32 $0xFFFFE000  }
0x34: {  	[spmem:s2] =	stream.indirect.scatter.add.f32 [tilespmem:s19], [sflag:$0x8], $0x40, s18, s13, $0xb8;
	[tilespmem:$0x1C000] =	vst v63  }
0x35: {  	_ =	swait.ge [sflag:s25], $0x2000  }
0x36: {  	[sflag:s25] =	ssyncset.done $0x0  }
0x37: {  	s30 =	simm.s32 $0x200;
	[sflag:s25] =	ssyncadd.s32 $0xFFFFE000  }
0x38: {  	[tilespmem:s14], [sflag:$0x1] =	stream.indirect.gather [hbm4b:s4+s13], $0x40, s30, s13, $0xb8;
	[tilespmem:$0x1C000] =	vst v63  }
0x39: {  	_ =	swait.ge [sflag:s26], $0x2000  }
0x3a: {  	[sflag:s26] =	ssyncset.done $0x0  }
0x3b: {  	s18 =	simm.s32 $0x280;
	[sflag:s26] =	ssyncadd.s32 $0xFFFFE000  }
0x3c: {  	[tilespmem:s15], [sflag:$0x2] =	stream.indirect.gather [hbm4b:s4+s13], $0x40, s18, s13, $0xb8;
	[tilespmem:$0x1C000] =	vst v63  }
0x3d: {  	_ =	swait.ge [sflag:s28], $0x2000  }
0x3e: {  	[sflag:s28] =	ssyncset.done $0x0  }
0x3f: {  	s30 =	simm.s32 $0x300;
	[sflag:s28] =	ssyncadd.s32 $0xFFFFE000  }
0x40: {  	[tilespmem:s17], [sflag:$0x3] =	stream.indirect.gather [hbm4b:s4+s13], $0x40, s30, s13, $0xb8;
	[tilespmem:$0x1C000] =	vst v63  }
0x41: {  	_ =	swait.ge [sflag:s29], $0x2000  }
0x42: {  	[sflag:s29] =	ssyncset.done $0x0  }
0x43: {  	s16 =	simm.s32 $0x800;
	s18 =	simm.s32 $0x380;
	[sflag:s29] =	ssyncadd.s32 $0xFFFFE000  }
.LBB2_2:
0x44: {  	[tilespmem:s19], [sflag:$0x4] =	stream.indirect.gather [hbm4b:s4+s13], $0x40, s18, s13, $0xb8;
	[tilespmem:$0x1C000] =	vst v63  }
0x45: {  	s18 =	smov.u32 s16  }
0x46: {  	p0 =	sne.s32 s16, $0x13000;
	s16 =	sadd.s32 $0x800, s16;
	_ =	swait.ge [sflag:s20], $0x2000  }
0x47: {  	s18 =	sshra.s32 s18, $0x2;
	[sflag:s20] =	ssyncset.done $0x0  }
0x48: {  	s30 =	sadd.s32 $0x5000, s18;
	[sflag:s20] =	ssyncadd.s32 $0xFFFFE000  }
0x49: {  	[spmem:s2] =	stream.indirect.scatter.add.f32 [tilespmem:s14], [sflag:$0x5], $0x40, s30, s13, $0xb8;
	[tilespmem:$0x1C000] =	vst v63  }
0x4a: {  	_ =	swait.ge [sflag:s21], $0x2000  }
0x4b: {  	[sflag:s21] =	ssyncset.done $0x0  }
0x4c: {  	s30 =	sadd.s32 $0x5080, s18;
	[sflag:s21] =	ssyncadd.s32 $0xFFFFE000  }
0x4d: {  	[spmem:s2] =	stream.indirect.scatter.add.f32 [tilespmem:s15], [sflag:$0x6], $0x40, s30, s13, $0xb8;
	[tilespmem:$0x1C000] =	vst v63  }
0x4e: {  	_ =	swait.ge [sflag:s22], $0x2000  }
0x4f: {  	[sflag:s22] =	ssyncset.done $0x0  }
0x50: {  	s30 =	sadd.s32 $0x5100, s18;
	[sflag:s22] =	ssyncadd.s32 $0xFFFFE000  }
0x51: {  	[spmem:s2] =	stream.indirect.scatter.add.f32 [tilespmem:s17], [sflag:$0x7], $0x40, s30, s13, $0xb8;
	[tilespmem:$0x1C000] =	vst v63  }
0x52: {  	_ =	swait.ge [sflag:s23], $0x2000  }
0x53: {  	[sflag:s23] =	ssyncset.done $0x0  }
0x54: {  	s30 =	sadd.s32 $0x5180, s18;
	[sflag:s23] =	ssyncadd.s32 $0xFFFFE000  }
0x55: {  	[spmem:s2] =	stream.indirect.scatter.add.f32 [tilespmem:s19], [sflag:$0x8], $0x40, s30, s13, $0xb8;
	[tilespmem:$0x1C000] =	vst v63  }
0x56: {  	_ =	swait.ge [sflag:s25], $0x2000  }
0x57: {  	[sflag:s25] =	ssyncset.done $0x0  }
0x58: {  	s30 =	sadd.s32 $0x200, s18;
	[sflag:s25] =	ssyncadd.s32 $0xFFFFE000  }
0x59: {  	[tilespmem:s14], [sflag:$0x1] =	stream.indirect.gather [hbm4b:s4+s13], $0x40, s30, s13, $0xb8;
	[tilespmem:$0x1C000] =	vst v63  }
0x5a: {  	_ =	swait.ge [sflag:s26], $0x2000  }
0x5b: {  	[sflag:s26] =	ssyncset.done $0x0  }
0x5c: {  	s30 =	sadd.s32 $0x280, s18;
	[sflag:s26] =	ssyncadd.s32 $0xFFFFE000  }
0x5d: {  	[tilespmem:s15], [sflag:$0x2] =	stream.indirect.gather [hbm4b:s4+s13], $0x40, s30, s13, $0xb8;
	[tilespmem:$0x1C000] =	vst v63  }
0x5e: {  	_ =	swait.ge [sflag:s28], $0x2000  }
0x5f: {  	[sflag:s28] =	ssyncset.done $0x0  }
.Ltmp0:
0x60: {  	s30 =	sadd.s32 $0x300, s18;
	[sflag:s28] =	ssyncadd.s32 $0xFFFFE000;
	(pc) =	sbr.rel @p0 .LBB2_2-.Ltmp0, $4  }
0x61: {  	[tilespmem:s17], [sflag:$0x3] =	stream.indirect.gather [hbm4b:s4+s13], $0x40, s30, s13, $0xb8;
	[tilespmem:$0x1C000] =	vst v63  }
0x62: {  	_ =	swait.ge [sflag:s29], $0x2000  }
0x63: {  	[sflag:s29] =	ssyncset.done $0x0  }
0x64: {  	s18 =	sadd.s32 $0x380, s18;
	[sflag:s29] =	ssyncadd.s32 $0xFFFFE000  }
0x65: {  	[tilespmem:s19], [sflag:$0x4] =	stream.indirect.gather [hbm4b:s4+s13], $0x40, s18, s13, $0xb8;
	[tilespmem:$0x1C000] =	vst v63  }
0x66: {  	_ =	swait.ge [sflag:s20], $0x2000  }
0x67: {  	[sflag:s20] =	ssyncset.done $0x0  }
0x68: {  	s16 =	simm.s32 $0x9E00;
	[sflag:s20] =	ssyncadd.s32 $0xFFFFE000  }
0x69: {  	[spmem:s2] =	stream.indirect.scatter.add.f32 [tilespmem:s14], [sflag:$0x5], $0x40, s16, s13, $0xb8;
	[tilespmem:$0x1C000] =	vst v63  }
0x6a: {  	_ =	swait.ge [sflag:s21], $0x2000  }
0x6b: {  	[sflag:s21] =	ssyncset.done $0x0  }
0x6c: {  	[sflag:s21] =	ssyncadd.s32 $0xFFFFE000  }
0x6d: {  	[spmem:s2] =	stream.indirect.scatter.add.f32 [tilespmem:s15], [sflag:$0x6], $0x40, s31, s13, $0xb8;
	[tilespmem:$0x1C000] =	vst v63  }
0x6e: {  	_ =	swait.ge [sflag:s22], $0x2000  }
0x6f: {  	[sflag:s22] =	ssyncset.done $0x0  }
0x70: {  	[sflag:s22] =	ssyncadd.s32 $0xFFFFE000  }
0x71: {  	[spmem:s2] =	stream.indirect.scatter.add.f32 [tilespmem:s17], [sflag:$0x7], $0x40, s1, s13, $0xb8;
	[tilespmem:$0x1C000] =	vst v63  }
0x72: {  	_ =	swait.ge [sflag:s23], $0x2000  }
0x73: {  	[sflag:s23] =	ssyncset.done $0x0  }
0x74: {  	[sflag:s23] =	ssyncadd.s32 $0xFFFFE000  }
0x75: {  	[spmem:s2] =	stream.indirect.scatter.add.f32 [tilespmem:s19], [sflag:$0x8], $0x40, s0, s13, $0xb8;
	[tilespmem:$0x1C000] =	vst v63  }
0x76: {  	_ =	swait.ge [sflag:s25], $0x2000  }
0x77: {  	[sflag:s25] =	ssyncset.done $0x0  }
0x78: {  	[sflag:s25] =	ssyncadd.s32 $0xFFFFE000  }
0x79: {  	_ =	swait.ge [sflag:s26], $0x2000  }
0x7a: {  	[sflag:s26] =	ssyncset.done $0x0  }
0x7b: {  	[sflag:s26] =	ssyncadd.s32 $0xFFFFE000  }
0x7c: {  	_ =	swait.ge [sflag:s28], $0x2000  }
0x7d: {  	[sflag:s28] =	ssyncset.done $0x0  }
0x7e: {  	[sflag:s28] =	ssyncadd.s32 $0xFFFFE000  }
0x7f: {  	_ =	swait.ge [sflag:s29], $0x2000  }
0x80: {  	s12 =	sadd.s32 $0x1, s12;
	[sflag:s29] =	ssyncset.done $0x0  }
0x81: {  	p0 =	sne.s32 s12, s9;
	[sflag:s29] =	ssyncadd.s32 $0xFFFFE000  }
.Ltmp1:
0x82: {  	[bflag:$0x0] =	sbarrier.arrive $0xFFFF;
	(pc) =	sbr.rel @p0 .LBB2_1-.Ltmp1, $4  }
0x83: {  	[hbm:s24], [sflag:s6] =	dma.local [spmem:s10], $0x1400  }
0x84: {  	_ =	swait.ge [sflag:s11], $0x1400  }
0x85: {  	[sflag:s11] =	ssyncset.done $0x0  }
0x86: {  	[sflag:s11] =	ssyncadd.s32 $0xFFFFEC00  }
0x87: {  	_ =	sfence.sel $0x180000  }
0x88: {  	[bflag:$0x0] =	sbarrier.arrive $0xFFFF  }
0x89: {  	_ =	strace $0x90000050  }
0x8a: {  	s0 =	stileid.u32;
	[bflag:$0x2] =	sbarrier.arrive $0xFFFF  }
0x8b: {  	p0 =	sne.s32 s0, $0x0;
	s0 =	rddreg [dreg:$0x2]  }
0x8c: {  	s0 =	sadd.s32 @!p0 $0x100000, s0  }
0x8d: {  	[sflag:s0] =	ssyncadd.tile.s32 @!p0 $0x1;
	_ =	shalt  }
.Lfunc_end2:
_tile_overlayer_lowered:
.L_overlay_start_2:
0x8e: {  	(tag) =	ssettag $0x2  }
0x8f: {  	s0 =	rddreg [dreg:$0x0];
	s2 =	stileid.u32  }
0x90: {  	s1 =	rddreg [dreg:$0x1];
	p0 =	sne.s32 s2, $0x0  }
0x91: {  	s3 =	rddreg [dreg:$0x2];
	[bflag:$0x3] =	sbarrier.arrive $0xFFFF;
	s2 =	simm.s32 @!p0 $0x1C09  }
0x92: {  	[timem:s3], [sflag:s2] =	dma.local @!p0 [hbm:s0], s1  }
0x93: {  	s0 =	simm.s32 @!p0 $0x9  }
0x94: {  	_ =	swait.ge @!p0 [sflag:s0], s1  }
0x95: {  	s1 =	ssub.s32 @!p0 $0x0, s1;
	[sflag:s0] =	ssyncset.done @!p0 $0x0  }
0x96: {  	[sflag:s0] =	ssyncadd.s32 @!p0 s1  }
0x97: {  	[bflag:$0x3] =	sbarrier.arrive $0xFFFF  }
0x98: {  	_ =	shalt  }

</sc_bundles>
